<compile_context>
chip_gen: v7x
topology: tpu7x:2x2x1
jax: 0.10.2.dev20260603
libtpu: 0.0.44.dev20260713+nightly
codegen_flags: <defaults>
</compile_context>

<pallas_src>
import functools

import jax
import jax.numpy as jnp
from jax import lax
from jax.experimental import pallas as pl
from jax.experimental.pallas import tpu as pltpu
from jax.experimental.pallas import tpu_sc as plsc

B = 4096
T = 200
D = 64
NC = 2
NS = 16
NW = NC * NS

BLK = B // NW
LANES = 16
GROUPS = D // LANES


@functools.partial(
    pl.kernel,
    out_type=jax.ShapeDtypeStruct((T, D // 8, NW, 8 * BLK), jnp.float32),
    mesh=plsc.VectorSubcoreMesh(core_axis_name="c", subcore_axis_name="s"),
    scratch_types=[
        pltpu.VMEM((T, BLK), jnp.int32),
        pltpu.VMEM((T, D), jnp.float32),
        pltpu.VMEM((BLK, D), jnp.float32),
        pltpu.VMEM((BLK, D), jnp.float32),
        pltpu.VMEM((BLK, D), jnp.float32),
        pltpu.VMEM((BLK, D), jnp.float32),
        pltpu.VMEM((BLK, D + 1), jnp.float32),
        pltpu.VMEM((D * BLK,), jnp.float32),
        pltpu.VMEM((D * BLK,), jnp.float32),
        pltpu.SemaphoreType.DMA,
        pltpu.SemaphoreType.DMA,
        pltpu.SemaphoreType.DMA,
        pltpu.SemaphoreType.DMA,
        pltpu.SemaphoreType.DMA,
        pltpu.SemaphoreType.DMA,
    ],
    compiler_params=pltpu.CompilerParams(use_tc_tiling_on_sc=False,
                                         needs_layout_passes=False),
)
def _emb_kernel(idx_hbm, table_hbm, pos_hbm, out_hbm, idx_v, pos_v,
                buf0, buf1, buf2, buf3, pad_v, tile0, tile1,
                gsem0, gsem1, gsem2, gsem3, ssem0, ssem1):
    cid = lax.axis_index("c")
    sid = lax.axis_index("s")
    wid = sid * NC + cid
    bufs = (buf0, buf1, buf2, buf3)
    tiles = (tile0, tile1)
    gsems = (gsem0, gsem1, gsem2, gsem3)
    ssems = (ssem0, ssem1)

    pltpu.sync_copy(idx_hbm.at[:, pl.ds(wid * BLK, BLK)], idx_v)
    pltpu.sync_copy(pos_hbm, pos_v)

    iota = lax.iota(jnp.int32, LANES)
    row_c = [blk * LANES + iota for blk in range(BLK // LANES)]

    def gather(t, b):
        pltpu.make_async_copy(
            table_hbm.at[idx_v.at[t]], bufs[b], gsems[b]).start()

    def gather_wait(t, b):
        pltpu.make_async_copy(
            table_hbm.at[idx_v.at[t]], bufs[b], gsems[b]).wait()

    def store(t, b):
        for dt in range(D // 8):
            pltpu.make_async_copy(
                tiles[b].at[pl.ds(dt * 8 * BLK, 8 * BLK)],
                out_hbm.at[t, dt, wid], ssems[b]).start()

    def store_wait(t, b):
        for dt in range(D // 8):
            pltpu.make_async_copy(
                tiles[b].at[pl.ds(dt * 8 * BLK, 8 * BLK)],
                out_hbm.at[t, dt, wid], ssems[b]).wait()

    def transpose_add(t, b, tb):
        buf = bufs[b]
        tile = tiles[tb]
        pv = [pos_v[t, pl.ds(g * LANES, LANES)] for g in range(GROUPS)]

        @plsc.parallel_loop(0, BLK, unroll=2)
        def _bl(bl):
            for g in range(GROUPS):
                v = buf[bl, pl.ds(g * LANES, LANES)] + pv[g]
                pad_v[bl, pl.ds(g * LANES, LANES)] = v

        @plsc.parallel_loop(0, D, unroll=2)
        def _d(d):
            dv = lax.full((LANES,), d, jnp.int32)
            fbase = (lax.shift_left(lax.shift_right_logical(d, 3), 10)
                     + lax.shift_left(lax.bitwise_and(d, 7), 7))
            for blk in range(BLK // LANES):
                v = plsc.load_gather(pad_v, [row_c[blk], dv])
                tile[pl.ds(fbase + blk * LANES, LANES)] = v

    gather(0, 0)
    gather(1, 1)
    gather(2, 2)

    def outer(oi, carry):
        for b in range(4):
            t = oi * 4 + b
            tb = b & 1

            @pl.when(t + 3 < T)
            def _fire_next():
                gather(t + 3, (b + 3) & 3)

            gather_wait(t, b)

            @pl.when(t >= 2)
            def _drain_store():
                store_wait(t - 2, tb)

            transpose_add(t, b, tb)
            store(t, tb)
        return carry

    lax.fori_loop(0, T // 4, outer, 0)
    store_wait(T - 2, 0)
    store_wait(T - 1, 1)


def kernel(tokens, token_table, position_embedding):
    idx = tokens.T.astype(jnp.int32)
    out4 = _emb_kernel(idx, token_table, position_embedding)
    out = (out4.reshape(T, D // 8, NW, 8, BLK)
           .transpose(2, 4, 0, 1, 3)
           .reshape(B, T, D))
    return out

# --- scband reference (transcript-rebuilt; emitter-appended) ---
"""Pipeline reference for scband-clipembedding-77309411918 (READ-ONLY COPY).

The authoritative reference and input builder live on the scoring server;
editing this copy changes nothing except your own understanding.
"""

import jax, jax.numpy as jnp
import numpy as np

VOCAB = 100000
EMBED_DIM = 64
N_TOKENS = 200
BATCH = 4096

def setup_inputs(seed: int = 0) -> dict:
    key = jax.random.key(seed)
    k1, k2, k3 = jax.random.split(key, 3)
    tokens = jax.random.randint(k1, (BATCH, N_TOKENS), 0, VOCAB, dtype=jnp.int64 if jax.config.jax_enable_x64 else jnp.int32)
    token_table = jax.random.normal(k2, (VOCAB, EMBED_DIM), dtype=jnp.float32) * 0.02
    position_embedding = jnp.zeros((N_TOKENS, EMBED_DIM), dtype=jnp.float32)
    return {"tokens": tokens, "token_table": token_table, "position_embedding": position_embedding}

def reference(tokens, token_table, position_embedding):
    # token embedding lookup (gather rows) followed by broadcast-add of position embedding
    x = jnp.take(token_table, tokens, axis=0)  # [B, T, D]
    x = x + position_embedding  # broadcast over batch
    return x

if __name__ == "__main__":
    import jax
    _d = setup_inputs()
    print(jax.jit(kernel)(*tuple(_d.values())))

</pallas_src>

<mosaic_0001>
#map = affine_map<(d0, d1) -> (0, 0)>
#map1 = affine_map<(d0, d1) -> (0, 0, 0, 0)>
module attributes {stable_mosaic.version = 14 : i64} {
  func.func @_emb_kernel(%arg0: i32, %arg1: i32, %arg2: memref<200x4096xi32, #tpu.memory_space<hbm>>, %arg3: memref<100000x64xf32, #tpu.memory_space<hbm>>, %arg4: memref<200x64xf32, #tpu.memory_space<hbm>>, %arg5: memref<200x8x32x1024xf32, #tpu.memory_space<hbm>>, %arg6: memref<200x128xi32, #tpu.memory_space<vmem>>, %arg7: memref<200x64xf32, #tpu.memory_space<vmem>>, %arg8: memref<128x64xf32, #tpu.memory_space<vmem>>, %arg9: memref<128x64xf32, #tpu.memory_space<vmem>>, %arg10: memref<128x64xf32, #tpu.memory_space<vmem>>, %arg11: memref<128x64xf32, #tpu.memory_space<vmem>>, %arg12: memref<128x65xf32, #tpu.memory_space<vmem>>, %arg13: memref<8192xf32, #tpu.memory_space<vmem>>, %arg14: memref<8192xf32, #tpu.memory_space<vmem>>, %arg15: memref<!tpu.dma_semaphore, #tpu.memory_space<semaphore_mem>>, %arg16: memref<!tpu.dma_semaphore, #tpu.memory_space<semaphore_mem>>, %arg17: memref<!tpu.dma_semaphore, #tpu.memory_space<semaphore_mem>>, %arg18: memref<!tpu.dma_semaphore, #tpu.memory_space<semaphore_mem>>, %arg19: memref<!tpu.dma_semaphore, #tpu.memory_space<semaphore_mem>>, %arg20: memref<!tpu.dma_semaphore, #tpu.memory_space<semaphore_mem>>) attributes {dimension_semantics = [#tpu.dimension_semantics<core_parallel>, #tpu.dimension_semantics<subcore_parallel>], iteration_bounds = array<i64: 2, 16>, scalar_prefetch = 0 : i64, scratch_operands = 15 : i64, tpu.core_type = #tpu.core_type<sc_vector_subcore>, window_params = [{transform_indices = #map}, {transform_indices = #map}, {transform_indices = #map}, {transform_indices = #map1}]} {
    %mul3A = arith.constant 2 : i32
    %mul3A_0 = arith.muli %arg1, %mul3A : i32
    %add3A = arith.addi %mul3A_0, %arg0 : i32
    %mul3A_1 = arith.constant 128 : i32
    %mul3A_2 = arith.muli %add3A, %mul3A_1 : i32
    "tpu.region"() ({
      %run_scoped3A = tpu.sem_alloc : memref<!tpu.dma_semaphore, #tpu.memory_space<semaphore_mem>>
      %dma_start3A_243 = arith.constant 0 : i32
      %dma_start3A_244 = tpu.memref_slice %arg2[%dma_start3A_243, %mul3A_2] : memref<200x4096xi32, #tpu.memory_space<hbm>> -> memref<200x128xi32, #tpu.memory_space<hbm>>
      %dma_start3A_245 = arith.constant 0 : i32
      %dma_start3A_246 = tpu.memref_slice %arg2[%dma_start3A_245, %mul3A_2] : memref<200x4096xi32, #tpu.memory_space<hbm>> -> memref<200x128xi32, #tpu.memory_space<hbm>>
      tpu.enqueue_dma source(%dma_start3A_246 : memref<200x128xi32, #tpu.memory_space<hbm>>) target(%arg6 : memref<200x128xi32, #tpu.memory_space<vmem>>) target_semaphore(%run_scoped3A : memref<!tpu.dma_semaphore, #tpu.memory_space<semaphore_mem>>)
      %dma_wait3A_247 = arith.constant 0 : i32
      %dma_wait3A_248 = tpu.memref_slice %arg2[%dma_wait3A_247, %mul3A_2] : memref<200x4096xi32, #tpu.memory_space<hbm>> -> memref<200x128xi32, #tpu.memory_space<hbm>>
      %dma_wait3A_249 = arith.constant 0 : i32
      %dma_wait3A_250 = tpu.memref_slice %arg2[%dma_wait3A_249, %mul3A_2] : memref<200x4096xi32, #tpu.memory_space<hbm>> -> memref<200x128xi32, #tpu.memory_space<hbm>>
      tpu.wait_dma2 semaphore(%run_scoped3A : memref<!tpu.dma_semaphore, #tpu.memory_space<semaphore_mem>>) src(%dma_wait3A_250 : memref<200x128xi32, #tpu.memory_space<hbm>>) dst(%arg6 : memref<200x128xi32, #tpu.memory_space<vmem>>)
      tpu.yield
    }) : () -> ()
    "tpu.region"() ({
      %run_scoped3A = tpu.sem_alloc : memref<!tpu.dma_semaphore, #tpu.memory_space<semaphore_mem>>
      tpu.enqueue_dma source(%arg4 : memref<200x64xf32, #tpu.memory_space<hbm>>) target(%arg7 : memref<200x64xf32, #tpu.memory_space<vmem>>) target_semaphore(%run_scoped3A : memref<!tpu.dma_semaphore, #tpu.memory_space<semaphore_mem>>)
      tpu.wait_dma2 semaphore(%run_scoped3A : memref<!tpu.dma_semaphore, #tpu.memory_space<semaphore_mem>>) src(%arg4 : memref<200x64xf32, #tpu.memory_space<hbm>>) dst(%arg7 : memref<200x64xf32, #tpu.memory_space<vmem>>)
      tpu.yield
    }) : () -> ()
    %iota3A = tpu.iota {dimensions = array<i32: 0>} : vector<16xi32>
    %add3A_3 = arith.constant 0 : i32
    %add3A_4 = vector.broadcast %add3A_3 : i32 to vector<16xi32>
    %add3A_5 = arith.addi %add3A_4, %iota3A : vector<16xi32>
    %add3A_6 = arith.constant 16 : i32
    %add3A_7 = vector.broadcast %add3A_6 : i32 to vector<16xi32>
    %add3A_8 = arith.addi %add3A_7, %iota3A : vector<16xi32>
    %add3A_9 = arith.constant 32 : i32
    %add3A_10 = vector.broadcast %add3A_9 : i32 to vector<16xi32>
    %add3A_11 = arith.addi %add3A_10, %iota3A : vector<16xi32>
    %add3A_12 = arith.constant 48 : i32
    %add3A_13 = vector.broadcast %add3A_12 : i32 to vector<16xi32>
    %add3A_14 = arith.addi %add3A_13, %iota3A : vector<16xi32>
    %add3A_15 = arith.constant 64 : i32
    %add3A_16 = vector.broadcast %add3A_15 : i32 to vector<16xi32>
    %add3A_17 = arith.addi %add3A_16, %iota3A : vector<16xi32>
    %add3A_18 = arith.constant 80 : i32
    %add3A_19 = vector.broadcast %add3A_18 : i32 to vector<16xi32>
    %add3A_20 = arith.addi %add3A_19, %iota3A : vector<16xi32>
    %add3A_21 = arith.constant 96 : i32
    %add3A_22 = vector.broadcast %add3A_21 : i32 to vector<16xi32>
    %add3A_23 = arith.addi %add3A_22, %iota3A : vector<16xi32>
    %add3A_24 = arith.constant 112 : i32
    %add3A_25 = vector.broadcast %add3A_24 : i32 to vector<16xi32>
    %add3A_26 = arith.addi %add3A_25, %iota3A : vector<16xi32>
    %dma_start3A = arith.constant 0 : i32
    %dma_start3A_27 = arith.constant 0 : i32
    %dma_start3A_28 = tpu.memref_slice %arg6[%dma_start3A, %dma_start3A_27] : memref<200x128xi32, #tpu.memory_space<vmem>> -> memref<1x128xi32, #tpu.memory_space<vmem>>
    %dma_start3A_29 = tpu.memref_squeeze %dma_start3A_28 : memref<1x128xi32, #tpu.memory_space<vmem>> -> memref<128xi32, #tpu.memory_space<vmem>>
    %dma_start3A_30 = arith.constant 0 : i32
    %dma_start3A_31 = arith.constant 0 : i32
    %dma_start3A_32 = tpu.memref_slice %arg3[%dma_start3A_30, %dma_start3A_31] : memref<100000x64xf32, #tpu.memory_space<hbm>> -> memref<100000x64xf32, #tpu.memory_space<hbm>>
    tpu.enqueue_indirect_dma source(%dma_start3A_32 : memref<100000x64xf32, #tpu.memory_space<hbm>>) target(%arg8 : memref<128x64xf32, #tpu.memory_space<vmem>>) offsets(%dma_start3A_29 : memref<128xi32, #tpu.memory_space<vmem>>) semaphore(%arg15 : memref<!tpu.dma_semaphore, #tpu.memory_space<semaphore_mem>>)
    %dma_start3A_33 = arith.constant 1 : i32
    %dma_start3A_34 = arith.constant 0 : i32
    %dma_start3A_35 = tpu.memref_slice %arg6[%dma_start3A_33, %dma_start3A_34] : memref<200x128xi32, #tpu.memory_space<vmem>> -> memref<1x128xi32, #tpu.memory_space<vmem>>
    %dma_start3A_36 = tpu.memref_squeeze %dma_start3A_35 : memref<1x128xi32, #tpu.memory_space<vmem>> -> memref<128xi32, #tpu.memory_space<vmem>>
    %dma_start3A_37 = arith.constant 0 : i32
    %dma_start3A_38 = arith.constant 0 : i32
    %dma_start3A_39 = tpu.memref_slice %arg3[%dma_start3A_37, %dma_start3A_38] : memref<100000x64xf32, #tpu.memory_space<hbm>> -> memref<100000x64xf32, #tpu.memory_space<hbm>>
    tpu.enqueue_indirect_dma source(%dma_start3A_39 : memref<100000x64xf32, #tpu.memory_space<hbm>>) target(%arg9 : memref<128x64xf32, #tpu.memory_space<vmem>>) offsets(%dma_start3A_36 : memref<128xi32, #tpu.memory_space<vmem>>) semaphore(%arg16 : memref<!tpu.dma_semaphore, #tpu.memory_space<semaphore_mem>>)
    %dma_start3A_40 = arith.constant 2 : i32
    %dma_start3A_41 = arith.constant 0 : i32
    %dma_start3A_42 = tpu.memref_slice %arg6[%dma_start3A_40, %dma_start3A_41] : memref<200x128xi32, #tpu.memory_space<vmem>> -> memref<1x128xi32, #tpu.memory_space<vmem>>
    %dma_start3A_43 = tpu.memref_squeeze %dma_start3A_42 : memref<1x128xi32, #tpu.memory_space<vmem>> -> memref<128xi32, #tpu.memory_space<vmem>>
    %dma_start3A_44 = arith.constant 0 : i32
    %dma_start3A_45 = arith.constant 0 : i32
    %dma_start3A_46 = tpu.memref_slice %arg3[%dma_start3A_44, %dma_start3A_45] : memref<100000x64xf32, #tpu.memory_space<hbm>> -> memref<100000x64xf32, #tpu.memory_space<hbm>>
    tpu.enqueue_indirect_dma source(%dma_start3A_46 : memref<100000x64xf32, #tpu.memory_space<hbm>>) target(%arg10 : memref<128x64xf32, #tpu.memory_space<vmem>>) offsets(%dma_start3A_43 : memref<128xi32, #tpu.memory_space<vmem>>) semaphore(%arg17 : memref<!tpu.dma_semaphore, #tpu.memory_space<semaphore_mem>>)
    %scan3A = arith.constant 0 : i32
    %scan3A_47 = arith.constant 0 : i32
    %scan3A_48 = arith.constant 50 : i32
    %scan3A_49 = arith.addi %scan3A_47, %scan3A_48 : i32
    %scan3A_50 = arith.constant 1 : i32
    scf.for %scan3A_243 = %scan3A_47 to %scan3A_49 step %scan3A_50  : i32 {
      %mul3A_244 = arith.constant 4 : i32
      %mul3A_245 = arith.muli %scan3A_243, %mul3A_244 : i32
      %add3A_246 = arith.constant 0 : i32
      %add3A_247 = arith.addi %mul3A_245, %add3A_246 : i32
      %add3A_248 = arith.constant 3 : i32
      %add3A_249 = arith.addi %add3A_247, %add3A_248 : i32
      %lt3A = arith.constant 200 : i32
      %lt3A_250 = arith.cmpi slt, %add3A_249, %lt3A : i32
      %convert_element_type3A = arith.extui %lt3A_250 : i1 to i32
      %cond3A = arith.constant 0 : i32
      %cond3A_251 = arith.cmpi ne, %convert_element_type3A, %cond3A : i32
      scf.if %cond3A_251 {
        %add3A_750 = arith.constant 3 : i32
        %add3A_751 = arith.addi %add3A_247, %add3A_750 : i32
        %dma_start3A_752 = arith.constant 0 : i32
        %dma_start3A_753 = tpu.memref_slice %arg6[%add3A_751, %dma_start3A_752] : memref<200x128xi32, #tpu.memory_space<vmem>> -> memref<1x128xi32, #tpu.memory_space<vmem>>
        %dma_start3A_754 = tpu.memref_squeeze %dma_start3A_753 : memref<1x128xi32, #tpu.memory_space<vmem>> -> memref<128xi32, #tpu.memory_space<vmem>>
        %dma_start3A_755 = arith.constant 0 : i32
        %dma_start3A_756 = arith.constant 0 : i32
        %dma_start3A_757 = tpu.memref_slice %arg3[%dma_start3A_755, %dma_start3A_756] : memref<100000x64xf32, #tpu.memory_space<hbm>> -> memref<100000x64xf32, #tpu.memory_space<hbm>>
        tpu.enqueue_indirect_dma source(%dma_start3A_757 : memref<100000x64xf32, #tpu.memory_space<hbm>>) target(%arg11 : memref<128x64xf32, #tpu.memory_space<vmem>>) offsets(%dma_start3A_754 : memref<128xi32, #tpu.memory_space<vmem>>) semaphore(%arg18 : memref<!tpu.dma_semaphore, #tpu.memory_space<semaphore_mem>>)
      } else {
      }
      %dma_wait3A_252 = arith.constant 0 : i32
      %dma_wait3A_253 = tpu.memref_slice %arg6[%add3A_247, %dma_wait3A_252] : memref<200x128xi32, #tpu.memory_space<vmem>> -> memref<1x128xi32, #tpu.memory_space<vmem>>
      %dma_wait3A_254 = tpu.memref_squeeze %dma_wait3A_253 : memref<1x128xi32, #tpu.memory_space<vmem>> -> memref<128xi32, #tpu.memory_space<vmem>>
      %dma_wait3A_255 = arith.constant 0 : i32
      %dma_wait3A_256 = arith.constant 0 : i32
      %dma_wait3A_257 = tpu.memref_slice %arg3[%dma_wait3A_255, %dma_wait3A_256] : memref<100000x64xf32, #tpu.memory_space<hbm>> -> memref<100000x64xf32, #tpu.memory_space<hbm>>
      tpu.wait_indirect_dma semaphore(%arg15 : memref<!tpu.dma_semaphore, #tpu.memory_space<semaphore_mem>>) src(%dma_wait3A_257 : memref<100000x64xf32, #tpu.memory_space<hbm>>) dst(%arg8 : memref<128x64xf32, #tpu.memory_space<vmem>>)
      %ge3A = arith.constant 2 : i32
      %ge3A_258 = arith.cmpi sge, %add3A_247, %ge3A : i32
      %convert_element_type3A_259 = arith.extui %ge3A_258 : i1 to i32
      %cond3A_260 = arith.constant 0 : i32
      %cond3A_261 = arith.cmpi ne, %convert_element_type3A_259, %cond3A_260 : i32
      scf.if %cond3A_261 {
        %sub3A = arith.constant 2 : i32
        %sub3A_750 = arith.subi %add3A_247, %sub3A : i32
        %dma_wait3A_751 = arith.constant 0 : i32
        %dma_wait3A_752 = arith.constant 0 : i32
        %dma_wait3A_753 = tpu.memref_slice %arg13[%dma_wait3A_752] : memref<8192xf32, #tpu.memory_space<vmem>> -> memref<1024xf32, #tpu.memory_space<vmem>>
        %dma_wait3A_754 = arith.constant 0 : i32
        %dma_wait3A_755 = tpu.memref_slice %arg5[%sub3A_750, %dma_wait3A_751, %add3A, %dma_wait3A_754] : memref<200x8x32x1024xf32, #tpu.memory_space<hbm>> -> memref<1x1x1x1024xf32, #tpu.memory_space<hbm>>
        %dma_wait3A_756 = tpu.memref_squeeze %dma_wait3A_755 : memref<1x1x1x1024xf32, #tpu.memory_space<hbm>> -> memref<1024xf32, #tpu.memory_space<hbm>>
        %dma_wait3A_757 = arith.constant 0 : i32
        %dma_wait3A_758 = tpu.memref_slice %arg5[%sub3A_750, %dma_wait3A_751, %add3A, %dma_wait3A_757] : memref<200x8x32x1024xf32, #tpu.memory_space<hbm>> -> memref<1x1x1x1024xf32, #tpu.memory_space<hbm>>
        %dma_wait3A_759 = tpu.memref_squeeze %dma_wait3A_758 : memref<1x1x1x1024xf32, #tpu.memory_space<hbm>> -> memref<1024xf32, #tpu.memory_space<hbm>>
        %dma_wait3A_760 = arith.constant 0 : i32
        %dma_wait3A_761 = tpu.memref_slice %arg13[%dma_wait3A_760] : memref<8192xf32, #tpu.memory_space<vmem>> -> memref<1024xf32, #tpu.memory_space<vmem>>
        tpu.wait_dma2 semaphore(%arg19 : memref<!tpu.dma_semaphore, #tpu.memory_space<semaphore_mem>>) src(%dma_wait3A_761 : memref<1024xf32, #tpu.memory_space<vmem>>) dst(%dma_wait3A_759 : memref<1024xf32, #tpu.memory_space<hbm>>)
        %dma_wait3A_762 = arith.constant 1 : i32
        %dma_wait3A_763 = arith.constant 1024 : i32
        %dma_wait3A_764 = tpu.memref_slice %arg13[%dma_wait3A_763] : memref<8192xf32, #tpu.memory_space<vmem>> -> memref<1024xf32, #tpu.memory_space<vmem>>
        %dma_wait3A_765 = arith.constant 0 : i32
        %dma_wait3A_766 = tpu.memref_slice %arg5[%sub3A_750, %dma_wait3A_762, %add3A, %dma_wait3A_765] : memref<200x8x32x1024xf32, #tpu.memory_space<hbm>> -> memref<1x1x1x1024xf32, #tpu.memory_space<hbm>>
        %dma_wait3A_767 = tpu.memref_squeeze %dma_wait3A_766 : memref<1x1x1x1024xf32, #tpu.memory_space<hbm>> -> memref<1024xf32, #tpu.memory_space<hbm>>
        %dma_wait3A_768 = arith.constant 0 : i32
        %dma_wait3A_769 = tpu.memref_slice %arg5[%sub3A_750, %dma_wait3A_762, %add3A, %dma_wait3A_768] : memref<200x8x32x1024xf32, #tpu.memory_space<hbm>> -> memref<1x1x1x1024xf32, #tpu.memory_space<hbm>>
        %dma_wait3A_770 = tpu.memref_squeeze %dma_wait3A_769 : memref<1x1x1x1024xf32, #tpu.memory_space<hbm>> -> memref<1024xf32, #tpu.memory_space<hbm>>
        %dma_wait3A_771 = arith.constant 1024 : i32
        %dma_wait3A_772 = tpu.memref_slice %arg13[%dma_wait3A_771] : memref<8192xf32, #tpu.memory_space<vmem>> -> memref<1024xf32, #tpu.memory_space<vmem>>
        tpu.wait_dma2 semaphore(%arg19 : memref<!tpu.dma_semaphore, #tpu.memory_space<semaphore_mem>>) src(%dma_wait3A_772 : memref<1024xf32, #tpu.memory_space<vmem>>) dst(%dma_wait3A_770 : memref<1024xf32, #tpu.memory_space<hbm>>)
        %dma_wait3A_773 = arith.constant 2 : i32
        %dma_wait3A_774 = arith.constant 2048 : i32
        %dma_wait3A_775 = tpu.memref_slice %arg13[%dma_wait3A_774] : memref<8192xf32, #tpu.memory_space<vmem>> -> memref<1024xf32, #tpu.memory_space<vmem>>
        %dma_wait3A_776 = arith.constant 0 : i32
        %dma_wait3A_777 = tpu.memref_slice %arg5[%sub3A_750, %dma_wait3A_773, %add3A, %dma_wait3A_776] : memref<200x8x32x1024xf32, #tpu.memory_space<hbm>> -> memref<1x1x1x1024xf32, #tpu.memory_space<hbm>>
        %dma_wait3A_778 = tpu.memref_squeeze %dma_wait3A_777 : memref<1x1x1x1024xf32, #tpu.memory_space<hbm>> -> memref<1024xf32, #tpu.memory_space<hbm>>
        %dma_wait3A_779 = arith.constant 0 : i32
        %dma_wait3A_780 = tpu.memref_slice %arg5[%sub3A_750, %dma_wait3A_773, %add3A, %dma_wait3A_779] : memref<200x8x32x1024xf32, #tpu.memory_space<hbm>> -> memref<1x1x1x1024xf32, #tpu.memory_space<hbm>>
        %dma_wait3A_781 = tpu.memref_squeeze %dma_wait3A_780 : memref<1x1x1x1024xf32, #tpu.memory_space<hbm>> -> memref<1024xf32, #tpu.memory_space<hbm>>
        %dma_wait3A_782 = arith.constant 2048 : i32
        %dma_wait3A_783 = tpu.memref_slice %arg13[%dma_wait3A_782] : memref<8192xf32, #tpu.memory_space<vmem>> -> memref<1024xf32, #tpu.memory_space<vmem>>
        tpu.wait_dma2 semaphore(%arg19 : memref<!tpu.dma_semaphore, #tpu.memory_space<semaphore_mem>>) src(%dma_wait3A_783 : memref<1024xf32, #tpu.memory_space<vmem>>) dst(%dma_wait3A_781 : memref<1024xf32, #tpu.memory_space<hbm>>)
        %dma_wait3A_784 = arith.constant 3 : i32
        %dma_wait3A_785 = arith.constant 3072 : i32
        %dma_wait3A_786 = tpu.memref_slice %arg13[%dma_wait3A_785] : memref<8192xf32, #tpu.memory_space<vmem>> -> memref<1024xf32, #tpu.memory_space<vmem>>
        %dma_wait3A_787 = arith.constant 0 : i32
        %dma_wait3A_788 = tpu.memref_slice %arg5[%sub3A_750, %dma_wait3A_784, %add3A, %dma_wait3A_787] : memref<200x8x32x1024xf32, #tpu.memory_space<hbm>> -> memref<1x1x1x1024xf32, #tpu.memory_space<hbm>>
        %dma_wait3A_789 = tpu.memref_squeeze %dma_wait3A_788 : memref<1x1x1x1024xf32, #tpu.memory_space<hbm>> -> memref<1024xf32, #tpu.memory_space<hbm>>
        %dma_wait3A_790 = arith.constant 0 : i32
        %dma_wait3A_791 = tpu.memref_slice %arg5[%sub3A_750, %dma_wait3A_784, %add3A, %dma_wait3A_790] : memref<200x8x32x1024xf32, #tpu.memory_space<hbm>> -> memref<1x1x1x1024xf32, #tpu.memory_space<hbm>>
        %dma_wait3A_792 = tpu.memref_squeeze %dma_wait3A_791 : memref<1x1x1x1024xf32, #tpu.memory_space<hbm>> -> memref<1024xf32, #tpu.memory_space<hbm>>
        %dma_wait3A_793 = arith.constant 3072 : i32
        %dma_wait3A_794 = tpu.memref_slice %arg13[%dma_wait3A_793] : memref<8192xf32, #tpu.memory_space<vmem>> -> memref<1024xf32, #tpu.memory_space<vmem>>
        tpu.wait_dma2 semaphore(%arg19 : memref<!tpu.dma_semaphore, #tpu.memory_space<semaphore_mem>>) src(%dma_wait3A_794 : memref<1024xf32, #tpu.memory_space<vmem>>) dst(%dma_wait3A_792 : memref<1024xf32, #tpu.memory_space<hbm>>)
        %dma_wait3A_795 = arith.constant 4 : i32
        %dma_wait3A_796 = arith.constant 4096 : i32
        %dma_wait3A_797 = tpu.memref_slice %arg13[%dma_wait3A_796] : memref<8192xf32, #tpu.memory_space<vmem>> -> memref<1024xf32, #tpu.memory_space<vmem>>
        %dma_wait3A_798 = arith.constant 0 : i32
        %dma_wait3A_799 = tpu.memref_slice %arg5[%sub3A_750, %dma_wait3A_795, %add3A, %dma_wait3A_798] : memref<200x8x32x1024xf32, #tpu.memory_space<hbm>> -> memref<1x1x1x1024xf32, #tpu.memory_space<hbm>>
        %dma_wait3A_800 = tpu.memref_squeeze %dma_wait3A_799 : memref<1x1x1x1024xf32, #tpu.memory_space<hbm>> -> memref<1024xf32, #tpu.memory_space<hbm>>
        %dma_wait3A_801 = arith.constant 0 : i32
        %dma_wait3A_802 = tpu.memref_slice %arg5[%sub3A_750, %dma_wait3A_795, %add3A, %dma_wait3A_801] : memref<200x8x32x1024xf32, #tpu.memory_space<hbm>> -> memref<1x1x1x1024xf32, #tpu.memory_space<hbm>>
        %dma_wait3A_803 = tpu.memref_squeeze %dma_wait3A_802 : memref<1x1x1x1024xf32, #tpu.memory_space<hbm>> -> memref<1024xf32, #tpu.memory_space<hbm>>
        %dma_wait3A_804 = arith.constant 4096 : i32
        %dma_wait3A_805 = tpu.memref_slice %arg13[%dma_wait3A_804] : memref<8192xf32, #tpu.memory_space<vmem>> -> memref<1024xf32, #tpu.memory_space<vmem>>
        tpu.wait_dma2 semaphore(%arg19 : memref<!tpu.dma_semaphore, #tpu.memory_space<semaphore_mem>>) src(%dma_wait3A_805 : memref<1024xf32, #tpu.memory_space<vmem>>) dst(%dma_wait3A_803 : memref<1024xf32, #tpu.memory_space<hbm>>)
        %dma_wait3A_806 = arith.constant 5 : i32
        %dma_wait3A_807 = arith.constant 5120 : i32
        %dma_wait3A_808 = tpu.memref_slice %arg13[%dma_wait3A_807] : memref<8192xf32, #tpu.memory_space<vmem>> -> memref<1024xf32, #tpu.memory_space<vmem>>
        %dma_wait3A_809 = arith.constant 0 : i32
        %dma_wait3A_810 = tpu.memref_slice %arg5[%sub3A_750, %dma_wait3A_806, %add3A, %dma_wait3A_809] : memref<200x8x32x1024xf32, #tpu.memory_space<hbm>> -> memref<1x1x1x1024xf32, #tpu.memory_space<hbm>>
        %dma_wait3A_811 = tpu.memref_squeeze %dma_wait3A_810 : memref<1x1x1x1024xf32, #tpu.memory_space<hbm>> -> memref<1024xf32, #tpu.memory_space<hbm>>
        %dma_wait3A_812 = arith.constant 0 : i32
        %dma_wait3A_813 = tpu.memref_slice %arg5[%sub3A_750, %dma_wait3A_806, %add3A, %dma_wait3A_812] : memref<200x8x32x1024xf32, #tpu.memory_space<hbm>> -> memref<1x1x1x1024xf32, #tpu.memory_space<hbm>>
        %dma_wait3A_814 = tpu.memref_squeeze %dma_wait3A_813 : memref<1x1x1x1024xf32, #tpu.memory_space<hbm>> -> memref<1024xf32, #tpu.memory_space<hbm>>
        %dma_wait3A_815 = arith.constant 5120 : i32
        %dma_wait3A_816 = tpu.memref_slice %arg13[%dma_wait3A_815] : memref<8192xf32, #tpu.memory_space<vmem>> -> memref<1024xf32, #tpu.memory_space<vmem>>
        tpu.wait_dma2 semaphore(%arg19 : memref<!tpu.dma_semaphore, #tpu.memory_space<semaphore_mem>>) src(%dma_wait3A_816 : memref<1024xf32, #tpu.memory_space<vmem>>) dst(%dma_wait3A_814 : memref<1024xf32, #tpu.memory_space<hbm>>)
        %dma_wait3A_817 = arith.constant 6 : i32
        %dma_wait3A_818 = arith.constant 6144 : i32
        %dma_wait3A_819 = tpu.memref_slice %arg13[%dma_wait3A_818] : memref<8192xf32, #tpu.memory_space<vmem>> -> memref<1024xf32, #tpu.memory_space<vmem>>
        %dma_wait3A_820 = arith.constant 0 : i32
        %dma_wait3A_821 = tpu.memref_slice %arg5[%sub3A_750, %dma_wait3A_817, %add3A, %dma_wait3A_820] : memref<200x8x32x1024xf32, #tpu.memory_space<hbm>> -> memref<1x1x1x1024xf32, #tpu.memory_space<hbm>>
        %dma_wait3A_822 = tpu.memref_squeeze %dma_wait3A_821 : memref<1x1x1x1024xf32, #tpu.memory_space<hbm>> -> memref<1024xf32, #tpu.memory_space<hbm>>
        %dma_wait3A_823 = arith.constant 0 : i32
        %dma_wait3A_824 = tpu.memref_slice %arg5[%sub3A_750, %dma_wait3A_817, %add3A, %dma_wait3A_823] : memref<200x8x32x1024xf32, #tpu.memory_space<hbm>> -> memref<1x1x1x1024xf32, #tpu.memory_space<hbm>>
        %dma_wait3A_825 = tpu.memref_squeeze %dma_wait3A_824 : memref<1x1x1x1024xf32, #tpu.memory_space<hbm>> -> memref<1024xf32, #tpu.memory_space<hbm>>
        %dma_wait3A_826 = arith.constant 6144 : i32
        %dma_wait3A_827 = tpu.memref_slice %arg13[%dma_wait3A_826] : memref<8192xf32, #tpu.memory_space<vmem>> -> memref<1024xf32, #tpu.memory_space<vmem>>
        tpu.wait_dma2 semaphore(%arg19 : memref<!tpu.dma_semaphore, #tpu.memory_space<semaphore_mem>>) src(%dma_wait3A_827 : memref<1024xf32, #tpu.memory_space<vmem>>) dst(%dma_wait3A_825 : memref<1024xf32, #tpu.memory_space<hbm>>)
        %dma_wait3A_828 = arith.constant 7 : i32
        %dma_wait3A_829 = arith.constant 7168 : i32
        %dma_wait3A_830 = tpu.memref_slice %arg13[%dma_wait3A_829] : memref<8192xf32, #tpu.memory_space<vmem>> -> memref<1024xf32, #tpu.memory_space<vmem>>
        %dma_wait3A_831 = arith.constant 0 : i32
        %dma_wait3A_832 = tpu.memref_slice %arg5[%sub3A_750, %dma_wait3A_828, %add3A, %dma_wait3A_831] : memref<200x8x32x1024xf32, #tpu.memory_space<hbm>> -> memref<1x1x1x1024xf32, #tpu.memory_space<hbm>>
        %dma_wait3A_833 = tpu.memref_squeeze %dma_wait3A_832 : memref<1x1x1x1024xf32, #tpu.memory_space<hbm>> -> memref<1024xf32, #tpu.memory_space<hbm>>
        %dma_wait3A_834 = arith.constant 0 : i32
        %dma_wait3A_835 = tpu.memref_slice %arg5[%sub3A_750, %dma_wait3A_828, %add3A, %dma_wait3A_834] : memref<200x8x32x1024xf32, #tpu.memory_space<hbm>> -> memref<1x1x1x1024xf32, #tpu.memory_space<hbm>>
        %dma_wait3A_836 = tpu.memref_squeeze %dma_wait3A_835 : memref<1x1x1x1024xf32, #tpu.memory_space<hbm>> -> memref<1024xf32, #tpu.memory_space<hbm>>
        %dma_wait3A_837 = arith.constant 7168 : i32
        %dma_wait3A_838 = tpu.memref_slice %arg13[%dma_wait3A_837] : memref<8192xf32, #tpu.memory_space<vmem>> -> memref<1024xf32, #tpu.memory_space<vmem>>
        tpu.wait_dma2 semaphore(%arg19 : memref<!tpu.dma_semaphore, #tpu.memory_space<semaphore_mem>>) src(%dma_wait3A_838 : memref<1024xf32, #tpu.memory_space<vmem>>) dst(%dma_wait3A_836 : memref<1024xf32, #tpu.memory_space<hbm>>)
      } else {
      }
      %get3A = arith.index_cast %add3A_247 : i32 to index
      %get3A_262 = arith.constant 0 : index
      %get3A_263 = tpu.vector_load %arg7[%get3A, %get3A_262] {strides = array<i32>} : memref<200x64xf32, #tpu.memory_space<vmem>>, vector<16xf32>,
      %get3A_264 = arith.index_cast %add3A_247 : i32 to index
      %get3A_265 = arith.constant 16 : index
      %get3A_266 = tpu.vector_load %arg7[%get3A_264, %get3A_265] {strides = array<i32>} : memref<200x64xf32, #tpu.memory_space<vmem>>, vector<16xf32>,
      %get3A_267 = arith.index_cast %add3A_247 : i32 to index
      %get3A_268 = arith.constant 32 : index
      %get3A_269 = tpu.vector_load %arg7[%get3A_267, %get3A_268] {strides = array<i32>} : memref<200x64xf32, #tpu.memory_space<vmem>>, vector<16xf32>,
      %get3A_270 = arith.index_cast %add3A_247 : i32 to index
      %get3A_271 = arith.constant 48 : index
      %get3A_272 = tpu.vector_load %arg7[%get3A_270, %get3A_271] {strides = array<i32>} : memref<200x64xf32, #tpu.memory_space<vmem>>, vector<16xf32>,
      %parallel_loop3A = arith.constant 0 : i32
      %parallel_loop3A_273 = arith.constant 128 : i32
      %parallel_loop3A_274 = arith.constant 1 : i32
      scf.for %parallel_loop3A_750 = %parallel_loop3A to %parallel_loop3A_273 step %parallel_loop3A_274  : i32 {
        %parallel_loop3A_751 = arith.index_cast %parallel_loop3A_750 : i32 to index
        %parallel_loop3A_752 = arith.constant 0 : index
        %parallel_loop3A_753 = tpu.vector_load %arg8[%parallel_loop3A_751, %parallel_loop3A_752] {strides = array<i32>} : memref<128x64xf32, #tpu.memory_space<vmem>>, vector<16xf32>,
        %parallel_loop3A_754 = arith.addf %parallel_loop3A_753, %get3A_263 : vector<16xf32>
        %parallel_loop3A_755 = arith.index_cast %parallel_loop3A_750 : i32 to index
        %parallel_loop3A_756 = arith.constant 0 : index
        %parallel_loop3A_757 = tpu.vector_load %arg12[%parallel_loop3A_755, %parallel_loop3A_756] {strides = array<i32>} : memref<128x65xf32, #tpu.memory_space<vmem>>, vector<16xf32>,
        tpu.vector_store %arg12[%parallel_loop3A_755, %parallel_loop3A_756], %parallel_loop3A_754 {strides = array<i32>} : memref<128x65xf32, #tpu.memory_space<vmem>>, vector<16xf32>,
        %parallel_loop3A_758 = arith.index_cast %parallel_loop3A_750 : i32 to index
        %parallel_loop3A_759 = arith.constant 16 : index
        %parallel_loop3A_760 = tpu.vector_load %arg8[%parallel_loop3A_758, %parallel_loop3A_759] {strides = array<i32>} : memref<128x64xf32, #tpu.memory_space<vmem>>, vector<16xf32>,
        %parallel_loop3A_761 = arith.addf %parallel_loop3A_760, %get3A_266 : vector<16xf32>
        %parallel_loop3A_762 = arith.index_cast %parallel_loop3A_750 : i32 to index
        %parallel_loop3A_763 = arith.constant 16 : index
        %parallel_loop3A_764 = tpu.vector_load %arg12[%parallel_loop3A_762, %parallel_loop3A_763] {strides = array<i32>} : memref<128x65xf32, #tpu.memory_space<vmem>>, vector<16xf32>,
        tpu.vector_store %arg12[%parallel_loop3A_762, %parallel_loop3A_763], %parallel_loop3A_761 {strides = array<i32>} : memref<128x65xf32, #tpu.memory_space<vmem>>, vector<16xf32>,
        %parallel_loop3A_765 = arith.index_cast %parallel_loop3A_750 : i32 to index
        %parallel_loop3A_766 = arith.constant 32 : index
        %parallel_loop3A_767 = tpu.vector_load %arg8[%parallel_loop3A_765, %parallel_loop3A_766] {strides = array<i32>} : memref<128x64xf32, #tpu.memory_space<vmem>>, vector<16xf32>,
        %parallel_loop3A_768 = arith.addf %parallel_loop3A_767, %get3A_269 : vector<16xf32>
        %parallel_loop3A_769 = arith.index_cast %parallel_loop3A_750 : i32 to index
        %parallel_loop3A_770 = arith.constant 32 : index
        %parallel_loop3A_771 = tpu.vector_load %arg12[%parallel_loop3A_769, %parallel_loop3A_770] {strides = array<i32>} : memref<128x65xf32, #tpu.memory_space<vmem>>, vector<16xf32>,
        tpu.vector_store %arg12[%parallel_loop3A_769, %parallel_loop3A_770], %parallel_loop3A_768 {strides = array<i32>} : memref<128x65xf32, #tpu.memory_space<vmem>>, vector<16xf32>,
        %parallel_loop3A_772 = arith.index_cast %parallel_loop3A_750 : i32 to index
        %parallel_loop3A_773 = arith.constant 48 : index
        %parallel_loop3A_774 = tpu.vector_load %arg8[%parallel_loop3A_772, %parallel_loop3A_773] {strides = array<i32>} : memref<128x64xf32, #tpu.memory_space<vmem>>, vector<16xf32>,
        %parallel_loop3A_775 = arith.addf %parallel_loop3A_774, %get3A_272 : vector<16xf32>
        %parallel_loop3A_776 = arith.index_cast %parallel_loop3A_750 : i32 to index
        %parallel_loop3A_777 = arith.constant 48 : index
        %parallel_loop3A_778 = tpu.vector_load %arg12[%parallel_loop3A_776, %parallel_loop3A_777] {strides = array<i32>} : memref<128x65xf32, #tpu.memory_space<vmem>>, vector<16xf32>,
        tpu.vector_store %arg12[%parallel_loop3A_776, %parallel_loop3A_777], %parallel_loop3A_775 {strides = array<i32>} : memref<128x65xf32, #tpu.memory_space<vmem>>, vector<16xf32>,
      } {sc.loop_unroll_factor = 2 : i64, sc.parallel_access}
      %parallel_loop3A_275 = arith.constant 0 : i32
      %parallel_loop3A_276 = arith.constant 64 : i32
      %parallel_loop3A_277 = arith.constant 1 : i32
      scf.for %parallel_loop3A_750 = %parallel_loop3A_275 to %parallel_loop3A_276 step %parallel_loop3A_277  : i32 {
        %parallel_loop3A_751 = vector.broadcast %parallel_loop3A_750 : i32 to vector<16xi32>
        %parallel_loop3A_752 = arith.constant 3 : i32
        %parallel_loop3A_753 = arith.shrui %parallel_loop3A_750, %parallel_loop3A_752 : i32
        %parallel_loop3A_754 = arith.constant 10 : i32
        %parallel_loop3A_755 = arith.shli %parallel_loop3A_753, %parallel_loop3A_754 : i32
        %parallel_loop3A_756 = arith.constant 7 : i32
        %parallel_loop3A_757 = arith.andi %parallel_loop3A_750, %parallel_loop3A_756 : i32
        %parallel_loop3A_758 = arith.constant 7 : i32
        %parallel_loop3A_759 = arith.shli %parallel_loop3A_757, %parallel_loop3A_758 : i32
        %parallel_loop3A_760 = arith.addi %parallel_loop3A_755, %parallel_loop3A_759 : i32
        %parallel_loop3A_761 = tpu.vector_load_idx %arg12[%add3A_5, %parallel_loop3A_751] : memref<128x65xf32, #tpu.memory_space<vmem>>[vector<16xi32>, vector<16xi32>], vector<16xf32>,
        %parallel_loop3A_762 = arith.constant 0 : i32
        %parallel_loop3A_763 = arith.addi %parallel_loop3A_760, %parallel_loop3A_762 : i32
        %parallel_loop3A_764 = arith.index_cast %parallel_loop3A_763 : i32 to index
        %parallel_loop3A_765 = tpu.vector_load %arg13[%parallel_loop3A_764] {strides = array<i32>} : memref<8192xf32, #tpu.memory_space<vmem>>, vector<16xf32>,
        tpu.vector_store %arg13[%parallel_loop3A_764], %parallel_loop3A_761 {strides = array<i32>} : memref<8192xf32, #tpu.memory_space<vmem>>, vector<16xf32>,
        %parallel_loop3A_766 = tpu.vector_load_idx %arg12[%add3A_8, %parallel_loop3A_751] : memref<128x65xf32, #tpu.memory_space<vmem>>[vector<16xi32>, vector<16xi32>], vector<16xf32>,
        %parallel_loop3A_767 = arith.constant 16 : i32
        %parallel_loop3A_768 = arith.addi %parallel_loop3A_760, %parallel_loop3A_767 : i32
        %parallel_loop3A_769 = arith.index_cast %parallel_loop3A_768 : i32 to index
        %parallel_loop3A_770 = tpu.vector_load %arg13[%parallel_loop3A_769] {strides = array<i32>} : memref<8192xf32, #tpu.memory_space<vmem>>, vector<16xf32>,
        tpu.vector_store %arg13[%parallel_loop3A_769], %parallel_loop3A_766 {strides = array<i32>} : memref<8192xf32, #tpu.memory_space<vmem>>, vector<16xf32>,
        %parallel_loop3A_771 = tpu.vector_load_idx %arg12[%add3A_11, %parallel_loop3A_751] : memref<128x65xf32, #tpu.memory_space<vmem>>[vector<16xi32>, vector<16xi32>], vector<16xf32>,
        %parallel_loop3A_772 = arith.constant 32 : i32
        %parallel_loop3A_773 = arith.addi %parallel_loop3A_760, %parallel_loop3A_772 : i32
        %parallel_loop3A_774 = arith.index_cast %parallel_loop3A_773 : i32 to index
        %parallel_loop3A_775 = tpu.vector_load %arg13[%parallel_loop3A_774] {strides = array<i32>} : memref<8192xf32, #tpu.memory_space<vmem>>, vector<16xf32>,
        tpu.vector_store %arg13[%parallel_loop3A_774], %parallel_loop3A_771 {strides = array<i32>} : memref<8192xf32, #tpu.memory_space<vmem>>, vector<16xf32>,
        %parallel_loop3A_776 = tpu.vector_load_idx %arg12[%add3A_14, %parallel_loop3A_751] : memref<128x65xf32, #tpu.memory_space<vmem>>[vector<16xi32>, vector<16xi32>], vector<16xf32>,
        %parallel_loop3A_777 = arith.constant 48 : i32
        %parallel_loop3A_778 = arith.addi %parallel_loop3A_760, %parallel_loop3A_777 : i32
        %parallel_loop3A_779 = arith.index_cast %parallel_loop3A_778 : i32 to index
        %parallel_loop3A_780 = tpu.vector_load %arg13[%parallel_loop3A_779] {strides = array<i32>} : memref<8192xf32, #tpu.memory_space<vmem>>, vector<16xf32>,
        tpu.vector_store %arg13[%parallel_loop3A_779], %parallel_loop3A_776 {strides = array<i32>} : memref<8192xf32, #tpu.memory_space<vmem>>, vector<16xf32>,
        %parallel_loop3A_781 = tpu.vector_load_idx %arg12[%add3A_17, %parallel_loop3A_751] : memref<128x65xf32, #tpu.memory_space<vmem>>[vector<16xi32>, vector<16xi32>], vector<16xf32>,
        %parallel_loop3A_782 = arith.constant 64 : i32
        %parallel_loop3A_783 = arith.addi %parallel_loop3A_760, %parallel_loop3A_782 : i32
        %parallel_loop3A_784 = arith.index_cast %parallel_loop3A_783 : i32 to index
        %parallel_loop3A_785 = tpu.vector_load %arg13[%parallel_loop3A_784] {strides = array<i32>} : memref<8192xf32, #tpu.memory_space<vmem>>, vector<16xf32>,
        tpu.vector_store %arg13[%parallel_loop3A_784], %parallel_loop3A_781 {strides = array<i32>} : memref<8192xf32, #tpu.memory_space<vmem>>, vector<16xf32>,
        %parallel_loop3A_786 = tpu.vector_load_idx %arg12[%add3A_20, %parallel_loop3A_751] : memref<128x65xf32, #tpu.memory_space<vmem>>[vector<16xi32>, vector<16xi32>], vector<16xf32>,
        %parallel_loop3A_787 = arith.constant 80 : i32
        %parallel_loop3A_788 = arith.addi %parallel_loop3A_760, %parallel_loop3A_787 : i32
        %parallel_loop3A_789 = arith.index_cast %parallel_loop3A_788 : i32 to index
        %parallel_loop3A_790 = tpu.vector_load %arg13[%parallel_loop3A_789] {strides = array<i32>} : memref<8192xf32, #tpu.memory_space<vmem>>, vector<16xf32>,
        tpu.vector_store %arg13[%parallel_loop3A_789], %parallel_loop3A_786 {strides = array<i32>} : memref<8192xf32, #tpu.memory_space<vmem>>, vector<16xf32>,
        %parallel_loop3A_791 = tpu.vector_load_idx %arg12[%add3A_23, %parallel_loop3A_751] : memref<128x65xf32, #tpu.memory_space<vmem>>[vector<16xi32>, vector<16xi32>], vector<16xf32>,
        %parallel_loop3A_792 = arith.constant 96 : i32
        %parallel_loop3A_793 = arith.addi %parallel_loop3A_760, %parallel_loop3A_792 : i32
        %parallel_loop3A_794 = arith.index_cast %parallel_loop3A_793 : i32 to index
        %parallel_loop3A_795 = tpu.vector_load %arg13[%parallel_loop3A_794] {strides = array<i32>} : memref<8192xf32, #tpu.memory_space<vmem>>, vector<16xf32>,
        tpu.vector_store %arg13[%parallel_loop3A_794], %parallel_loop3A_791 {strides = array<i32>} : memref<8192xf32, #tpu.memory_space<vmem>>, vector<16xf32>,
        %parallel_loop3A_796 = tpu.vector_load_idx %arg12[%add3A_26, %parallel_loop3A_751] : memref<128x65xf32, #tpu.memory_space<vmem>>[vector<16xi32>, vector<16xi32>], vector<16xf32>,
        %parallel_loop3A_797 = arith.constant 112 : i32
        %parallel_loop3A_798 = arith.addi %parallel_loop3A_760, %parallel_loop3A_797 : i32
        %parallel_loop3A_799 = arith.index_cast %parallel_loop3A_798 : i32 to index
        %parallel_loop3A_800 = tpu.vector_load %arg13[%parallel_loop3A_799] {strides = array<i32>} : memref<8192xf32, #tpu.memory_space<vmem>>, vector<16xf32>,
        tpu.vector_store %arg13[%parallel_loop3A_799], %parallel_loop3A_796 {strides = array<i32>} : memref<8192xf32, #tpu.memory_space<vmem>>, vector<16xf32>,
      } {sc.loop_unroll_factor = 2 : i64, sc.parallel_access}
      %dma_start3A_278 = arith.constant 0 : i32
      %dma_start3A_279 = arith.constant 0 : i32
      %dma_start3A_280 = tpu.memref_slice %arg13[%dma_start3A_279] : memref<8192xf32, #tpu.memory_space<vmem>> -> memref<1024xf32, #tpu.memory_space<vmem>>
      %dma_start3A_281 = arith.constant 0 : i32
      %dma_start3A_282 = tpu.memref_slice %arg5[%add3A_247, %dma_start3A_278, %add3A, %dma_start3A_281] : memref<200x8x32x1024xf32, #tpu.memory_space<hbm>> -> memref<1x1x1x1024xf32, #tpu.memory_space<hbm>>
      %dma_start3A_283 = tpu.memref_squeeze %dma_start3A_282 : memref<1x1x1x1024xf32, #tpu.memory_space<hbm>> -> memref<1024xf32, #tpu.memory_space<hbm>>
      %dma_start3A_284 = arith.constant 0 : i32
      %dma_start3A_285 = tpu.memref_slice %arg5[%add3A_247, %dma_start3A_278, %add3A, %dma_start3A_284] : memref<200x8x32x1024xf32, #tpu.memory_space<hbm>> -> memref<1x1x1x1024xf32, #tpu.memory_space<hbm>>
      %dma_start3A_286 = tpu.memref_squeeze %dma_start3A_285 : memref<1x1x1x1024xf32, #tpu.memory_space<hbm>> -> memref<1024xf32, #tpu.memory_space<hbm>>
      %dma_start3A_287 = arith.constant 0 : i32
      %dma_start3A_288 = tpu.memref_slice %arg13[%dma_start3A_287] : memref<8192xf32, #tpu.memory_space<vmem>> -> memref<1024xf32, #tpu.memory_space<vmem>>
      tpu.enqueue_dma source(%dma_start3A_288 : memref<1024xf32, #tpu.memory_space<vmem>>) target(%dma_start3A_286 : memref<1024xf32, #tpu.memory_space<hbm>>) target_semaphore(%arg19 : memref<!tpu.dma_semaphore, #tpu.memory_space<semaphore_mem>>)
      %dma_start3A_289 = arith.constant 1 : i32
      %dma_start3A_290 = arith.constant 1024 : i32
      %dma_start3A_291 = tpu.memref_slice %arg13[%dma_start3A_290] : memref<8192xf32, #tpu.memory_space<vmem>> -> memref<1024xf32, #tpu.memory_space<vmem>>
      %dma_start3A_292 = arith.constant 0 : i32
      %dma_start3A_293 = tpu.memref_slice %arg5[%add3A_247, %dma_start3A_289, %add3A, %dma_start3A_292] : memref<200x8x32x1024xf32, #tpu.memory_space<hbm>> -> memref<1x1x1x1024xf32, #tpu.memory_space<hbm>>
      %dma_start3A_294 = tpu.memref_squeeze %dma_start3A_293 : memref<1x1x1x1024xf32, #tpu.memory_space<hbm>> -> memref<1024xf32, #tpu.memory_space<hbm>>
      %dma_start3A_295 = arith.constant 0 : i32
      %dma_start3A_296 = tpu.memref_slice %arg5[%add3A_247, %dma_start3A_289, %add3A, %dma_start3A_295] : memref<200x8x32x1024xf32, #tpu.memory_space<hbm>> -> memref<1x1x1x1024xf32, #tpu.memory_space<hbm>>
      %dma_start3A_297 = tpu.memref_squeeze %dma_start3A_296 : memref<1x1x1x1024xf32, #tpu.memory_space<hbm>> -> memref<1024xf32, #tpu.memory_space<hbm>>
      %dma_start3A_298 = arith.constant 1024 : i32
      %dma_start3A_299 = tpu.memref_slice %arg13[%dma_start3A_298] : memref<8192xf32, #tpu.memory_space<vmem>> -> memref<1024xf32, #tpu.memory_space<vmem>>
      tpu.enqueue_dma source(%dma_start3A_299 : memref<1024xf32, #tpu.memory_space<vmem>>) target(%dma_start3A_297 : memref<1024xf32, #tpu.memory_space<hbm>>) target_semaphore(%arg19 : memref<!tpu.dma_semaphore, #tpu.memory_space<semaphore_mem>>)
      %dma_start3A_300 = arith.constant 2 : i32
      %dma_start3A_301 = arith.constant 2048 : i32
      %dma_start3A_302 = tpu.memref_slice %arg13[%dma_start3A_301] : memref<8192xf32, #tpu.memory_space<vmem>> -> memref<1024xf32, #tpu.memory_space<vmem>>
      %dma_start3A_303 = arith.constant 0 : i32
      %dma_start3A_304 = tpu.memref_slice %arg5[%add3A_247, %dma_start3A_300, %add3A, %dma_start3A_303] : memref<200x8x32x1024xf32, #tpu.memory_space<hbm>> -> memref<1x1x1x1024xf32, #tpu.memory_space<hbm>>
      %dma_start3A_305 = tpu.memref_squeeze %dma_start3A_304 : memref<1x1x1x1024xf32, #tpu.memory_space<hbm>> -> memref<1024xf32, #tpu.memory_space<hbm>>
      %dma_start3A_306 = arith.constant 0 : i32
      %dma_start3A_307 = tpu.memref_slice %arg5[%add3A_247, %dma_start3A_300, %add3A, %dma_start3A_306] : memref<200x8x32x1024xf32, #tpu.memory_space<hbm>> -> memref<1x1x1x1024xf32, #tpu.memory_space<hbm>>
      %dma_start3A_308 = tpu.memref_squeeze %dma_start3A_307 : memref<1x1x1x1024xf32, #tpu.memory_space<hbm>> -> memref<1024xf32, #tpu.memory_space<hbm>>
      %dma_start3A_309 = arith.constant 2048 : i32
      %dma_start3A_310 = tpu.memref_slice %arg13[%dma_start3A_309] : memref<8192xf32, #tpu.memory_space<vmem>> -> memref<1024xf32, #tpu.memory_space<vmem>>
      tpu.enqueue_dma source(%dma_start3A_310 : memref<1024xf32, #tpu.memory_space<vmem>>) target(%dma_start3A_308 : memref<1024xf32, #tpu.memory_space<hbm>>) target_semaphore(%arg19 : memref<!tpu.dma_semaphore, #tpu.memory_space<semaphore_mem>>)
      %dma_start3A_311 = arith.constant 3 : i32
      %dma_start3A_312 = arith.constant 3072 : i32
      %dma_start3A_313 = tpu.memref_slice %arg13[%dma_start3A_312] : memref<8192xf32, #tpu.memory_space<vmem>> -> memref<1024xf32, #tpu.memory_space<vmem>>
      %dma_start3A_314 = arith.constant 0 : i32
      %dma_start3A_315 = tpu.memref_slice %arg5[%add3A_247, %dma_start3A_311, %add3A, %dma_start3A_314] : memref<200x8x32x1024xf32, #tpu.memory_space<hbm>> -> memref<1x1x1x1024xf32, #tpu.memory_space<hbm>>
      %dma_start3A_316 = tpu.memref_squeeze %dma_start3A_315 : memref<1x1x1x1024xf32, #tpu.memory_space<hbm>> -> memref<1024xf32, #tpu.memory_space<hbm>>
      %dma_start3A_317 = arith.constant 0 : i32
      %dma_start3A_318 = tpu.memref_slice %arg5[%add3A_247, %dma_start3A_311, %add3A, %dma_start3A_317] : memref<200x8x32x1024xf32, #tpu.memory_space<hbm>> -> memref<1x1x1x1024xf32, #tpu.memory_space<hbm>>
      %dma_start3A_319 = tpu.memref_squeeze %dma_start3A_318 : memref<1x1x1x1024xf32, #tpu.memory_space<hbm>> -> memref<1024xf32, #tpu.memory_space<hbm>>
      %dma_start3A_320 = arith.constant 3072 : i32
      %dma_start3A_321 = tpu.memref_slice %arg13[%dma_start3A_320] : memref<8192xf32, #tpu.memory_space<vmem>> -> memref<1024xf32, #tpu.memory_space<vmem>>
      tpu.enqueue_dma source(%dma_start3A_321 : memref<1024xf32, #tpu.memory_space<vmem>>) target(%dma_start3A_319 : memref<1024xf32, #tpu.memory_space<hbm>>) target_semaphore(%arg19 : memref<!tpu.dma_semaphore, #tpu.memory_space<semaphore_mem>>)
      %dma_start3A_322 = arith.constant 4 : i32
      %dma_start3A_323 = arith.constant 4096 : i32
      %dma_start3A_324 = tpu.memref_slice %arg13[%dma_start3A_323] : memref<8192xf32, #tpu.memory_space<vmem>> -> memref<1024xf32, #tpu.memory_space<vmem>>
      %dma_start3A_325 = arith.constant 0 : i32
      %dma_start3A_326 = tpu.memref_slice %arg5[%add3A_247, %dma_start3A_322, %add3A, %dma_start3A_325] : memref<200x8x32x1024xf32, #tpu.memory_space<hbm>> -> memref<1x1x1x1024xf32, #tpu.memory_space<hbm>>
      %dma_start3A_327 = tpu.memref_squeeze %dma_start3A_326 : memref<1x1x1x1024xf32, #tpu.memory_space<hbm>> -> memref<1024xf32, #tpu.memory_space<hbm>>
      %dma_start3A_328 = arith.constant 0 : i32
      %dma_start3A_329 = tpu.memref_slice %arg5[%add3A_247, %dma_start3A_322, %add3A, %dma_start3A_328] : memref<200x8x32x1024xf32, #tpu.memory_space<hbm>> -> memref<1x1x1x1024xf32, #tpu.memory_space<hbm>>
      %dma_start3A_330 = tpu.memref_squeeze %dma_start3A_329 : memref<1x1x1x1024xf32, #tpu.memory_space<hbm>> -> memref<1024xf32, #tpu.memory_space<hbm>>
      %dma_start3A_331 = arith.constant 4096 : i32
      %dma_start3A_332 = tpu.memref_slice %arg13[%dma_start3A_331] : memref<8192xf32, #tpu.memory_space<vmem>> -> memref<1024xf32, #tpu.memory_space<vmem>>
      tpu.enqueue_dma source(%dma_start3A_332 : memref<1024xf32, #tpu.memory_space<vmem>>) target(%dma_start3A_330 : memref<1024xf32, #tpu.memory_space<hbm>>) target_semaphore(%arg19 : memref<!tpu.dma_semaphore, #tpu.memory_space<semaphore_mem>>)
      %dma_start3A_333 = arith.constant 5 : i32
      %dma_start3A_334 = arith.constant 5120 : i32
      %dma_start3A_335 = tpu.memref_slice %arg13[%dma_start3A_334] : memref<8192xf32, #tpu.memory_space<vmem>> -> memref<1024xf32, #tpu.memory_space<vmem>>
      %dma_start3A_336 = arith.constant 0 : i32
      %dma_start3A_337 = tpu.memref_slice %arg5[%add3A_247, %dma_start3A_333, %add3A, %dma_start3A_336] : memref<200x8x32x1024xf32, #tpu.memory_space<hbm>> -> memref<1x1x1x1024xf32, #tpu.memory_space<hbm>>
      %dma_start3A_338 = tpu.memref_squeeze %dma_start3A_337 : memref<1x1x1x1024xf32, #tpu.memory_space<hbm>> -> memref<1024xf32, #tpu.memory_space<hbm>>
      %dma_start3A_339 = arith.constant 0 : i32
      %dma_start3A_340 = tpu.memref_slice %arg5[%add3A_247, %dma_start3A_333, %add3A, %dma_start3A_339] : memref<200x8x32x1024xf32, #tpu.memory_space<hbm>> -> memref<1x1x1x1024xf32, #tpu.memory_space<hbm>>
      %dma_start3A_341 = tpu.memref_squeeze %dma_start3A_340 : memref<1x1x1x1024xf32, #tpu.memory_space<hbm>> -> memref<1024xf32, #tpu.memory_space<hbm>>
      %dma_start3A_342 = arith.constant 5120 : i32
      %dma_start3A_343 = tpu.memref_slice %arg13[%dma_start3A_342] : memref<8192xf32, #tpu.memory_space<vmem>> -> memref<1024xf32, #tpu.memory_space<vmem>>
      tpu.enqueue_dma source(%dma_start3A_343 : memref<1024xf32, #tpu.memory_space<vmem>>) target(%dma_start3A_341 : memref<1024xf32, #tpu.memory_space<hbm>>) target_semaphore(%arg19 : memref<!tpu.dma_semaphore, #tpu.memory_space<semaphore_mem>>)
      %dma_start3A_344 = arith.constant 6 : i32
      %dma_start3A_345 = arith.constant 6144 : i32
      %dma_start3A_346 = tpu.memref_slice %arg13[%dma_start3A_345] : memref<8192xf32, #tpu.memory_space<vmem>> -> memref<1024xf32, #tpu.memory_space<vmem>>
      %dma_start3A_347 = arith.constant 0 : i32
      %dma_start3A_348 = tpu.memref_slice %arg5[%add3A_247, %dma_start3A_344, %add3A, %dma_start3A_347] : memref<200x8x32x1024xf32, #tpu.memory_space<hbm>> -> memref<1x1x1x1024xf32, #tpu.memory_space<hbm>>
      %dma_start3A_349 = tpu.memref_squeeze %dma_start3A_348 : memref<1x1x1x1024xf32, #tpu.memory_space<hbm>> -> memref<1024xf32, #tpu.memory_space<hbm>>
      %dma_start3A_350 = arith.constant 0 : i32
      %dma_start3A_351 = tpu.memref_slice %arg5[%add3A_247, %dma_start3A_344, %add3A, %dma_start3A_350] : memref<200x8x32x1024xf32, #tpu.memory_space<hbm>> -> memref<1x1x1x1024xf32, #tpu.memory_space<hbm>>
      %dma_start3A_352 = tpu.memref_squeeze %dma_start3A_351 : memref<1x1x1x1024xf32, #tpu.memory_space<hbm>> -> memref<1024xf32, #tpu.memory_space<hbm>>
      %dma_start3A_353 = arith.constant 6144 : i32
      %dma_start3A_354 = tpu.memref_slice %arg13[%dma_start3A_353] : memref<8192xf32, #tpu.memory_space<vmem>> -> memref<1024xf32, #tpu.memory_space<vmem>>
      tpu.enqueue_dma source(%dma_start3A_354 : memref<1024xf32, #tpu.memory_space<vmem>>) target(%dma_start3A_352 : memref<1024xf32, #tpu.memory_space<hbm>>) target_semaphore(%arg19 : memref<!tpu.dma_semaphore, #tpu.memory_space<semaphore_mem>>)
      %dma_start3A_355 = arith.constant 7 : i32
      %dma_start3A_356 = arith.constant 7168 : i32
      %dma_start3A_357 = tpu.memref_slice %arg13[%dma_start3A_356] : memref<8192xf32, #tpu.memory_space<vmem>> -> memref<1024xf32, #tpu.memory_space<vmem>>
      %dma_start3A_358 = arith.constant 0 : i32
      %dma_start3A_359 = tpu.memref_slice %arg5[%add3A_247, %dma_start3A_355, %add3A, %dma_start3A_358] : memref<200x8x32x1024xf32, #tpu.memory_space<hbm>> -> memref<1x1x1x1024xf32, #tpu.memory_space<hbm>>
      %dma_start3A_360 = tpu.memref_squeeze %dma_start3A_359 : memref<1x1x1x1024xf32, #tpu.memory_space<hbm>> -> memref<1024xf32, #tpu.memory_space<hbm>>
      %dma_start3A_361 = arith.constant 0 : i32
      %dma_start3A_362 = tpu.memref_slice %arg5[%add3A_247, %dma_start3A_355, %add3A, %dma_start3A_361] : memref<200x8x32x1024xf32, #tpu.memory_space<hbm>> -> memref<1x1x1x1024xf32, #tpu.memory_space<hbm>>
      %dma_start3A_363 = tpu.memref_squeeze %dma_start3A_362 : memref<1x1x1x1024xf32, #tpu.memory_space<hbm>> -> memref<1024xf32, #tpu.memory_space<hbm>>
      %dma_start3A_364 = arith.constant 7168 : i32
      %dma_start3A_365 = tpu.memref_slice %arg13[%dma_start3A_364] : memref<8192xf32, #tpu.memory_space<vmem>> -> memref<1024xf32, #tpu.memory_space<vmem>>
      tpu.enqueue_dma source(%dma_start3A_365 : memref<1024xf32, #tpu.memory_space<vmem>>) target(%dma_start3A_363 : memref<1024xf32, #tpu.memory_space<hbm>>) target_semaphore(%arg19 : memref<!tpu.dma_semaphore, #tpu.memory_space<semaphore_mem>>)
      %mul3A_366 = arith.constant 4 : i32
      %mul3A_367 = arith.muli %scan3A_243, %mul3A_366 : i32
      %add3A_368 = arith.constant 1 : i32
      %add3A_369 = arith.addi %mul3A_367, %add3A_368 : i32
      %add3A_370 = arith.constant 3 : i32
      %add3A_371 = arith.addi %add3A_369, %add3A_370 : i32
      %lt3A_372 = arith.constant 200 : i32
      %lt3A_373 = arith.cmpi slt, %add3A_371, %lt3A_372 : i32
      %convert_element_type3A_374 = arith.extui %lt3A_373 : i1 to i32
      %cond3A_375 = arith.constant 0 : i32
      %cond3A_376 = arith.cmpi ne, %convert_element_type3A_374, %cond3A_375 : i32
      scf.if %cond3A_376 {
        %add3A_750 = arith.constant 3 : i32
        %add3A_751 = arith.addi %add3A_369, %add3A_750 : i32
        %dma_start3A_752 = arith.constant 0 : i32
        %dma_start3A_753 = tpu.memref_slice %arg6[%add3A_751, %dma_start3A_752] : memref<200x128xi32, #tpu.memory_space<vmem>> -> memref<1x128xi32, #tpu.memory_space<vmem>>
        %dma_start3A_754 = tpu.memref_squeeze %dma_start3A_753 : memref<1x128xi32, #tpu.memory_space<vmem>> -> memref<128xi32, #tpu.memory_space<vmem>>
        %dma_start3A_755 = arith.constant 0 : i32
        %dma_start3A_756 = arith.constant 0 : i32
        %dma_start3A_757 = tpu.memref_slice %arg3[%dma_start3A_755, %dma_start3A_756] : memref<100000x64xf32, #tpu.memory_space<hbm>> -> memref<100000x64xf32, #tpu.memory_space<hbm>>
        tpu.enqueue_indirect_dma source(%dma_start3A_757 : memref<100000x64xf32, #tpu.memory_space<hbm>>) target(%arg8 : memref<128x64xf32, #tpu.memory_space<vmem>>) offsets(%dma_start3A_754 : memref<128xi32, #tpu.memory_space<vmem>>) semaphore(%arg15 : memref<!tpu.dma_semaphore, #tpu.memory_space<semaphore_mem>>)
      } else {
      }
      %dma_wait3A_377 = arith.constant 0 : i32
      %dma_wait3A_378 = tpu.memref_slice %arg6[%add3A_369, %dma_wait3A_377] : memref<200x128xi32, #tpu.memory_space<vmem>> -> memref<1x128xi32, #tpu.memory_space<vmem>>
      %dma_wait3A_379 = tpu.memref_squeeze %dma_wait3A_378 : memref<1x128xi32, #tpu.memory_space<vmem>> -> memref<128xi32, #tpu.memory_space<vmem>>
      %dma_wait3A_380 = arith.constant 0 : i32
      %dma_wait3A_381 = arith.constant 0 : i32
      %dma_wait3A_382 = tpu.memref_slice %arg3[%dma_wait3A_380, %dma_wait3A_381] : memref<100000x64xf32, #tpu.memory_space<hbm>> -> memref<100000x64xf32, #tpu.memory_space<hbm>>
      tpu.wait_indirect_dma semaphore(%arg16 : memref<!tpu.dma_semaphore, #tpu.memory_space<semaphore_mem>>) src(%dma_wait3A_382 : memref<100000x64xf32, #tpu.memory_space<hbm>>) dst(%arg9 : memref<128x64xf32, #tpu.memory_space<vmem>>)
      %ge3A_383 = arith.constant 2 : i32
      %ge3A_384 = arith.cmpi sge, %add3A_369, %ge3A_383 : i32
      %convert_element_type3A_385 = arith.extui %ge3A_384 : i1 to i32
      %cond3A_386 = arith.constant 0 : i32
      %cond3A_387 = arith.cmpi ne, %convert_element_type3A_385, %cond3A_386 : i32
      scf.if %cond3A_387 {
        %sub3A = arith.constant 2 : i32
        %sub3A_750 = arith.subi %add3A_369, %sub3A : i32
        %dma_wait3A_751 = arith.constant 0 : i32
        %dma_wait3A_752 = arith.constant 0 : i32
        %dma_wait3A_753 = tpu.memref_slice %arg14[%dma_wait3A_752] : memref<8192xf32, #tpu.memory_space<vmem>> -> memref<1024xf32, #tpu.memory_space<vmem>>
        %dma_wait3A_754 = arith.constant 0 : i32
        %dma_wait3A_755 = tpu.memref_slice %arg5[%sub3A_750, %dma_wait3A_751, %add3A, %dma_wait3A_754] : memref<200x8x32x1024xf32, #tpu.memory_space<hbm>> -> memref<1x1x1x1024xf32, #tpu.memory_space<hbm>>
        %dma_wait3A_756 = tpu.memref_squeeze %dma_wait3A_755 : memref<1x1x1x1024xf32, #tpu.memory_space<hbm>> -> memref<1024xf32, #tpu.memory_space<hbm>>
        %dma_wait3A_757 = arith.constant 0 : i32
        %dma_wait3A_758 = tpu.memref_slice %arg5[%sub3A_750, %dma_wait3A_751, %add3A, %dma_wait3A_757] : memref<200x8x32x1024xf32, #tpu.memory_space<hbm>> -> memref<1x1x1x1024xf32, #tpu.memory_space<hbm>>
        %dma_wait3A_759 = tpu.memref_squeeze %dma_wait3A_758 : memref<1x1x1x1024xf32, #tpu.memory_space<hbm>> -> memref<1024xf32, #tpu.memory_space<hbm>>
        %dma_wait3A_760 = arith.constant 0 : i32
        %dma_wait3A_761 = tpu.memref_slice %arg14[%dma_wait3A_760] : memref<8192xf32, #tpu.memory_space<vmem>> -> memref<1024xf32, #tpu.memory_space<vmem>>
        tpu.wait_dma2 semaphore(%arg20 : memref<!tpu.dma_semaphore, #tpu.memory_space<semaphore_mem>>) src(%dma_wait3A_761 : memref<1024xf32, #tpu.memory_space<vmem>>) dst(%dma_wait3A_759 : memref<1024xf32, #tpu.memory_space<hbm>>)
        %dma_wait3A_762 = arith.constant 1 : i32
        %dma_wait3A_763 = arith.constant 1024 : i32
        %dma_wait3A_764 = tpu.memref_slice %arg14[%dma_wait3A_763] : memref<8192xf32, #tpu.memory_space<vmem>> -> memref<1024xf32, #tpu.memory_space<vmem>>
        %dma_wait3A_765 = arith.constant 0 : i32
        %dma_wait3A_766 = tpu.memref_slice %arg5[%sub3A_750, %dma_wait3A_762, %add3A, %dma_wait3A_765] : memref<200x8x32x1024xf32, #tpu.memory_space<hbm>> -> memref<1x1x1x1024xf32, #tpu.memory_space<hbm>>
        %dma_wait3A_767 = tpu.memref_squeeze %dma_wait3A_766 : memref<1x1x1x1024xf32, #tpu.memory_space<hbm>> -> memref<1024xf32, #tpu.memory_space<hbm>>
        %dma_wait3A_768 = arith.constant 0 : i32
        %dma_wait3A_769 = tpu.memref_slice %arg5[%sub3A_750, %dma_wait3A_762, %add3A, %dma_wait3A_768] : memref<200x8x32x1024xf32, #tpu.memory_space<hbm>> -> memref<1x1x1x1024xf32, #tpu.memory_space<hbm>>
        %dma_wait3A_770 = tpu.memref_squeeze %dma_wait3A_769 : memref<1x1x1x1024xf32, #tpu.memory_space<hbm>> -> memref<1024xf32, #tpu.memory_space<hbm>>
        %dma_wait3A_771 = arith.constant 1024 : i32
        %dma_wait3A_772 = tpu.memref_slice %arg14[%dma_wait3A_771] : memref<8192xf32, #tpu.memory_space<vmem>> -> memref<1024xf32, #tpu.memory_space<vmem>>
        tpu.wait_dma2 semaphore(%arg20 : memref<!tpu.dma_semaphore, #tpu.memory_space<semaphore_mem>>) src(%dma_wait3A_772 : memref<1024xf32, #tpu.memory_space<vmem>>) dst(%dma_wait3A_770 : memref<1024xf32, #tpu.memory_space<hbm>>)
        %dma_wait3A_773 = arith.constant 2 : i32
        %dma_wait3A_774 = arith.constant 2048 : i32
        %dma_wait3A_775 = tpu.memref_slice %arg14[%dma_wait3A_774] : memref<8192xf32, #tpu.memory_space<vmem>> -> memref<1024xf32, #tpu.memory_space<vmem>>
        %dma_wait3A_776 = arith.constant 0 : i32
        %dma_wait3A_777 = tpu.memref_slice %arg5[%sub3A_750, %dma_wait3A_773, %add3A, %dma_wait3A_776] : memref<200x8x32x1024xf32, #tpu.memory_space<hbm>> -> memref<1x1x1x1024xf32, #tpu.memory_space<hbm>>
        %dma_wait3A_778 = tpu.memref_squeeze %dma_wait3A_777 : memref<1x1x1x1024xf32, #tpu.memory_space<hbm>> -> memref<1024xf32, #tpu.memory_space<hbm>>
        %dma_wait3A_779 = arith.constant 0 : i32
        %dma_wait3A_780 = tpu.memref_slice %arg5[%sub3A_750, %dma_wait3A_773, %add3A, %dma_wait3A_779] : memref<200x8x32x1024xf32, #tpu.memory_space<hbm>> -> memref<1x1x1x1024xf32, #tpu.memory_space<hbm>>
        %dma_wait3A_781 = tpu.memref_squeeze %dma_wait3A_780 : memref<1x1x1x1024xf32, #tpu.memory_space<hbm>> -> memref<1024xf32, #tpu.memory_space<hbm>>
        %dma_wait3A_782 = arith.constant 2048 : i32
        %dma_wait3A_783 = tpu.memref_slice %arg14[%dma_wait3A_782] : memref<8192xf32, #tpu.memory_space<vmem>> -> memref<1024xf32, #tpu.memory_space<vmem>>
        tpu.wait_dma2 semaphore(%arg20 : memref<!tpu.dma_semaphore, #tpu.memory_space<semaphore_mem>>) src(%dma_wait3A_783 : memref<1024xf32, #tpu.memory_space<vmem>>) dst(%dma_wait3A_781 : memref<1024xf32, #tpu.memory_space<hbm>>)
        %dma_wait3A_784 = arith.constant 3 : i32
        %dma_wait3A_785 = arith.constant 3072 : i32
        %dma_wait3A_786 = tpu.memref_slice %arg14[%dma_wait3A_785] : memref<8192xf32, #tpu.memory_space<vmem>> -> memref<1024xf32, #tpu.memory_space<vmem>>
        %dma_wait3A_787 = arith.constant 0 : i32
        %dma_wait3A_788 = tpu.memref_slice %arg5[%sub3A_750, %dma_wait3A_784, %add3A, %dma_wait3A_787] : memref<200x8x32x1024xf32, #tpu.memory_space<hbm>> -> memref<1x1x1x1024xf32, #tpu.memory_space<hbm>>
        %dma_wait3A_789 = tpu.memref_squeeze %dma_wait3A_788 : memref<1x1x1x1024xf32, #tpu.memory_space<hbm>> -> memref<1024xf32, #tpu.memory_space<hbm>>
        %dma_wait3A_790 = arith.constant 0 : i32
        %dma_wait3A_791 = tpu.memref_slice %arg5[%sub3A_750, %dma_wait3A_784, %add3A, %dma_wait3A_790] : memref<200x8x32x1024xf32, #tpu.memory_space<hbm>> -> memref<1x1x1x1024xf32, #tpu.memory_space<hbm>>
        %dma_wait3A_792 = tpu.memref_squeeze %dma_wait3A_791 : memref<1x1x1x1024xf32, #tpu.memory_space<hbm>> -> memref<1024xf32, #tpu.memory_space<hbm>>
        %dma_wait3A_793 = arith.constant 3072 : i32
        %dma_wait3A_794 = tpu.memref_slice %arg14[%dma_wait3A_793] : memref<8192xf32, #tpu.memory_space<vmem>> -> memref<1024xf32, #tpu.memory_space<vmem>>
        tpu.wait_dma2 semaphore(%arg20 : memref<!tpu.dma_semaphore, #tpu.memory_space<semaphore_mem>>) src(%dma_wait3A_794 : memref<1024xf32, #tpu.memory_space<vmem>>) dst(%dma_wait3A_792 : memref<1024xf32, #tpu.memory_space<hbm>>)
        %dma_wait3A_795 = arith.constant 4 : i32
        %dma_wait3A_796 = arith.constant 4096 : i32
        %dma_wait3A_797 = tpu.memref_slice %arg14[%dma_wait3A_796] : memref<8192xf32, #tpu.memory_space<vmem>> -> memref<1024xf32, #tpu.memory_space<vmem>>
        %dma_wait3A_798 = arith.constant 0 : i32
        %dma_wait3A_799 = tpu.memref_slice %arg5[%sub3A_750, %dma_wait3A_795, %add3A, %dma_wait3A_798] : memref<200x8x32x1024xf32, #tpu.memory_space<hbm>> -> memref<1x1x1x1024xf32, #tpu.memory_space<hbm>>
        %dma_wait3A_800 = tpu.memref_squeeze %dma_wait3A_799 : memref<1x1x1x1024xf32, #tpu.memory_space<hbm>> -> memref<1024xf32, #tpu.memory_space<hbm>>
        %dma_wait3A_801 = arith.constant 0 : i32
        %dma_wait3A_802 = tpu.memref_slice %arg5[%sub3A_750, %dma_wait3A_795, %add3A, %dma_wait3A_801] : memref<200x8x32x1024xf32, #tpu.memory_space<hbm>> -> memref<1x1x1x1024xf32, #tpu.memory_space<hbm>>
        %dma_wait3A_803 = tpu.memref_squeeze %dma_wait3A_802 : memref<1x1x1x1024xf32, #tpu.memory_space<hbm>> -> memref<1024xf32, #tpu.memory_space<hbm>>
        %dma_wait3A_804 = arith.constant 4096 : i32
        %dma_wait3A_805 = tpu.memref_slice %arg14[%dma_wait3A_804] : memref<8192xf32, #tpu.memory_space<vmem>> -> memref<1024xf32, #tpu.memory_space<vmem>>
        tpu.wait_dma2 semaphore(%arg20 : memref<!tpu.dma_semaphore, #tpu.memory_space<semaphore_mem>>) src(%dma_wait3A_805 : memref<1024xf32, #tpu.memory_space<vmem>>) dst(%dma_wait3A_803 : memref<1024xf32, #tpu.memory_space<hbm>>)
        %dma_wait3A_806 = arith.constant 5 : i32
        %dma_wait3A_807 = arith.constant 5120 : i32
        %dma_wait3A_808 = tpu.memref_slice %arg14[%dma_wait3A_807] : memref<8192xf32, #tpu.memory_space<vmem>> -> memref<1024xf32, #tpu.memory_space<vmem>>
        %dma_wait3A_809 = arith.constant 0 : i32
        %dma_wait3A_810 = tpu.memref_slice %arg5[%sub3A_750, %dma_wait3A_806, %add3A, %dma_wait3A_809] : memref<200x8x32x1024xf32, #tpu.memory_space<hbm>> -> memref<1x1x1x1024xf32, #tpu.memory_space<hbm>>
        %dma_wait3A_811 = tpu.memref_squeeze %dma_wait3A_810 : memref<1x1x1x1024xf32, #tpu.memory_space<hbm>> -> memref<1024xf32, #tpu.memory_space<hbm>>
        %dma_wait3A_812 = arith.constant 0 : i32
        %dma_wait3A_813 = tpu.memref_slice %arg5[%sub3A_750, %dma_wait3A_806, %add3A, %dma_wait3A_812] : memref<200x8x32x1024xf32, #tpu.memory_space<hbm>> -> memref<1x1x1x1024xf32, #tpu.memory_space<hbm>>
        %dma_wait3A_814 = tpu.memref_squeeze %dma_wait3A_813 : memref<1x1x1x1024xf32, #tpu.memory_space<hbm>> -> memref<1024xf32, #tpu.memory_space<hbm>>
        %dma_wait3A_815 = arith.constant 5120 : i32
        %dma_wait3A_816 = tpu.memref_slice %arg14[%dma_wait3A_815] : memref<8192xf32, #tpu.memory_space<vmem>> -> memref<1024xf32, #tpu.memory_space<vmem>>
        tpu.wait_dma2 semaphore(%arg20 : memref<!tpu.dma_semaphore, #tpu.memory_space<semaphore_mem>>) src(%dma_wait3A_816 : memref<1024xf32, #tpu.memory_space<vmem>>) dst(%dma_wait3A_814 : memref<1024xf32, #tpu.memory_space<hbm>>)
        %dma_wait3A_817 = arith.constant 6 : i32
        %dma_wait3A_818 = arith.constant 6144 : i32
        %dma_wait3A_819 = tpu.memref_slice %arg14[%dma_wait3A_818] : memref<8192xf32, #tpu.memory_space<vmem>> -> memref<1024xf32, #tpu.memory_space<vmem>>
        %dma_wait3A_820 = arith.constant 0 : i32
        %dma_wait3A_821 = tpu.memref_slice %arg5[%sub3A_750, %dma_wait3A_817, %add3A, %dma_wait3A_820] : memref<200x8x32x1024xf32, #tpu.memory_space<hbm>> -> memref<1x1x1x1024xf32, #tpu.memory_space<hbm>>
        %dma_wait3A_822 = tpu.memref_squeeze %dma_wait3A_821 : memref<1x1x1x1024xf32, #tpu.memory_space<hbm>> -> memref<1024xf32, #tpu.memory_space<hbm>>
        %dma_wait3A_823 = arith.constant 0 : i32
        %dma_wait3A_824 = tpu.memref_slice %arg5[%sub3A_750, %dma_wait3A_817, %add3A, %dma_wait3A_823] : memref<200x8x32x1024xf32, #tpu.memory_space<hbm>> -> memref<1x1x1x1024xf32, #tpu.memory_space<hbm>>
        %dma_wait3A_825 = tpu.memref_squeeze %dma_wait3A_824 : memref<1x1x1x1024xf32, #tpu.memory_space<hbm>> -> memref<1024xf32, #tpu.memory_space<hbm>>
        %dma_wait3A_826 = arith.constant 6144 : i32
        %dma_wait3A_827 = tpu.memref_slice %arg14[%dma_wait3A_826] : memref<8192xf32, #tpu.memory_space<vmem>> -> memref<1024xf32, #tpu.memory_space<vmem>>
        tpu.wait_dma2 semaphore(%arg20 : memref<!tpu.dma_semaphore, #tpu.memory_space<semaphore_mem>>) src(%dma_wait3A_827 : memref<1024xf32, #tpu.memory_space<vmem>>) dst(%dma_wait3A_825 : memref<1024xf32, #tpu.memory_space<hbm>>)
        %dma_wait3A_828 = arith.constant 7 : i32
        %dma_wait3A_829 = arith.constant 7168 : i32
        %dma_wait3A_830 = tpu.memref_slice %arg14[%dma_wait3A_829] : memref<8192xf32, #tpu.memory_space<vmem>> -> memref<1024xf32, #tpu.memory_space<vmem>>
        %dma_wait3A_831 = arith.constant 0 : i32
        %dma_wait3A_832 = tpu.memref_slice %arg5[%sub3A_750, %dma_wait3A_828, %add3A, %dma_wait3A_831] : memref<200x8x32x1024xf32, #tpu.memory_space<hbm>> -> memref<1x1x1x1024xf32, #tpu.memory_space<hbm>>
        %dma_wait3A_833 = tpu.memref_squeeze %dma_wait3A_832 : memref<1x1x1x1024xf32, #tpu.memory_space<hbm>> -> memref<1024xf32, #tpu.memory_space<hbm>>
        %dma_wait3A_834 = arith.constant 0 : i32
        %dma_wait3A_835 = tpu.memref_slice %arg5[%sub3A_750, %dma_wait3A_828, %add3A, %dma_wait3A_834] : memref<200x8x32x1024xf32, #tpu.memory_space<hbm>> -> memref<1x1x1x1024xf32, #tpu.memory_space<hbm>>
        %dma_wait3A_836 = tpu.memref_squeeze %dma_wait3A_835 : memref<1x1x1x1024xf32, #tpu.memory_space<hbm>> -> memref<1024xf32, #tpu.memory_space<hbm>>
        %dma_wait3A_837 = arith.constant 7168 : i32
        %dma_wait3A_838 = tpu.memref_slice %arg14[%dma_wait3A_837] : memref<8192xf32, #tpu.memory_space<vmem>> -> memref<1024xf32, #tpu.memory_space<vmem>>
        tpu.wait_dma2 semaphore(%arg20 : memref<!tpu.dma_semaphore, #tpu.memory_space<semaphore_mem>>) src(%dma_wait3A_838 : memref<1024xf32, #tpu.memory_space<vmem>>) dst(%dma_wait3A_836 : memref<1024xf32, #tpu.memory_space<hbm>>)
      } else {
      }
      %get3A_388 = arith.index_cast %add3A_369 : i32 to index
      %get3A_389 = arith.constant 0 : index
      %get3A_390 = tpu.vector_load %arg7[%get3A_388, %get3A_389] {strides = array<i32>} : memref<200x64xf32, #tpu.memory_space<vmem>>, vector<16xf32>,
      %get3A_391 = arith.index_cast %add3A_369 : i32 to index
      %get3A_392 = arith.constant 16 : index
      %get3A_393 = tpu.vector_load %arg7[%get3A_391, %get3A_392] {strides = array<i32>} : memref<200x64xf32, #tpu.memory_space<vmem>>, vector<16xf32>,
      %get3A_394 = arith.index_cast %add3A_369 : i32 to index
      %get3A_395 = arith.constant 32 : index
      %get3A_396 = tpu.vector_load %arg7[%get3A_394, %get3A_395] {strides = array<i32>} : memref<200x64xf32, #tpu.memory_space<vmem>>, vector<16xf32>,
      %get3A_397 = arith.index_cast %add3A_369 : i32 to index
      %get3A_398 = arith.constant 48 : index
      %get3A_399 = tpu.vector_load %arg7[%get3A_397, %get3A_398] {strides = array<i32>} : memref<200x64xf32, #tpu.memory_space<vmem>>, vector<16xf32>,
      %parallel_loop3A_400 = arith.constant 0 : i32
      %parallel_loop3A_401 = arith.constant 128 : i32
      %parallel_loop3A_402 = arith.constant 1 : i32
      scf.for %parallel_loop3A_750 = %parallel_loop3A_400 to %parallel_loop3A_401 step %parallel_loop3A_402  : i32 {
        %parallel_loop3A_751 = arith.index_cast %parallel_loop3A_750 : i32 to index
        %parallel_loop3A_752 = arith.constant 0 : index
        %parallel_loop3A_753 = tpu.vector_load %arg9[%parallel_loop3A_751, %parallel_loop3A_752] {strides = array<i32>} : memref<128x64xf32, #tpu.memory_space<vmem>>, vector<16xf32>,
        %parallel_loop3A_754 = arith.addf %parallel_loop3A_753, %get3A_390 : vector<16xf32>
        %parallel_loop3A_755 = arith.index_cast %parallel_loop3A_750 : i32 to index
        %parallel_loop3A_756 = arith.constant 0 : index
        %parallel_loop3A_757 = tpu.vector_load %arg12[%parallel_loop3A_755, %parallel_loop3A_756] {strides = array<i32>} : memref<128x65xf32, #tpu.memory_space<vmem>>, vector<16xf32>,
        tpu.vector_store %arg12[%parallel_loop3A_755, %parallel_loop3A_756], %parallel_loop3A_754 {strides = array<i32>} : memref<128x65xf32, #tpu.memory_space<vmem>>, vector<16xf32>,
        %parallel_loop3A_758 = arith.index_cast %parallel_loop3A_750 : i32 to index
        %parallel_loop3A_759 = arith.constant 16 : index
        %parallel_loop3A_760 = tpu.vector_load %arg9[%parallel_loop3A_758, %parallel_loop3A_759] {strides = array<i32>} : memref<128x64xf32, #tpu.memory_space<vmem>>, vector<16xf32>,
        %parallel_loop3A_761 = arith.addf %parallel_loop3A_760, %get3A_393 : vector<16xf32>
        %parallel_loop3A_762 = arith.index_cast %parallel_loop3A_750 : i32 to index
        %parallel_loop3A_763 = arith.constant 16 : index
        %parallel_loop3A_764 = tpu.vector_load %arg12[%parallel_loop3A_762, %parallel_loop3A_763] {strides = array<i32>} : memref<128x65xf32, #tpu.memory_space<vmem>>, vector<16xf32>,
        tpu.vector_store %arg12[%parallel_loop3A_762, %parallel_loop3A_763], %parallel_loop3A_761 {strides = array<i32>} : memref<128x65xf32, #tpu.memory_space<vmem>>, vector<16xf32>,
        %parallel_loop3A_765 = arith.index_cast %parallel_loop3A_750 : i32 to index
        %parallel_loop3A_766 = arith.constant 32 : index
        %parallel_loop3A_767 = tpu.vector_load %arg9[%parallel_loop3A_765, %parallel_loop3A_766] {strides = array<i32>} : memref<128x64xf32, #tpu.memory_space<vmem>>, vector<16xf32>,
        %parallel_loop3A_768 = arith.addf %parallel_loop3A_767, %get3A_396 : vector<16xf32>
        %parallel_loop3A_769 = arith.index_cast %parallel_loop3A_750 : i32 to index
        %parallel_loop3A_770 = arith.constant 32 : index
        %parallel_loop3A_771 = tpu.vector_load %arg12[%parallel_loop3A_769, %parallel_loop3A_770] {strides = array<i32>} : memref<128x65xf32, #tpu.memory_space<vmem>>, vector<16xf32>,
        tpu.vector_store %arg12[%parallel_loop3A_769, %parallel_loop3A_770], %parallel_loop3A_768 {strides = array<i32>} : memref<128x65xf32, #tpu.memory_space<vmem>>, vector<16xf32>,
        %parallel_loop3A_772 = arith.index_cast %parallel_loop3A_750 : i32 to index
        %parallel_loop3A_773 = arith.constant 48 : index
        %parallel_loop3A_774 = tpu.vector_load %arg9[%parallel_loop3A_772, %parallel_loop3A_773] {strides = array<i32>} : memref<128x64xf32, #tpu.memory_space<vmem>>, vector<16xf32>,
        %parallel_loop3A_775 = arith.addf %parallel_loop3A_774, %get3A_399 : vector<16xf32>
        %parallel_loop3A_776 = arith.index_cast %parallel_loop3A_750 : i32 to index
        %parallel_loop3A_777 = arith.constant 48 : index
        %parallel_loop3A_778 = tpu.vector_load %arg12[%parallel_loop3A_776, %parallel_loop3A_777] {strides = array<i32>} : memref<128x65xf32, #tpu.memory_space<vmem>>, vector<16xf32>,
        tpu.vector_store %arg12[%parallel_loop3A_776, %parallel_loop3A_777], %parallel_loop3A_775 {strides = array<i32>} : memref<128x65xf32, #tpu.memory_space<vmem>>, vector<16xf32>,
      } {sc.loop_unroll_factor = 2 : i64, sc.parallel_access}
      %parallel_loop3A_403 = arith.constant 0 : i32
      %parallel_loop3A_404 = arith.constant 64 : i32
      %parallel_loop3A_405 = arith.constant 1 : i32
      scf.for %parallel_loop3A_750 = %parallel_loop3A_403 to %parallel_loop3A_404 step %parallel_loop3A_405  : i32 {
        %parallel_loop3A_751 = vector.broadcast %parallel_loop3A_750 : i32 to vector<16xi32>
        %parallel_loop3A_752 = arith.constant 3 : i32
        %parallel_loop3A_753 = arith.shrui %parallel_loop3A_750, %parallel_loop3A_752 : i32
        %parallel_loop3A_754 = arith.constant 10 : i32
        %parallel_loop3A_755 = arith.shli %parallel_loop3A_753, %parallel_loop3A_754 : i32
        %parallel_loop3A_756 = arith.constant 7 : i32
        %parallel_loop3A_757 = arith.andi %parallel_loop3A_750, %parallel_loop3A_756 : i32
        %parallel_loop3A_758 = arith.constant 7 : i32
        %parallel_loop3A_759 = arith.shli %parallel_loop3A_757, %parallel_loop3A_758 : i32
        %parallel_loop3A_760 = arith.addi %parallel_loop3A_755, %parallel_loop3A_759 : i32
        %parallel_loop3A_761 = tpu.vector_load_idx %arg12[%add3A_5, %parallel_loop3A_751] : memref<128x65xf32, #tpu.memory_space<vmem>>[vector<16xi32>, vector<16xi32>], vector<16xf32>,
        %parallel_loop3A_762 = arith.constant 0 : i32
        %parallel_loop3A_763 = arith.addi %parallel_loop3A_760, %parallel_loop3A_762 : i32
        %parallel_loop3A_764 = arith.index_cast %parallel_loop3A_763 : i32 to index
        %parallel_loop3A_765 = tpu.vector_load %arg14[%parallel_loop3A_764] {strides = array<i32>} : memref<8192xf32, #tpu.memory_space<vmem>>, vector<16xf32>,
        tpu.vector_store %arg14[%parallel_loop3A_764], %parallel_loop3A_761 {strides = array<i32>} : memref<8192xf32, #tpu.memory_space<vmem>>, vector<16xf32>,
        %parallel_loop3A_766 = tpu.vector_load_idx %arg12[%add3A_8, %parallel_loop3A_751] : memref<128x65xf32, #tpu.memory_space<vmem>>[vector<16xi32>, vector<16xi32>], vector<16xf32>,
        %parallel_loop3A_767 = arith.constant 16 : i32
        %parallel_loop3A_768 = arith.addi %parallel_loop3A_760, %parallel_loop3A_767 : i32
        %parallel_loop3A_769 = arith.index_cast %parallel_loop3A_768 : i32 to index
        %parallel_loop3A_770 = tpu.vector_load %arg14[%parallel_loop3A_769] {strides = array<i32>} : memref<8192xf32, #tpu.memory_space<vmem>>, vector<16xf32>,
        tpu.vector_store %arg14[%parallel_loop3A_769], %parallel_loop3A_766 {strides = array<i32>} : memref<8192xf32, #tpu.memory_space<vmem>>, vector<16xf32>,
        %parallel_loop3A_771 = tpu.vector_load_idx %arg12[%add3A_11, %parallel_loop3A_751] : memref<128x65xf32, #tpu.memory_space<vmem>>[vector<16xi32>, vector<16xi32>], vector<16xf32>,
        %parallel_loop3A_772 = arith.constant 32 : i32
        %parallel_loop3A_773 = arith.addi %parallel_loop3A_760, %parallel_loop3A_772 : i32
        %parallel_loop3A_774 = arith.index_cast %parallel_loop3A_773 : i32 to index
        %parallel_loop3A_775 = tpu.vector_load %arg14[%parallel_loop3A_774] {strides = array<i32>} : memref<8192xf32, #tpu.memory_space<vmem>>, vector<16xf32>,
        tpu.vector_store %arg14[%parallel_loop3A_774], %parallel_loop3A_771 {strides = array<i32>} : memref<8192xf32, #tpu.memory_space<vmem>>, vector<16xf32>,
        %parallel_loop3A_776 = tpu.vector_load_idx %arg12[%add3A_14, %parallel_loop3A_751] : memref<128x65xf32, #tpu.memory_space<vmem>>[vector<16xi32>, vector<16xi32>], vector<16xf32>,
        %parallel_loop3A_777 = arith.constant 48 : i32
        %parallel_loop3A_778 = arith.addi %parallel_loop3A_760, %parallel_loop3A_777 : i32
        %parallel_loop3A_779 = arith.index_cast %parallel_loop3A_778 : i32 to index
        %parallel_loop3A_780 = tpu.vector_load %arg14[%parallel_loop3A_779] {strides = array<i32>} : memref<8192xf32, #tpu.memory_space<vmem>>, vector<16xf32>,
        tpu.vector_store %arg14[%parallel_loop3A_779], %parallel_loop3A_776 {strides = array<i32>} : memref<8192xf32, #tpu.memory_space<vmem>>, vector<16xf32>,
        %parallel_loop3A_781 = tpu.vector_load_idx %arg12[%add3A_17, %parallel_loop3A_751] : memref<128x65xf32, #tpu.memory_space<vmem>>[vector<16xi32>, vector<16xi32>], vector<16xf32>,
        %parallel_loop3A_782 = arith.constant 64 : i32
        %parallel_loop3A_783 = arith.addi %parallel_loop3A_760, %parallel_loop3A_782 : i32
        %parallel_loop3A_784 = arith.index_cast %parallel_loop3A_783 : i32 to index
        %parallel_loop3A_785 = tpu.vector_load %arg14[%parallel_loop3A_784] {strides = array<i32>} : memref<8192xf32, #tpu.memory_space<vmem>>, vector<16xf32>,
        tpu.vector_store %arg14[%parallel_loop3A_784], %parallel_loop3A_781 {strides = array<i32>} : memref<8192xf32, #tpu.memory_space<vmem>>, vector<16xf32>,
        %parallel_loop3A_786 = tpu.vector_load_idx %arg12[%add3A_20, %parallel_loop3A_751] : memref<128x65xf32, #tpu.memory_space<vmem>>[vector<16xi32>, vector<16xi32>], vector<16xf32>,
        %parallel_loop3A_787 = arith.constant 80 : i32
        %parallel_loop3A_788 = arith.addi %parallel_loop3A_760, %parallel_loop3A_787 : i32
        %parallel_loop3A_789 = arith.index_cast %parallel_loop3A_788 : i32 to index
        %parallel_loop3A_790 = tpu.vector_load %arg14[%parallel_loop3A_789] {strides = array<i32>} : memref<8192xf32, #tpu.memory_space<vmem>>, vector<16xf32>,
        tpu.vector_store %arg14[%parallel_loop3A_789], %parallel_loop3A_786 {strides = array<i32>} : memref<8192xf32, #tpu.memory_space<vmem>>, vector<16xf32>,
        %parallel_loop3A_791 = tpu.vector_load_idx %arg12[%add3A_23, %parallel_loop3A_751] : memref<128x65xf32, #tpu.memory_space<vmem>>[vector<16xi32>, vector<16xi32>], vector<16xf32>,
        %parallel_loop3A_792 = arith.constant 96 : i32
        %parallel_loop3A_793 = arith.addi %parallel_loop3A_760, %parallel_loop3A_792 : i32
        %parallel_loop3A_794 = arith.index_cast %parallel_loop3A_793 : i32 to index
        %parallel_loop3A_795 = tpu.vector_load %arg14[%parallel_loop3A_794] {strides = array<i32>} : memref<8192xf32, #tpu.memory_space<vmem>>, vector<16xf32>,
        tpu.vector_store %arg14[%parallel_loop3A_794], %parallel_loop3A_791 {strides = array<i32>} : memref<8192xf32, #tpu.memory_space<vmem>>, vector<16xf32>,
        %parallel_loop3A_796 = tpu.vector_load_idx %arg12[%add3A_26, %parallel_loop3A_751] : memref<128x65xf32, #tpu.memory_space<vmem>>[vector<16xi32>, vector<16xi32>], vector<16xf32>,
        %parallel_loop3A_797 = arith.constant 112 : i32
        %parallel_loop3A_798 = arith.addi %parallel_loop3A_760, %parallel_loop3A_797 : i32
        %parallel_loop3A_799 = arith.index_cast %parallel_loop3A_798 : i32 to index
        %parallel_loop3A_800 = tpu.vector_load %arg14[%parallel_loop3A_799] {strides = array<i32>} : memref<8192xf32, #tpu.memory_space<vmem>>, vector<16xf32>,
        tpu.vector_store %arg14[%parallel_loop3A_799], %parallel_loop3A_796 {strides = array<i32>} : memref<8192xf32, #tpu.memory_space<vmem>>, vector<16xf32>,
      } {sc.loop_unroll_factor = 2 : i64, sc.parallel_access}
      %dma_start3A_406 = arith.constant 0 : i32
      %dma_start3A_407 = arith.constant 0 : i32
      %dma_start3A_408 = tpu.memref_slice %arg14[%dma_start3A_407] : memref<8192xf32, #tpu.memory_space<vmem>> -> memref<1024xf32, #tpu.memory_space<vmem>>
      %dma_start3A_409 = arith.constant 0 : i32
      %dma_start3A_410 = tpu.memref_slice %arg5[%add3A_369, %dma_start3A_406, %add3A, %dma_start3A_409] : memref<200x8x32x1024xf32, #tpu.memory_space<hbm>> -> memref<1x1x1x1024xf32, #tpu.memory_space<hbm>>
      %dma_start3A_411 = tpu.memref_squeeze %dma_start3A_410 : memref<1x1x1x1024xf32, #tpu.memory_space<hbm>> -> memref<1024xf32, #tpu.memory_space<hbm>>
      %dma_start3A_412 = arith.constant 0 : i32
      %dma_start3A_413 = tpu.memref_slice %arg5[%add3A_369, %dma_start3A_406, %add3A, %dma_start3A_412] : memref<200x8x32x1024xf32, #tpu.memory_space<hbm>> -> memref<1x1x1x1024xf32, #tpu.memory_space<hbm>>
      %dma_start3A_414 = tpu.memref_squeeze %dma_start3A_413 : memref<1x1x1x1024xf32, #tpu.memory_space<hbm>> -> memref<1024xf32, #tpu.memory_space<hbm>>
      %dma_start3A_415 = arith.constant 0 : i32
      %dma_start3A_416 = tpu.memref_slice %arg14[%dma_start3A_415] : memref<8192xf32, #tpu.memory_space<vmem>> -> memref<1024xf32, #tpu.memory_space<vmem>>
      tpu.enqueue_dma source(%dma_start3A_416 : memref<1024xf32, #tpu.memory_space<vmem>>) target(%dma_start3A_414 : memref<1024xf32, #tpu.memory_space<hbm>>) target_semaphore(%arg20 : memref<!tpu.dma_semaphore, #tpu.memory_space<semaphore_mem>>)
      %dma_start3A_417 = arith.constant 1 : i32
      %dma_start3A_418 = arith.constant 1024 : i32
      %dma_start3A_419 = tpu.memref_slice %arg14[%dma_start3A_418] : memref<8192xf32, #tpu.memory_space<vmem>> -> memref<1024xf32, #tpu.memory_space<vmem>>
      %dma_start3A_420 = arith.constant 0 : i32
      %dma_start3A_421 = tpu.memref_slice %arg5[%add3A_369, %dma_start3A_417, %add3A, %dma_start3A_420] : memref<200x8x32x1024xf32, #tpu.memory_space<hbm>> -> memref<1x1x1x1024xf32, #tpu.memory_space<hbm>>
      %dma_start3A_422 = tpu.memref_squeeze %dma_start3A_421 : memref<1x1x1x1024xf32, #tpu.memory_space<hbm>> -> memref<1024xf32, #tpu.memory_space<hbm>>
      %dma_start3A_423 = arith.constant 0 : i32
      %dma_start3A_424 = tpu.memref_slice %arg5[%add3A_369, %dma_start3A_417, %add3A, %dma_start3A_423] : memref<200x8x32x1024xf32, #tpu.memory_space<hbm>> -> memref<1x1x1x1024xf32, #tpu.memory_space<hbm>>
      %dma_start3A_425 = tpu.memref_squeeze %dma_start3A_424 : memref<1x1x1x1024xf32, #tpu.memory_space<hbm>> -> memref<1024xf32, #tpu.memory_space<hbm>>
      %dma_start3A_426 = arith.constant 1024 : i32
      %dma_start3A_427 = tpu.memref_slice %arg14[%dma_start3A_426] : memref<8192xf32, #tpu.memory_space<vmem>> -> memref<1024xf32, #tpu.memory_space<vmem>>
      tpu.enqueue_dma source(%dma_start3A_427 : memref<1024xf32, #tpu.memory_space<vmem>>) target(%dma_start3A_425 : memref<1024xf32, #tpu.memory_space<hbm>>) target_semaphore(%arg20 : memref<!tpu.dma_semaphore, #tpu.memory_space<semaphore_mem>>)
      %dma_start3A_428 = arith.constant 2 : i32
      %dma_start3A_429 = arith.constant 2048 : i32
      %dma_start3A_430 = tpu.memref_slice %arg14[%dma_start3A_429] : memref<8192xf32, #tpu.memory_space<vmem>> -> memref<1024xf32, #tpu.memory_space<vmem>>
      %dma_start3A_431 = arith.constant 0 : i32
      %dma_start3A_432 = tpu.memref_slice %arg5[%add3A_369, %dma_start3A_428, %add3A, %dma_start3A_431] : memref<200x8x32x1024xf32, #tpu.memory_space<hbm>> -> memref<1x1x1x1024xf32, #tpu.memory_space<hbm>>
      %dma_start3A_433 = tpu.memref_squeeze %dma_start3A_432 : memref<1x1x1x1024xf32, #tpu.memory_space<hbm>> -> memref<1024xf32, #tpu.memory_space<hbm>>
      %dma_start3A_434 = arith.constant 0 : i32
      %dma_start3A_435 = tpu.memref_slice %arg5[%add3A_369, %dma_start3A_428, %add3A, %dma_start3A_434] : memref<200x8x32x1024xf32, #tpu.memory_space<hbm>> -> memref<1x1x1x1024xf32, #tpu.memory_space<hbm>>
      %dma_start3A_436 = tpu.memref_squeeze %dma_start3A_435 : memref<1x1x1x1024xf32, #tpu.memory_space<hbm>> -> memref<1024xf32, #tpu.memory_space<hbm>>
      %dma_start3A_437 = arith.constant 2048 : i32
      %dma_start3A_438 = tpu.memref_slice %arg14[%dma_start3A_437] : memref<8192xf32, #tpu.memory_space<vmem>> -> memref<1024xf32, #tpu.memory_space<vmem>>
      tpu.enqueue_dma source(%dma_start3A_438 : memref<1024xf32, #tpu.memory_space<vmem>>) target(%dma_start3A_436 : memref<1024xf32, #tpu.memory_space<hbm>>) target_semaphore(%arg20 : memref<!tpu.dma_semaphore, #tpu.memory_space<semaphore_mem>>)
      %dma_start3A_439 = arith.constant 3 : i32
      %dma_start3A_440 = arith.constant 3072 : i32
      %dma_start3A_441 = tpu.memref_slice %arg14[%dma_start3A_440] : memref<8192xf32, #tpu.memory_space<vmem>> -> memref<1024xf32, #tpu.memory_space<vmem>>
      %dma_start3A_442 = arith.constant 0 : i32
      %dma_start3A_443 = tpu.memref_slice %arg5[%add3A_369, %dma_start3A_439, %add3A, %dma_start3A_442] : memref<200x8x32x1024xf32, #tpu.memory_space<hbm>> -> memref<1x1x1x1024xf32, #tpu.memory_space<hbm>>
      %dma_start3A_444 = tpu.memref_squeeze %dma_start3A_443 : memref<1x1x1x1024xf32, #tpu.memory_space<hbm>> -> memref<1024xf32, #tpu.memory_space<hbm>>
      %dma_start3A_445 = arith.constant 0 : i32
      %dma_start3A_446 = tpu.memref_slice %arg5[%add3A_369, %dma_start3A_439, %add3A, %dma_start3A_445] : memref<200x8x32x1024xf32, #tpu.memory_space<hbm>> -> memref<1x1x1x1024xf32, #tpu.memory_space<hbm>>
      %dma_start3A_447 = tpu.memref_squeeze %dma_start3A_446 : memref<1x1x1x1024xf32, #tpu.memory_space<hbm>> -> memref<1024xf32, #tpu.memory_space<hbm>>
      %dma_start3A_448 = arith.constant 3072 : i32
      %dma_start3A_449 = tpu.memref_slice %arg14[%dma_start3A_448] : memref<8192xf32, #tpu.memory_space<vmem>> -> memref<1024xf32, #tpu.memory_space<vmem>>
      tpu.enqueue_dma source(%dma_start3A_449 : memref<1024xf32, #tpu.memory_space<vmem>>) target(%dma_start3A_447 : memref<1024xf32, #tpu.memory_space<hbm>>) target_semaphore(%arg20 : memref<!tpu.dma_semaphore, #tpu.memory_space<semaphore_mem>>)
      %dma_start3A_450 = arith.constant 4 : i32
      %dma_start3A_451 = arith.constant 4096 : i32
      %dma_start3A_452 = tpu.memref_slice %arg14[%dma_start3A_451] : memref<8192xf32, #tpu.memory_space<vmem>> -> memref<1024xf32, #tpu.memory_space<vmem>>
      %dma_start3A_453 = arith.constant 0 : i32
      %dma_start3A_454 = tpu.memref_slice %arg5[%add3A_369, %dma_start3A_450, %add3A, %dma_start3A_453] : memref<200x8x32x1024xf32, #tpu.memory_space<hbm>> -> memref<1x1x1x1024xf32, #tpu.memory_space<hbm>>
      %dma_start3A_455 = tpu.memref_squeeze %dma_start3A_454 : memref<1x1x1x1024xf32, #tpu.memory_space<hbm>> -> memref<1024xf32, #tpu.memory_space<hbm>>
      %dma_start3A_456 = arith.constant 0 : i32
      %dma_start3A_457 = tpu.memref_slice %arg5[%add3A_369, %dma_start3A_450, %add3A, %dma_start3A_456] : memref<200x8x32x1024xf32, #tpu.memory_space<hbm>> -> memref<1x1x1x1024xf32, #tpu.memory_space<hbm>>
      %dma_start3A_458 = tpu.memref_squeeze %dma_start3A_457 : memref<1x1x1x1024xf32, #tpu.memory_space<hbm>> -> memref<1024xf32, #tpu.memory_space<hbm>>
      %dma_start3A_459 = arith.constant 4096 : i32
      %dma_start3A_460 = tpu.memref_slice %arg14[%dma_start3A_459] : memref<8192xf32, #tpu.memory_space<vmem>> -> memref<1024xf32, #tpu.memory_space<vmem>>
      tpu.enqueue_dma source(%dma_start3A_460 : memref<1024xf32, #tpu.memory_space<vmem>>) target(%dma_start3A_458 : memref<1024xf32, #tpu.memory_space<hbm>>) target_semaphore(%arg20 : memref<!tpu.dma_semaphore, #tpu.memory_space<semaphore_mem>>)
      %dma_start3A_461 = arith.constant 5 : i32
      %dma_start3A_462 = arith.constant 5120 : i32
      %dma_start3A_463 = tpu.memref_slice %arg14[%dma_start3A_462] : memref<8192xf32, #tpu.memory_space<vmem>> -> memref<1024xf32, #tpu.memory_space<vmem>>
      %dma_start3A_464 = arith.constant 0 : i32
      %dma_start3A_465 = tpu.memref_slice %arg5[%add3A_369, %dma_start3A_461, %add3A, %dma_start3A_464] : memref<200x8x32x1024xf32, #tpu.memory_space<hbm>> -> memref<1x1x1x1024xf32, #tpu.memory_space<hbm>>
      %dma_start3A_466 = tpu.memref_squeeze %dma_start3A_465 : memref<1x1x1x1024xf32, #tpu.memory_space<hbm>> -> memref<1024xf32, #tpu.memory_space<hbm>>
      %dma_start3A_467 = arith.constant 0 : i32
      %dma_start3A_468 = tpu.memref_slice %arg5[%add3A_369, %dma_start3A_461, %add3A, %dma_start3A_467] : memref<200x8x32x1024xf32, #tpu.memory_space<hbm>> -> memref<1x1x1x1024xf32, #tpu.memory_space<hbm>>
      %dma_start3A_469 = tpu.memref_squeeze %dma_start3A_468 : memref<1x1x1x1024xf32, #tpu.memory_space<hbm>> -> memref<1024xf32, #tpu.memory_space<hbm>>
      %dma_start3A_470 = arith.constant 5120 : i32
      %dma_start3A_471 = tpu.memref_slice %arg14[%dma_start3A_470] : memref<8192xf32, #tpu.memory_space<vmem>> -> memref<1024xf32, #tpu.memory_space<vmem>>
      tpu.enqueue_dma source(%dma_start3A_471 : memref<1024xf32, #tpu.memory_space<vmem>>) target(%dma_start3A_469 : memref<1024xf32, #tpu.memory_space<hbm>>) target_semaphore(%arg20 : memref<!tpu.dma_semaphore, #tpu.memory_space<semaphore_mem>>)
      %dma_start3A_472 = arith.constant 6 : i32
      %dma_start3A_473 = arith.constant 6144 : i32
      %dma_start3A_474 = tpu.memref_slice %arg14[%dma_start3A_473] : memref<8192xf32, #tpu.memory_space<vmem>> -> memref<1024xf32, #tpu.memory_space<vmem>>
      %dma_start3A_475 = arith.constant 0 : i32
      %dma_start3A_476 = tpu.memref_slice %arg5[%add3A_369, %dma_start3A_472, %add3A, %dma_start3A_475] : memref<200x8x32x1024xf32, #tpu.memory_space<hbm>> -> memref<1x1x1x1024xf32, #tpu.memory_space<hbm>>
      %dma_start3A_477 = tpu.memref_squeeze %dma_start3A_476 : memref<1x1x1x1024xf32, #tpu.memory_space<hbm>> -> memref<1024xf32, #tpu.memory_space<hbm>>
      %dma_start3A_478 = arith.constant 0 : i32
      %dma_start3A_479 = tpu.memref_slice %arg5[%add3A_369, %dma_start3A_472, %add3A, %dma_start3A_478] : memref<200x8x32x1024xf32, #tpu.memory_space<hbm>> -> memref<1x1x1x1024xf32, #tpu.memory_space<hbm>>
      %dma_start3A_480 = tpu.memref_squeeze %dma_start3A_479 : memref<1x1x1x1024xf32, #tpu.memory_space<hbm>> -> memref<1024xf32, #tpu.memory_space<hbm>>
      %dma_start3A_481 = arith.constant 6144 : i32
      %dma_start3A_482 = tpu.memref_slice %arg14[%dma_start3A_481] : memref<8192xf32, #tpu.memory_space<vmem>> -> memref<1024xf32, #tpu.memory_space<vmem>>
      tpu.enqueue_dma source(%dma_start3A_482 : memref<1024xf32, #tpu.memory_space<vmem>>) target(%dma_start3A_480 : memref<1024xf32, #tpu.memory_space<hbm>>) target_semaphore(%arg20 : memref<!tpu.dma_semaphore, #tpu.memory_space<semaphore_mem>>)
      %dma_start3A_483 = arith.constant 7 : i32
      %dma_start3A_484 = arith.constant 7168 : i32
      %dma_start3A_485 = tpu.memref_slice %arg14[%dma_start3A_484] : memref<8192xf32, #tpu.memory_space<vmem>> -> memref<1024xf32, #tpu.memory_space<vmem>>
      %dma_start3A_486 = arith.constant 0 : i32
      %dma_start3A_487 = tpu.memref_slice %arg5[%add3A_369, %dma_start3A_483, %add3A, %dma_start3A_486] : memref<200x8x32x1024xf32, #tpu.memory_space<hbm>> -> memref<1x1x1x1024xf32, #tpu.memory_space<hbm>>
      %dma_start3A_488 = tpu.memref_squeeze %dma_start3A_487 : memref<1x1x1x1024xf32, #tpu.memory_space<hbm>> -> memref<1024xf32, #tpu.memory_space<hbm>>
      %dma_start3A_489 = arith.constant 0 : i32
      %dma_start3A_490 = tpu.memref_slice %arg5[%add3A_369, %dma_start3A_483, %add3A, %dma_start3A_489] : memref<200x8x32x1024xf32, #tpu.memory_space<hbm>> -> memref<1x1x1x1024xf32, #tpu.memory_space<hbm>>
      %dma_start3A_491 = tpu.memref_squeeze %dma_start3A_490 : memref<1x1x1x1024xf32, #tpu.memory_space<hbm>> -> memref<1024xf32, #tpu.memory_space<hbm>>
      %dma_start3A_492 = arith.constant 7168 : i32
      %dma_start3A_493 = tpu.memref_slice %arg14[%dma_start3A_492] : memref<8192xf32, #tpu.memory_space<vmem>> -> memref<1024xf32, #tpu.memory_space<vmem>>
      tpu.enqueue_dma source(%dma_start3A_493 : memref<1024xf32, #tpu.memory_space<vmem>>) target(%dma_start3A_491 : memref<1024xf32, #tpu.memory_space<hbm>>) target_semaphore(%arg20 : memref<!tpu.dma_semaphore, #tpu.memory_space<semaphore_mem>>)
      %mul3A_494 = arith.constant 4 : i32
      %mul3A_495 = arith.muli %scan3A_243, %mul3A_494 : i32
      %add3A_496 = arith.constant 2 : i32
      %add3A_497 = arith.addi %mul3A_495, %add3A_496 : i32
      %add3A_498 = arith.constant 3 : i32
      %add3A_499 = arith.addi %add3A_497, %add3A_498 : i32
      %lt3A_500 = arith.constant 200 : i32
      %lt3A_501 = arith.cmpi slt, %add3A_499, %lt3A_500 : i32
      %convert_element_type3A_502 = arith.extui %lt3A_501 : i1 to i32
      %cond3A_503 = arith.constant 0 : i32
      %cond3A_504 = arith.cmpi ne, %convert_element_type3A_502, %cond3A_503 : i32
      scf.if %cond3A_504 {
        %add3A_750 = arith.constant 3 : i32
        %add3A_751 = arith.addi %add3A_497, %add3A_750 : i32
        %dma_start3A_752 = arith.constant 0 : i32
        %dma_start3A_753 = tpu.memref_slice %arg6[%add3A_751, %dma_start3A_752] : memref<200x128xi32, #tpu.memory_space<vmem>> -> memref<1x128xi32, #tpu.memory_space<vmem>>
        %dma_start3A_754 = tpu.memref_squeeze %dma_start3A_753 : memref<1x128xi32, #tpu.memory_space<vmem>> -> memref<128xi32, #tpu.memory_space<vmem>>
        %dma_start3A_755 = arith.constant 0 : i32
        %dma_start3A_756 = arith.constant 0 : i32
        %dma_start3A_757 = tpu.memref_slice %arg3[%dma_start3A_755, %dma_start3A_756] : memref<100000x64xf32, #tpu.memory_space<hbm>> -> memref<100000x64xf32, #tpu.memory_space<hbm>>
        tpu.enqueue_indirect_dma source(%dma_start3A_757 : memref<100000x64xf32, #tpu.memory_space<hbm>>) target(%arg9 : memref<128x64xf32, #tpu.memory_space<vmem>>) offsets(%dma_start3A_754 : memref<128xi32, #tpu.memory_space<vmem>>) semaphore(%arg16 : memref<!tpu.dma_semaphore, #tpu.memory_space<semaphore_mem>>)
      } else {
      }
      %dma_wait3A_505 = arith.constant 0 : i32
      %dma_wait3A_506 = tpu.memref_slice %arg6[%add3A_497, %dma_wait3A_505] : memref<200x128xi32, #tpu.memory_space<vmem>> -> memref<1x128xi32, #tpu.memory_space<vmem>>
      %dma_wait3A_507 = tpu.memref_squeeze %dma_wait3A_506 : memref<1x128xi32, #tpu.memory_space<vmem>> -> memref<128xi32, #tpu.memory_space<vmem>>
      %dma_wait3A_508 = arith.constant 0 : i32
      %dma_wait3A_509 = arith.constant 0 : i32
      %dma_wait3A_510 = tpu.memref_slice %arg3[%dma_wait3A_508, %dma_wait3A_509] : memref<100000x64xf32, #tpu.memory_space<hbm>> -> memref<100000x64xf32, #tpu.memory_space<hbm>>
      tpu.wait_indirect_dma semaphore(%arg17 : memref<!tpu.dma_semaphore, #tpu.memory_space<semaphore_mem>>) src(%dma_wait3A_510 : memref<100000x64xf32, #tpu.memory_space<hbm>>) dst(%arg10 : memref<128x64xf32, #tpu.memory_space<vmem>>)
      %ge3A_511 = arith.constant 2 : i32
      %ge3A_512 = arith.cmpi sge, %add3A_497, %ge3A_511 : i32
      %convert_element_type3A_513 = arith.extui %ge3A_512 : i1 to i32
      %cond3A_514 = arith.constant 0 : i32
      %cond3A_515 = arith.cmpi ne, %convert_element_type3A_513, %cond3A_514 : i32
      scf.if %cond3A_515 {
        %sub3A = arith.constant 2 : i32
        %sub3A_750 = arith.subi %add3A_497, %sub3A : i32
        %dma_wait3A_751 = arith.constant 0 : i32
        %dma_wait3A_752 = arith.constant 0 : i32
        %dma_wait3A_753 = tpu.memref_slice %arg13[%dma_wait3A_752] : memref<8192xf32, #tpu.memory_space<vmem>> -> memref<1024xf32, #tpu.memory_space<vmem>>
        %dma_wait3A_754 = arith.constant 0 : i32
        %dma_wait3A_755 = tpu.memref_slice %arg5[%sub3A_750, %dma_wait3A_751, %add3A, %dma_wait3A_754] : memref<200x8x32x1024xf32, #tpu.memory_space<hbm>> -> memref<1x1x1x1024xf32, #tpu.memory_space<hbm>>
        %dma_wait3A_756 = tpu.memref_squeeze %dma_wait3A_755 : memref<1x1x1x1024xf32, #tpu.memory_space<hbm>> -> memref<1024xf32, #tpu.memory_space<hbm>>
        %dma_wait3A_757 = arith.constant 0 : i32
        %dma_wait3A_758 = tpu.memref_slice %arg5[%sub3A_750, %dma_wait3A_751, %add3A, %dma_wait3A_757] : memref<200x8x32x1024xf32, #tpu.memory_space<hbm>> -> memref<1x1x1x1024xf32, #tpu.memory_space<hbm>>
        %dma_wait3A_759 = tpu.memref_squeeze %dma_wait3A_758 : memref<1x1x1x1024xf32, #tpu.memory_space<hbm>> -> memref<1024xf32, #tpu.memory_space<hbm>>
        %dma_wait3A_760 = arith.constant 0 : i32
        %dma_wait3A_761 = tpu.memref_slice %arg13[%dma_wait3A_760] : memref<8192xf32, #tpu.memory_space<vmem>> -> memref<1024xf32, #tpu.memory_space<vmem>>
        tpu.wait_dma2 semaphore(%arg19 : memref<!tpu.dma_semaphore, #tpu.memory_space<semaphore_mem>>) src(%dma_wait3A_761 : memref<1024xf32, #tpu.memory_space<vmem>>) dst(%dma_wait3A_759 : memref<1024xf32, #tpu.memory_space<hbm>>)
        %dma_wait3A_762 = arith.constant 1 : i32
        %dma_wait3A_763 = arith.constant 1024 : i32
        %dma_wait3A_764 = tpu.memref_slice %arg13[%dma_wait3A_763] : memref<8192xf32, #tpu.memory_space<vmem>> -> memref<1024xf32, #tpu.memory_space<vmem>>
        %dma_wait3A_765 = arith.constant 0 : i32
        %dma_wait3A_766 = tpu.memref_slice %arg5[%sub3A_750, %dma_wait3A_762, %add3A, %dma_wait3A_765] : memref<200x8x32x1024xf32, #tpu.memory_space<hbm>> -> memref<1x1x1x1024xf32, #tpu.memory_space<hbm>>
        %dma_wait3A_767 = tpu.memref_squeeze %dma_wait3A_766 : memref<1x1x1x1024xf32, #tpu.memory_space<hbm>> -> memref<1024xf32, #tpu.memory_space<hbm>>
        %dma_wait3A_768 = arith.constant 0 : i32
        %dma_wait3A_769 = tpu.memref_slice %arg5[%sub3A_750, %dma_wait3A_762, %add3A, %dma_wait3A_768] : memref<200x8x32x1024xf32, #tpu.memory_space<hbm>> -> memref<1x1x1x1024xf32, #tpu.memory_space<hbm>>
        %dma_wait3A_770 = tpu.memref_squeeze %dma_wait3A_769 : memref<1x1x1x1024xf32, #tpu.memory_space<hbm>> -> memref<1024xf32, #tpu.memory_space<hbm>>
        %dma_wait3A_771 = arith.constant 1024 : i32
        %dma_wait3A_772 = tpu.memref_slice %arg13[%dma_wait3A_771] : memref<8192xf32, #tpu.memory_space<vmem>> -> memref<1024xf32, #tpu.memory_space<vmem>>
        tpu.wait_dma2 semaphore(%arg19 : memref<!tpu.dma_semaphore, #tpu.memory_space<semaphore_mem>>) src(%dma_wait3A_772 : memref<1024xf32, #tpu.memory_space<vmem>>) dst(%dma_wait3A_770 : memref<1024xf32, #tpu.memory_space<hbm>>)
        %dma_wait3A_773 = arith.constant 2 : i32
        %dma_wait3A_774 = arith.constant 2048 : i32
        %dma_wait3A_775 = tpu.memref_slice %arg13[%dma_wait3A_774] : memref<8192xf32, #tpu.memory_space<vmem>> -> memref<1024xf32, #tpu.memory_space<vmem>>
        %dma_wait3A_776 = arith.constant 0 : i32
        %dma_wait3A_777 = tpu.memref_slice %arg5[%sub3A_750, %dma_wait3A_773, %add3A, %dma_wait3A_776] : memref<200x8x32x1024xf32, #tpu.memory_space<hbm>> -> memref<1x1x1x1024xf32, #tpu.memory_space<hbm>>
        %dma_wait3A_778 = tpu.memref_squeeze %dma_wait3A_777 : memref<1x1x1x1024xf32, #tpu.memory_space<hbm>> -> memref<1024xf32, #tpu.memory_space<hbm>>
        %dma_wait3A_779 = arith.constant 0 : i32
        %dma_wait3A_780 = tpu.memref_slice %arg5[%sub3A_750, %dma_wait3A_773, %add3A, %dma_wait3A_779] : memref<200x8x32x1024xf32, #tpu.memory_space<hbm>> -> memref<1x1x1x1024xf32, #tpu.memory_space<hbm>>
        %dma_wait3A_781 = tpu.memref_squeeze %dma_wait3A_780 : memref<1x1x1x1024xf32, #tpu.memory_space<hbm>> -> memref<1024xf32, #tpu.memory_space<hbm>>
        %dma_wait3A_782 = arith.constant 2048 : i32
        %dma_wait3A_783 = tpu.memref_slice %arg13[%dma_wait3A_782] : memref<8192xf32, #tpu.memory_space<vmem>> -> memref<1024xf32, #tpu.memory_space<vmem>>
        tpu.wait_dma2 semaphore(%arg19 : memref<!tpu.dma_semaphore, #tpu.memory_space<semaphore_mem>>) src(%dma_wait3A_783 : memref<1024xf32, #tpu.memory_space<vmem>>) dst(%dma_wait3A_781 : memref<1024xf32, #tpu.memory_space<hbm>>)
        %dma_wait3A_784 = arith.constant 3 : i32
        %dma_wait3A_785 = arith.constant 3072 : i32
        %dma_wait3A_786 = tpu.memref_slice %arg13[%dma_wait3A_785] : memref<8192xf32, #tpu.memory_space<vmem>> -> memref<1024xf32, #tpu.memory_space<vmem>>
        %dma_wait3A_787 = arith.constant 0 : i32
        %dma_wait3A_788 = tpu.memref_slice %arg5[%sub3A_750, %dma_wait3A_784, %add3A, %dma_wait3A_787] : memref<200x8x32x1024xf32, #tpu.memory_space<hbm>> -> memref<1x1x1x1024xf32, #tpu.memory_space<hbm>>
        %dma_wait3A_789 = tpu.memref_squeeze %dma_wait3A_788 : memref<1x1x1x1024xf32, #tpu.memory_space<hbm>> -> memref<1024xf32, #tpu.memory_space<hbm>>
        %dma_wait3A_790 = arith.constant 0 : i32
        %dma_wait3A_791 = tpu.memref_slice %arg5[%sub3A_750, %dma_wait3A_784, %add3A, %dma_wait3A_790] : memref<200x8x32x1024xf32, #tpu.memory_space<hbm>> -> memref<1x1x1x1024xf32, #tpu.memory_space<hbm>>
        %dma_wait3A_792 = tpu.memref_squeeze %dma_wait3A_791 : memref<1x1x1x1024xf32, #tpu.memory_space<hbm>> -> memref<1024xf32, #tpu.memory_space<hbm>>
        %dma_wait3A_793 = arith.constant 3072 : i32
        %dma_wait3A_794 = tpu.memref_slice %arg13[%dma_wait3A_793] : memref<8192xf32, #tpu.memory_space<vmem>> -> memref<1024xf32, #tpu.memory_space<vmem>>
        tpu.wait_dma2 semaphore(%arg19 : memref<!tpu.dma_semaphore, #tpu.memory_space<semaphore_mem>>) src(%dma_wait3A_794 : memref<1024xf32, #tpu.memory_space<vmem>>) dst(%dma_wait3A_792 : memref<1024xf32, #tpu.memory_space<hbm>>)
        %dma_wait3A_795 = arith.constant 4 : i32
        %dma_wait3A_796 = arith.constant 4096 : i32
        %dma_wait3A_797 = tpu.memref_slice %arg13[%dma_wait3A_796] : memref<8192xf32, #tpu.memory_space<vmem>> -> memref<1024xf32, #tpu.memory_space<vmem>>
        %dma_wait3A_798 = arith.constant 0 : i32
        %dma_wait3A_799 = tpu.memref_slice %arg5[%sub3A_750, %dma_wait3A_795, %add3A, %dma_wait3A_798] : memref<200x8x32x1024xf32, #tpu.memory_space<hbm>> -> memref<1x1x1x1024xf32, #tpu.memory_space<hbm>>
        %dma_wait3A_800 = tpu.memref_squeeze %dma_wait3A_799 : memref<1x1x1x1024xf32, #tpu.memory_space<hbm>> -> memref<1024xf32, #tpu.memory_space<hbm>>
        %dma_wait3A_801 = arith.constant 0 : i32
        %dma_wait3A_802 = tpu.memref_slice %arg5[%sub3A_750, %dma_wait3A_795, %add3A, %dma_wait3A_801] : memref<200x8x32x1024xf32, #tpu.memory_space<hbm>> -> memref<1x1x1x1024xf32, #tpu.memory_space<hbm>>
        %dma_wait3A_803 = tpu.memref_squeeze %dma_wait3A_802 : memref<1x1x1x1024xf32, #tpu.memory_space<hbm>> -> memref<1024xf32, #tpu.memory_space<hbm>>
        %dma_wait3A_804 = arith.constant 4096 : i32
        %dma_wait3A_805 = tpu.memref_slice %arg13[%dma_wait3A_804] : memref<8192xf32, #tpu.memory_space<vmem>> -> memref<1024xf32, #tpu.memory_space<vmem>>
        tpu.wait_dma2 semaphore(%arg19 : memref<!tpu.dma_semaphore, #tpu.memory_space<semaphore_mem>>) src(%dma_wait3A_805 : memref<1024xf32, #tpu.memory_space<vmem>>) dst(%dma_wait3A_803 : memref<1024xf32, #tpu.memory_space<hbm>>)
        %dma_wait3A_806 = arith.constant 5 : i32
        %dma_wait3A_807 = arith.constant 5120 : i32
        %dma_wait3A_808 = tpu.memref_slice %arg13[%dma_wait3A_807] : memref<8192xf32, #tpu.memory_space<vmem>> -> memref<1024xf32, #tpu.memory_space<vmem>>
        %dma_wait3A_809 = arith.constant 0 : i32
        %dma_wait3A_810 = tpu.memref_slice %arg5[%sub3A_750, %dma_wait3A_806, %add3A, %dma_wait3A_809] : memref<200x8x32x1024xf32, #tpu.memory_space<hbm>> -> memref<1x1x1x1024xf32, #tpu.memory_space<hbm>>
        %dma_wait3A_811 = tpu.memref_squeeze %dma_wait3A_810 : memref<1x1x1x1024xf32, #tpu.memory_space<hbm>> -> memref<1024xf32, #tpu.memory_space<hbm>>
        %dma_wait3A_812 = arith.constant 0 : i32
        %dma_wait3A_813 = tpu.memref_slice %arg5[%sub3A_750, %dma_wait3A_806, %add3A, %dma_wait3A_812] : memref<200x8x32x1024xf32, #tpu.memory_space<hbm>> -> memref<1x1x1x1024xf32, #tpu.memory_space<hbm>>
        %dma_wait3A_814 = tpu.memref_squeeze %dma_wait3A_813 : memref<1x1x1x1024xf32, #tpu.memory_space<hbm>> -> memref<1024xf32, #tpu.memory_space<hbm>>
        %dma_wait3A_815 = arith.constant 5120 : i32
        %dma_wait3A_816 = tpu.memref_slice %arg13[%dma_wait3A_815] : memref<8192xf32, #tpu.memory_space<vmem>> -> memref<1024xf32, #tpu.memory_space<vmem>>
        tpu.wait_dma2 semaphore(%arg19 : memref<!tpu.dma_semaphore, #tpu.memory_space<semaphore_mem>>) src(%dma_wait3A_816 : memref<1024xf32, #tpu.memory_space<vmem>>) dst(%dma_wait3A_814 : memref<1024xf32, #tpu.memory_space<hbm>>)
        %dma_wait3A_817 = arith.constant 6 : i32
        %dma_wait3A_818 = arith.constant 6144 : i32
        %dma_wait3A_819 = tpu.memref_slice %arg13[%dma_wait3A_818] : memref<8192xf32, #tpu.memory_space<vmem>> -> memref<1024xf32, #tpu.memory_space<vmem>>
        %dma_wait3A_820 = arith.constant 0 : i32
        %dma_wait3A_821 = tpu.memref_slice %arg5[%sub3A_750, %dma_wait3A_817, %add3A, %dma_wait3A_820] : memref<200x8x32x1024xf32, #tpu.memory_space<hbm>> -> memref<1x1x1x1024xf32, #tpu.memory_space<hbm>>
        %dma_wait3A_822 = tpu.memref_squeeze %dma_wait3A_821 : memref<1x1x1x1024xf32, #tpu.memory_space<hbm>> -> memref<1024xf32, #tpu.memory_space<hbm>>
        %dma_wait3A_823 = arith.constant 0 : i32
        %dma_wait3A_824 = tpu.memref_slice %arg5[%sub3A_750, %dma_wait3A_817, %add3A, %dma_wait3A_823] : memref<200x8x32x1024xf32, #tpu.memory_space<hbm>> -> memref<1x1x1x1024xf32, #tpu.memory_space<hbm>>
        %dma_wait3A_825 = tpu.memref_squeeze %dma_wait3A_824 : memref<1x1x1x1024xf32, #tpu.memory_space<hbm>> -> memref<1024xf32, #tpu.memory_space<hbm>>
        %dma_wait3A_826 = arith.constant 6144 : i32
        %dma_wait3A_827 = tpu.memref_slice %arg13[%dma_wait3A_826] : memref<8192xf32, #tpu.memory_space<vmem>> -> memref<1024xf32, #tpu.memory_space<vmem>>
        tpu.wait_dma2 semaphore(%arg19 : memref<!tpu.dma_semaphore, #tpu.memory_space<semaphore_mem>>) src(%dma_wait3A_827 : memref<1024xf32, #tpu.memory_space<vmem>>) dst(%dma_wait3A_825 : memref<1024xf32, #tpu.memory_space<hbm>>)
        %dma_wait3A_828 = arith.constant 7 : i32
        %dma_wait3A_829 = arith.constant 7168 : i32
        %dma_wait3A_830 = tpu.memref_slice %arg13[%dma_wait3A_829] : memref<8192xf32, #tpu.memory_space<vmem>> -> memref<1024xf32, #tpu.memory_space<vmem>>
        %dma_wait3A_831 = arith.constant 0 : i32
        %dma_wait3A_832 = tpu.memref_slice %arg5[%sub3A_750, %dma_wait3A_828, %add3A, %dma_wait3A_831] : memref<200x8x32x1024xf32, #tpu.memory_space<hbm>> -> memref<1x1x1x1024xf32, #tpu.memory_space<hbm>>
        %dma_wait3A_833 = tpu.memref_squeeze %dma_wait3A_832 : memref<1x1x1x1024xf32, #tpu.memory_space<hbm>> -> memref<1024xf32, #tpu.memory_space<hbm>>
        %dma_wait3A_834 = arith.constant 0 : i32
        %dma_wait3A_835 = tpu.memref_slice %arg5[%sub3A_750, %dma_wait3A_828, %add3A, %dma_wait3A_834] : memref<200x8x32x1024xf32, #tpu.memory_space<hbm>> -> memref<1x1x1x1024xf32, #tpu.memory_space<hbm>>
        %dma_wait3A_836 = tpu.memref_squeeze %dma_wait3A_835 : memref<1x1x1x1024xf32, #tpu.memory_space<hbm>> -> memref<1024xf32, #tpu.memory_space<hbm>>
        %dma_wait3A_837 = arith.constant 7168 : i32
        %dma_wait3A_838 = tpu.memref_slice %arg13[%dma_wait3A_837] : memref<8192xf32, #tpu.memory_space<vmem>> -> memref<1024xf32, #tpu.memory_space<vmem>>
        tpu.wait_dma2 semaphore(%arg19 : memref<!tpu.dma_semaphore, #tpu.memory_space<semaphore_mem>>) src(%dma_wait3A_838 : memref<1024xf32, #tpu.memory_space<vmem>>) dst(%dma_wait3A_836 : memref<1024xf32, #tpu.memory_space<hbm>>)
      } else {
      }
      %get3A_516 = arith.index_cast %add3A_497 : i32 to index
      %get3A_517 = arith.constant 0 : index
      %get3A_518 = tpu.vector_load %arg7[%get3A_516, %get3A_517] {strides = array<i32>} : memref<200x64xf32, #tpu.memory_space<vmem>>, vector<16xf32>,
      %get3A_519 = arith.index_cast %add3A_497 : i32 to index
      %get3A_520 = arith.constant 16 : index
      %get3A_521 = tpu.vector_load %arg7[%get3A_519, %get3A_520] {strides = array<i32>} : memref<200x64xf32, #tpu.memory_space<vmem>>, vector<16xf32>,
      %get3A_522 = arith.index_cast %add3A_497 : i32 to index
      %get3A_523 = arith.constant 32 : index
      %get3A_524 = tpu.vector_load %arg7[%get3A_522, %get3A_523] {strides = array<i32>} : memref<200x64xf32, #tpu.memory_space<vmem>>, vector<16xf32>,
      %get3A_525 = arith.index_cast %add3A_497 : i32 to index
      %get3A_526 = arith.constant 48 : index
      %get3A_527 = tpu.vector_load %arg7[%get3A_525, %get3A_526] {strides = array<i32>} : memref<200x64xf32, #tpu.memory_space<vmem>>, vector<16xf32>,
      %parallel_loop3A_528 = arith.constant 0 : i32
      %parallel_loop3A_529 = arith.constant 128 : i32
      %parallel_loop3A_530 = arith.constant 1 : i32
      scf.for %parallel_loop3A_750 = %parallel_loop3A_528 to %parallel_loop3A_529 step %parallel_loop3A_530  : i32 {
        %parallel_loop3A_751 = arith.index_cast %parallel_loop3A_750 : i32 to index
        %parallel_loop3A_752 = arith.constant 0 : index
        %parallel_loop3A_753 = tpu.vector_load %arg10[%parallel_loop3A_751, %parallel_loop3A_752] {strides = array<i32>} : memref<128x64xf32, #tpu.memory_space<vmem>>, vector<16xf32>,
        %parallel_loop3A_754 = arith.addf %parallel_loop3A_753, %get3A_518 : vector<16xf32>
        %parallel_loop3A_755 = arith.index_cast %parallel_loop3A_750 : i32 to index
        %parallel_loop3A_756 = arith.constant 0 : index
        %parallel_loop3A_757 = tpu.vector_load %arg12[%parallel_loop3A_755, %parallel_loop3A_756] {strides = array<i32>} : memref<128x65xf32, #tpu.memory_space<vmem>>, vector<16xf32>,
        tpu.vector_store %arg12[%parallel_loop3A_755, %parallel_loop3A_756], %parallel_loop3A_754 {strides = array<i32>} : memref<128x65xf32, #tpu.memory_space<vmem>>, vector<16xf32>,
        %parallel_loop3A_758 = arith.index_cast %parallel_loop3A_750 : i32 to index
        %parallel_loop3A_759 = arith.constant 16 : index
        %parallel_loop3A_760 = tpu.vector_load %arg10[%parallel_loop3A_758, %parallel_loop3A_759] {strides = array<i32>} : memref<128x64xf32, #tpu.memory_space<vmem>>, vector<16xf32>,
        %parallel_loop3A_761 = arith.addf %parallel_loop3A_760, %get3A_521 : vector<16xf32>
        %parallel_loop3A_762 = arith.index_cast %parallel_loop3A_750 : i32 to index
        %parallel_loop3A_763 = arith.constant 16 : index
        %parallel_loop3A_764 = tpu.vector_load %arg12[%parallel_loop3A_762, %parallel_loop3A_763] {strides = array<i32>} : memref<128x65xf32, #tpu.memory_space<vmem>>, vector<16xf32>,
        tpu.vector_store %arg12[%parallel_loop3A_762, %parallel_loop3A_763], %parallel_loop3A_761 {strides = array<i32>} : memref<128x65xf32, #tpu.memory_space<vmem>>, vector<16xf32>,
        %parallel_loop3A_765 = arith.index_cast %parallel_loop3A_750 : i32 to index
        %parallel_loop3A_766 = arith.constant 32 : index
        %parallel_loop3A_767 = tpu.vector_load %arg10[%parallel_loop3A_765, %parallel_loop3A_766] {strides = array<i32>} : memref<128x64xf32, #tpu.memory_space<vmem>>, vector<16xf32>,
        %parallel_loop3A_768 = arith.addf %parallel_loop3A_767, %get3A_524 : vector<16xf32>
        %parallel_loop3A_769 = arith.index_cast %parallel_loop3A_750 : i32 to index
        %parallel_loop3A_770 = arith.constant 32 : index
        %parallel_loop3A_771 = tpu.vector_load %arg12[%parallel_loop3A_769, %parallel_loop3A_770] {strides = array<i32>} : memref<128x65xf32, #tpu.memory_space<vmem>>, vector<16xf32>,
        tpu.vector_store %arg12[%parallel_loop3A_769, %parallel_loop3A_770], %parallel_loop3A_768 {strides = array<i32>} : memref<128x65xf32, #tpu.memory_space<vmem>>, vector<16xf32>,
        %parallel_loop3A_772 = arith.index_cast %parallel_loop3A_750 : i32 to index
        %parallel_loop3A_773 = arith.constant 48 : index
        %parallel_loop3A_774 = tpu.vector_load %arg10[%parallel_loop3A_772, %parallel_loop3A_773] {strides = array<i32>} : memref<128x64xf32, #tpu.memory_space<vmem>>, vector<16xf32>,
        %parallel_loop3A_775 = arith.addf %parallel_loop3A_774, %get3A_527 : vector<16xf32>
        %parallel_loop3A_776 = arith.index_cast %parallel_loop3A_750 : i32 to index
        %parallel_loop3A_777 = arith.constant 48 : index
        %parallel_loop3A_778 = tpu.vector_load %arg12[%parallel_loop3A_776, %parallel_loop3A_777] {strides = array<i32>} : memref<128x65xf32, #tpu.memory_space<vmem>>, vector<16xf32>,
        tpu.vector_store %arg12[%parallel_loop3A_776, %parallel_loop3A_777], %parallel_loop3A_775 {strides = array<i32>} : memref<128x65xf32, #tpu.memory_space<vmem>>, vector<16xf32>,
      } {sc.loop_unroll_factor = 2 : i64, sc.parallel_access}
      %parallel_loop3A_531 = arith.constant 0 : i32
      %parallel_loop3A_532 = arith.constant 64 : i32
      %parallel_loop3A_533 = arith.constant 1 : i32
      scf.for %parallel_loop3A_750 = %parallel_loop3A_531 to %parallel_loop3A_532 step %parallel_loop3A_533  : i32 {
        %parallel_loop3A_751 = vector.broadcast %parallel_loop3A_750 : i32 to vector<16xi32>
        %parallel_loop3A_752 = arith.constant 3 : i32
        %parallel_loop3A_753 = arith.shrui %parallel_loop3A_750, %parallel_loop3A_752 : i32
        %parallel_loop3A_754 = arith.constant 10 : i32
        %parallel_loop3A_755 = arith.shli %parallel_loop3A_753, %parallel_loop3A_754 : i32
        %parallel_loop3A_756 = arith.constant 7 : i32
        %parallel_loop3A_757 = arith.andi %parallel_loop3A_750, %parallel_loop3A_756 : i32
        %parallel_loop3A_758 = arith.constant 7 : i32
        %parallel_loop3A_759 = arith.shli %parallel_loop3A_757, %parallel_loop3A_758 : i32
        %parallel_loop3A_760 = arith.addi %parallel_loop3A_755, %parallel_loop3A_759 : i32
        %parallel_loop3A_761 = tpu.vector_load_idx %arg12[%add3A_5, %parallel_loop3A_751] : memref<128x65xf32, #tpu.memory_space<vmem>>[vector<16xi32>, vector<16xi32>], vector<16xf32>,
        %parallel_loop3A_762 = arith.constant 0 : i32
        %parallel_loop3A_763 = arith.addi %parallel_loop3A_760, %parallel_loop3A_762 : i32
        %parallel_loop3A_764 = arith.index_cast %parallel_loop3A_763 : i32 to index
        %parallel_loop3A_765 = tpu.vector_load %arg13[%parallel_loop3A_764] {strides = array<i32>} : memref<8192xf32, #tpu.memory_space<vmem>>, vector<16xf32>,
        tpu.vector_store %arg13[%parallel_loop3A_764], %parallel_loop3A_761 {strides = array<i32>} : memref<8192xf32, #tpu.memory_space<vmem>>, vector<16xf32>,
        %parallel_loop3A_766 = tpu.vector_load_idx %arg12[%add3A_8, %parallel_loop3A_751] : memref<128x65xf32, #tpu.memory_space<vmem>>[vector<16xi32>, vector<16xi32>], vector<16xf32>,
        %parallel_loop3A_767 = arith.constant 16 : i32
        %parallel_loop3A_768 = arith.addi %parallel_loop3A_760, %parallel_loop3A_767 : i32
        %parallel_loop3A_769 = arith.index_cast %parallel_loop3A_768 : i32 to index
        %parallel_loop3A_770 = tpu.vector_load %arg13[%parallel_loop3A_769] {strides = array<i32>} : memref<8192xf32, #tpu.memory_space<vmem>>, vector<16xf32>,
        tpu.vector_store %arg13[%parallel_loop3A_769], %parallel_loop3A_766 {strides = array<i32>} : memref<8192xf32, #tpu.memory_space<vmem>>, vector<16xf32>,
        %parallel_loop3A_771 = tpu.vector_load_idx %arg12[%add3A_11, %parallel_loop3A_751] : memref<128x65xf32, #tpu.memory_space<vmem>>[vector<16xi32>, vector<16xi32>], vector<16xf32>,
        %parallel_loop3A_772 = arith.constant 32 : i32
        %parallel_loop3A_773 = arith.addi %parallel_loop3A_760, %parallel_loop3A_772 : i32
        %parallel_loop3A_774 = arith.index_cast %parallel_loop3A_773 : i32 to index
        %parallel_loop3A_775 = tpu.vector_load %arg13[%parallel_loop3A_774] {strides = array<i32>} : memref<8192xf32, #tpu.memory_space<vmem>>, vector<16xf32>,
        tpu.vector_store %arg13[%parallel_loop3A_774], %parallel_loop3A_771 {strides = array<i32>} : memref<8192xf32, #tpu.memory_space<vmem>>, vector<16xf32>,
        %parallel_loop3A_776 = tpu.vector_load_idx %arg12[%add3A_14, %parallel_loop3A_751] : memref<128x65xf32, #tpu.memory_space<vmem>>[vector<16xi32>, vector<16xi32>], vector<16xf32>,
        %parallel_loop3A_777 = arith.constant 48 : i32
        %parallel_loop3A_778 = arith.addi %parallel_loop3A_760, %parallel_loop3A_777 : i32
        %parallel_loop3A_779 = arith.index_cast %parallel_loop3A_778 : i32 to index
        %parallel_loop3A_780 = tpu.vector_load %arg13[%parallel_loop3A_779] {strides = array<i32>} : memref<8192xf32, #tpu.memory_space<vmem>>, vector<16xf32>,
        tpu.vector_store %arg13[%parallel_loop3A_779], %parallel_loop3A_776 {strides = array<i32>} : memref<8192xf32, #tpu.memory_space<vmem>>, vector<16xf32>,
        %parallel_loop3A_781 = tpu.vector_load_idx %arg12[%add3A_17, %parallel_loop3A_751] : memref<128x65xf32, #tpu.memory_space<vmem>>[vector<16xi32>, vector<16xi32>], vector<16xf32>,
        %parallel_loop3A_782 = arith.constant 64 : i32
        %parallel_loop3A_783 = arith.addi %parallel_loop3A_760, %parallel_loop3A_782 : i32
        %parallel_loop3A_784 = arith.index_cast %parallel_loop3A_783 : i32 to index
        %parallel_loop3A_785 = tpu.vector_load %arg13[%parallel_loop3A_784] {strides = array<i32>} : memref<8192xf32, #tpu.memory_space<vmem>>, vector<16xf32>,
        tpu.vector_store %arg13[%parallel_loop3A_784], %parallel_loop3A_781 {strides = array<i32>} : memref<8192xf32, #tpu.memory_space<vmem>>, vector<16xf32>,
        %parallel_loop3A_786 = tpu.vector_load_idx %arg12[%add3A_20, %parallel_loop3A_751] : memref<128x65xf32, #tpu.memory_space<vmem>>[vector<16xi32>, vector<16xi32>], vector<16xf32>,
        %parallel_loop3A_787 = arith.constant 80 : i32
        %parallel_loop3A_788 = arith.addi %parallel_loop3A_760, %parallel_loop3A_787 : i32
        %parallel_loop3A_789 = arith.index_cast %parallel_loop3A_788 : i32 to index
        %parallel_loop3A_790 = tpu.vector_load %arg13[%parallel_loop3A_789] {strides = array<i32>} : memref<8192xf32, #tpu.memory_space<vmem>>, vector<16xf32>,
        tpu.vector_store %arg13[%parallel_loop3A_789], %parallel_loop3A_786 {strides = array<i32>} : memref<8192xf32, #tpu.memory_space<vmem>>, vector<16xf32>,
        %parallel_loop3A_791 = tpu.vector_load_idx %arg12[%add3A_23, %parallel_loop3A_751] : memref<128x65xf32, #tpu.memory_space<vmem>>[vector<16xi32>, vector<16xi32>], vector<16xf32>,
        %parallel_loop3A_792 = arith.constant 96 : i32
        %parallel_loop3A_793 = arith.addi %parallel_loop3A_760, %parallel_loop3A_792 : i32
        %parallel_loop3A_794 = arith.index_cast %parallel_loop3A_793 : i32 to index
        %parallel_loop3A_795 = tpu.vector_load %arg13[%parallel_loop3A_794] {strides = array<i32>} : memref<8192xf32, #tpu.memory_space<vmem>>, vector<16xf32>,
        tpu.vector_store %arg13[%parallel_loop3A_794], %parallel_loop3A_791 {strides = array<i32>} : memref<8192xf32, #tpu.memory_space<vmem>>, vector<16xf32>,
        %parallel_loop3A_796 = tpu.vector_load_idx %arg12[%add3A_26, %parallel_loop3A_751] : memref<128x65xf32, #tpu.memory_space<vmem>>[vector<16xi32>, vector<16xi32>], vector<16xf32>,
        %parallel_loop3A_797 = arith.constant 112 : i32
        %parallel_loop3A_798 = arith.addi %parallel_loop3A_760, %parallel_loop3A_797 : i32
        %parallel_loop3A_799 = arith.index_cast %parallel_loop3A_798 : i32 to index
        %parallel_loop3A_800 = tpu.vector_load %arg13[%parallel_loop3A_799] {strides = array<i32>} : memref<8192xf32, #tpu.memory_space<vmem>>, vector<16xf32>,
        tpu.vector_store %arg13[%parallel_loop3A_799], %parallel_loop3A_796 {strides = array<i32>} : memref<8192xf32, #tpu.memory_space<vmem>>, vector<16xf32>,
      } {sc.loop_unroll_factor = 2 : i64, sc.parallel_access}
      %dma_start3A_534 = arith.constant 0 : i32
      %dma_start3A_535 = arith.constant 0 : i32
      %dma_start3A_536 = tpu.memref_slice %arg13[%dma_start3A_535] : memref<8192xf32, #tpu.memory_space<vmem>> -> memref<1024xf32, #tpu.memory_space<vmem>>
      %dma_start3A_537 = arith.constant 0 : i32
      %dma_start3A_538 = tpu.memref_slice %arg5[%add3A_497, %dma_start3A_534, %add3A, %dma_start3A_537] : memref<200x8x32x1024xf32, #tpu.memory_space<hbm>> -> memref<1x1x1x1024xf32, #tpu.memory_space<hbm>>
      %dma_start3A_539 = tpu.memref_squeeze %dma_start3A_538 : memref<1x1x1x1024xf32, #tpu.memory_space<hbm>> -> memref<1024xf32, #tpu.memory_space<hbm>>
      %dma_start3A_540 = arith.constant 0 : i32
      %dma_start3A_541 = tpu.memref_slice %arg5[%add3A_497, %dma_start3A_534, %add3A, %dma_start3A_540] : memref<200x8x32x1024xf32, #tpu.memory_space<hbm>> -> memref<1x1x1x1024xf32, #tpu.memory_space<hbm>>
      %dma_start3A_542 = tpu.memref_squeeze %dma_start3A_541 : memref<1x1x1x1024xf32, #tpu.memory_space<hbm>> -> memref<1024xf32, #tpu.memory_space<hbm>>
      %dma_start3A_543 = arith.constant 0 : i32
      %dma_start3A_544 = tpu.memref_slice %arg13[%dma_start3A_543] : memref<8192xf32, #tpu.memory_space<vmem>> -> memref<1024xf32, #tpu.memory_space<vmem>>
      tpu.enqueue_dma source(%dma_start3A_544 : memref<1024xf32, #tpu.memory_space<vmem>>) target(%dma_start3A_542 : memref<1024xf32, #tpu.memory_space<hbm>>) target_semaphore(%arg19 : memref<!tpu.dma_semaphore, #tpu.memory_space<semaphore_mem>>)
      %dma_start3A_545 = arith.constant 1 : i32
      %dma_start3A_546 = arith.constant 1024 : i32
      %dma_start3A_547 = tpu.memref_slice %arg13[%dma_start3A_546] : memref<8192xf32, #tpu.memory_space<vmem>> -> memref<1024xf32, #tpu.memory_space<vmem>>
      %dma_start3A_548 = arith.constant 0 : i32
      %dma_start3A_549 = tpu.memref_slice %arg5[%add3A_497, %dma_start3A_545, %add3A, %dma_start3A_548] : memref<200x8x32x1024xf32, #tpu.memory_space<hbm>> -> memref<1x1x1x1024xf32, #tpu.memory_space<hbm>>
      %dma_start3A_550 = tpu.memref_squeeze %dma_start3A_549 : memref<1x1x1x1024xf32, #tpu.memory_space<hbm>> -> memref<1024xf32, #tpu.memory_space<hbm>>
      %dma_start3A_551 = arith.constant 0 : i32
      %dma_start3A_552 = tpu.memref_slice %arg5[%add3A_497, %dma_start3A_545, %add3A, %dma_start3A_551] : memref<200x8x32x1024xf32, #tpu.memory_space<hbm>> -> memref<1x1x1x1024xf32, #tpu.memory_space<hbm>>
      %dma_start3A_553 = tpu.memref_squeeze %dma_start3A_552 : memref<1x1x1x1024xf32, #tpu.memory_space<hbm>> -> memref<1024xf32, #tpu.memory_space<hbm>>
      %dma_start3A_554 = arith.constant 1024 : i32
      %dma_start3A_555 = tpu.memref_slice %arg13[%dma_start3A_554] : memref<8192xf32, #tpu.memory_space<vmem>> -> memref<1024xf32, #tpu.memory_space<vmem>>
      tpu.enqueue_dma source(%dma_start3A_555 : memref<1024xf32, #tpu.memory_space<vmem>>) target(%dma_start3A_553 : memref<1024xf32, #tpu.memory_space<hbm>>) target_semaphore(%arg19 : memref<!tpu.dma_semaphore, #tpu.memory_space<semaphore_mem>>)
      %dma_start3A_556 = arith.constant 2 : i32
      %dma_start3A_557 = arith.constant 2048 : i32
      %dma_start3A_558 = tpu.memref_slice %arg13[%dma_start3A_557] : memref<8192xf32, #tpu.memory_space<vmem>> -> memref<1024xf32, #tpu.memory_space<vmem>>
      %dma_start3A_559 = arith.constant 0 : i32
      %dma_start3A_560 = tpu.memref_slice %arg5[%add3A_497, %dma_start3A_556, %add3A, %dma_start3A_559] : memref<200x8x32x1024xf32, #tpu.memory_space<hbm>> -> memref<1x1x1x1024xf32, #tpu.memory_space<hbm>>
      %dma_start3A_561 = tpu.memref_squeeze %dma_start3A_560 : memref<1x1x1x1024xf32, #tpu.memory_space<hbm>> -> memref<1024xf32, #tpu.memory_space<hbm>>
      %dma_start3A_562 = arith.constant 0 : i32
      %dma_start3A_563 = tpu.memref_slice %arg5[%add3A_497, %dma_start3A_556, %add3A, %dma_start3A_562] : memref<200x8x32x1024xf32, #tpu.memory_space<hbm>> -> memref<1x1x1x1024xf32, #tpu.memory_space<hbm>>
      %dma_start3A_564 = tpu.memref_squeeze %dma_start3A_563 : memref<1x1x1x1024xf32, #tpu.memory_space<hbm>> -> memref<1024xf32, #tpu.memory_space<hbm>>
      %dma_start3A_565 = arith.constant 2048 : i32
      %dma_start3A_566 = tpu.memref_slice %arg13[%dma_start3A_565] : memref<8192xf32, #tpu.memory_space<vmem>> -> memref<1024xf32, #tpu.memory_space<vmem>>
      tpu.enqueue_dma source(%dma_start3A_566 : memref<1024xf32, #tpu.memory_space<vmem>>) target(%dma_start3A_564 : memref<1024xf32, #tpu.memory_space<hbm>>) target_semaphore(%arg19 : memref<!tpu.dma_semaphore, #tpu.memory_space<semaphore_mem>>)
      %dma_start3A_567 = arith.constant 3 : i32
      %dma_start3A_568 = arith.constant 3072 : i32
      %dma_start3A_569 = tpu.memref_slice %arg13[%dma_start3A_568] : memref<8192xf32, #tpu.memory_space<vmem>> -> memref<1024xf32, #tpu.memory_space<vmem>>
      %dma_start3A_570 = arith.constant 0 : i32
      %dma_start3A_571 = tpu.memref_slice %arg5[%add3A_497, %dma_start3A_567, %add3A, %dma_start3A_570] : memref<200x8x32x1024xf32, #tpu.memory_space<hbm>> -> memref<1x1x1x1024xf32, #tpu.memory_space<hbm>>
      %dma_start3A_572 = tpu.memref_squeeze %dma_start3A_571 : memref<1x1x1x1024xf32, #tpu.memory_space<hbm>> -> memref<1024xf32, #tpu.memory_space<hbm>>
      %dma_start3A_573 = arith.constant 0 : i32
      %dma_start3A_574 = tpu.memref_slice %arg5[%add3A_497, %dma_start3A_567, %add3A, %dma_start3A_573] : memref<200x8x32x1024xf32, #tpu.memory_space<hbm>> -> memref<1x1x1x1024xf32, #tpu.memory_space<hbm>>
      %dma_start3A_575 = tpu.memref_squeeze %dma_start3A_574 : memref<1x1x1x1024xf32, #tpu.memory_space<hbm>> -> memref<1024xf32, #tpu.memory_space<hbm>>
      %dma_start3A_576 = arith.constant 3072 : i32
      %dma_start3A_577 = tpu.memref_slice %arg13[%dma_start3A_576] : memref<8192xf32, #tpu.memory_space<vmem>> -> memref<1024xf32, #tpu.memory_space<vmem>>
      tpu.enqueue_dma source(%dma_start3A_577 : memref<1024xf32, #tpu.memory_space<vmem>>) target(%dma_start3A_575 : memref<1024xf32, #tpu.memory_space<hbm>>) target_semaphore(%arg19 : memref<!tpu.dma_semaphore, #tpu.memory_space<semaphore_mem>>)
      %dma_start3A_578 = arith.constant 4 : i32
      %dma_start3A_579 = arith.constant 4096 : i32
      %dma_start3A_580 = tpu.memref_slice %arg13[%dma_start3A_579] : memref<8192xf32, #tpu.memory_space<vmem>> -> memref<1024xf32, #tpu.memory_space<vmem>>
      %dma_start3A_581 = arith.constant 0 : i32
      %dma_start3A_582 = tpu.memref_slice %arg5[%add3A_497, %dma_start3A_578, %add3A, %dma_start3A_581] : memref<200x8x32x1024xf32, #tpu.memory_space<hbm>> -> memref<1x1x1x1024xf32, #tpu.memory_space<hbm>>
      %dma_start3A_583 = tpu.memref_squeeze %dma_start3A_582 : memref<1x1x1x1024xf32, #tpu.memory_space<hbm>> -> memref<1024xf32, #tpu.memory_space<hbm>>
      %dma_start3A_584 = arith.constant 0 : i32
      %dma_start3A_585 = tpu.memref_slice %arg5[%add3A_497, %dma_start3A_578, %add3A, %dma_start3A_584] : memref<200x8x32x1024xf32, #tpu.memory_space<hbm>> -> memref<1x1x1x1024xf32, #tpu.memory_space<hbm>>
      %dma_start3A_586 = tpu.memref_squeeze %dma_start3A_585 : memref<1x1x1x1024xf32, #tpu.memory_space<hbm>> -> memref<1024xf32, #tpu.memory_space<hbm>>
      %dma_start3A_587 = arith.constant 4096 : i32
      %dma_start3A_588 = tpu.memref_slice %arg13[%dma_start3A_587] : memref<8192xf32, #tpu.memory_space<vmem>> -> memref<1024xf32, #tpu.memory_space<vmem>>
      tpu.enqueue_dma source(%dma_start3A_588 : memref<1024xf32, #tpu.memory_space<vmem>>) target(%dma_start3A_586 : memref<1024xf32, #tpu.memory_space<hbm>>) target_semaphore(%arg19 : memref<!tpu.dma_semaphore, #tpu.memory_space<semaphore_mem>>)
      %dma_start3A_589 = arith.constant 5 : i32
      %dma_start3A_590 = arith.constant 5120 : i32
      %dma_start3A_591 = tpu.memref_slice %arg13[%dma_start3A_590] : memref<8192xf32, #tpu.memory_space<vmem>> -> memref<1024xf32, #tpu.memory_space<vmem>>
      %dma_start3A_592 = arith.constant 0 : i32
      %dma_start3A_593 = tpu.memref_slice %arg5[%add3A_497, %dma_start3A_589, %add3A, %dma_start3A_592] : memref<200x8x32x1024xf32, #tpu.memory_space<hbm>> -> memref<1x1x1x1024xf32, #tpu.memory_space<hbm>>
      %dma_start3A_594 = tpu.memref_squeeze %dma_start3A_593 : memref<1x1x1x1024xf32, #tpu.memory_space<hbm>> -> memref<1024xf32, #tpu.memory_space<hbm>>
      %dma_start3A_595 = arith.constant 0 : i32
      %dma_start3A_596 = tpu.memref_slice %arg5[%add3A_497, %dma_start3A_589, %add3A, %dma_start3A_595] : memref<200x8x32x1024xf32, #tpu.memory_space<hbm>> -> memref<1x1x1x1024xf32, #tpu.memory_space<hbm>>
      %dma_start3A_597 = tpu.memref_squeeze %dma_start3A_596 : memref<1x1x1x1024xf32, #tpu.memory_space<hbm>> -> memref<1024xf32, #tpu.memory_space<hbm>>
      %dma_start3A_598 = arith.constant 5120 : i32
      %dma_start3A_599 = tpu.memref_slice %arg13[%dma_start3A_598] : memref<8192xf32, #tpu.memory_space<vmem>> -> memref<1024xf32, #tpu.memory_space<vmem>>
      tpu.enqueue_dma source(%dma_start3A_599 : memref<1024xf32, #tpu.memory_space<vmem>>) target(%dma_start3A_597 : memref<1024xf32, #tpu.memory_space<hbm>>) target_semaphore(%arg19 : memref<!tpu.dma_semaphore, #tpu.memory_space<semaphore_mem>>)
      %dma_start3A_600 = arith.constant 6 : i32
      %dma_start3A_601 = arith.constant 6144 : i32
      %dma_start3A_602 = tpu.memref_slice %arg13[%dma_start3A_601] : memref<8192xf32, #tpu.memory_space<vmem>> -> memref<1024xf32, #tpu.memory_space<vmem>>
      %dma_start3A_603 = arith.constant 0 : i32
      %dma_start3A_604 = tpu.memref_slice %arg5[%add3A_497, %dma_start3A_600, %add3A, %dma_start3A_603] : memref<200x8x32x1024xf32, #tpu.memory_space<hbm>> -> memref<1x1x1x1024xf32, #tpu.memory_space<hbm>>
      %dma_start3A_605 = tpu.memref_squeeze %dma_start3A_604 : memref<1x1x1x1024xf32, #tpu.memory_space<hbm>> -> memref<1024xf32, #tpu.memory_space<hbm>>
      %dma_start3A_606 = arith.constant 0 : i32
      %dma_start3A_607 = tpu.memref_slice %arg5[%add3A_497, %dma_start3A_600, %add3A, %dma_start3A_606] : memref<200x8x32x1024xf32, #tpu.memory_space<hbm>> -> memref<1x1x1x1024xf32, #tpu.memory_space<hbm>>
      %dma_start3A_608 = tpu.memref_squeeze %dma_start3A_607 : memref<1x1x1x1024xf32, #tpu.memory_space<hbm>> -> memref<1024xf32, #tpu.memory_space<hbm>>
      %dma_start3A_609 = arith.constant 6144 : i32
      %dma_start3A_610 = tpu.memref_slice %arg13[%dma_start3A_609] : memref<8192xf32, #tpu.memory_space<vmem>> -> memref<1024xf32, #tpu.memory_space<vmem>>
      tpu.enqueue_dma source(%dma_start3A_610 : memref<1024xf32, #tpu.memory_space<vmem>>) target(%dma_start3A_608 : memref<1024xf32, #tpu.memory_space<hbm>>) target_semaphore(%arg19 : memref<!tpu.dma_semaphore, #tpu.memory_space<semaphore_mem>>)
      %dma_start3A_611 = arith.constant 7 : i32
      %dma_start3A_612 = arith.constant 7168 : i32
      %dma_start3A_613 = tpu.memref_slice %arg13[%dma_start3A_612] : memref<8192xf32, #tpu.memory_space<vmem>> -> memref<1024xf32, #tpu.memory_space<vmem>>
      %dma_start3A_614 = arith.constant 0 : i32
      %dma_start3A_615 = tpu.memref_slice %arg5[%add3A_497, %dma_start3A_611, %add3A, %dma_start3A_614] : memref<200x8x32x1024xf32, #tpu.memory_space<hbm>> -> memref<1x1x1x1024xf32, #tpu.memory_space<hbm>>
      %dma_start3A_616 = tpu.memref_squeeze %dma_start3A_615 : memref<1x1x1x1024xf32, #tpu.memory_space<hbm>> -> memref<1024xf32, #tpu.memory_space<hbm>>
      %dma_start3A_617 = arith.constant 0 : i32
      %dma_start3A_618 = tpu.memref_slice %arg5[%add3A_497, %dma_start3A_611, %add3A, %dma_start3A_617] : memref<200x8x32x1024xf32, #tpu.memory_space<hbm>> -> memref<1x1x1x1024xf32, #tpu.memory_space<hbm>>
      %dma_start3A_619 = tpu.memref_squeeze %dma_start3A_618 : memref<1x1x1x1024xf32, #tpu.memory_space<hbm>> -> memref<1024xf32, #tpu.memory_space<hbm>>
      %dma_start3A_620 = arith.constant 7168 : i32
      %dma_start3A_621 = tpu.memref_slice %arg13[%dma_start3A_620] : memref<8192xf32, #tpu.memory_space<vmem>> -> memref<1024xf32, #tpu.memory_space<vmem>>
      tpu.enqueue_dma source(%dma_start3A_621 : memref<1024xf32, #tpu.memory_space<vmem>>) target(%dma_start3A_619 : memref<1024xf32, #tpu.memory_space<hbm>>) target_semaphore(%arg19 : memref<!tpu.dma_semaphore, #tpu.memory_space<semaphore_mem>>)
      %mul3A_622 = arith.constant 4 : i32
      %mul3A_623 = arith.muli %scan3A_243, %mul3A_622 : i32
      %add3A_624 = arith.constant 3 : i32
      %add3A_625 = arith.addi %mul3A_623, %add3A_624 : i32
      %add3A_626 = arith.constant 3 : i32
      %add3A_627 = arith.addi %add3A_625, %add3A_626 : i32
      %lt3A_628 = arith.constant 200 : i32
      %lt3A_629 = arith.cmpi slt, %add3A_627, %lt3A_628 : i32
      %convert_element_type3A_630 = arith.extui %lt3A_629 : i1 to i32
      %cond3A_631 = arith.constant 0 : i32
      %cond3A_632 = arith.cmpi ne, %convert_element_type3A_630, %cond3A_631 : i32
      scf.if %cond3A_632 {
        %add3A_750 = arith.constant 3 : i32
        %add3A_751 = arith.addi %add3A_625, %add3A_750 : i32
        %dma_start3A_752 = arith.constant 0 : i32
        %dma_start3A_753 = tpu.memref_slice %arg6[%add3A_751, %dma_start3A_752] : memref<200x128xi32, #tpu.memory_space<vmem>> -> memref<1x128xi32, #tpu.memory_space<vmem>>
        %dma_start3A_754 = tpu.memref_squeeze %dma_start3A_753 : memref<1x128xi32, #tpu.memory_space<vmem>> -> memref<128xi32, #tpu.memory_space<vmem>>
        %dma_start3A_755 = arith.constant 0 : i32
        %dma_start3A_756 = arith.constant 0 : i32
        %dma_start3A_757 = tpu.memref_slice %arg3[%dma_start3A_755, %dma_start3A_756] : memref<100000x64xf32, #tpu.memory_space<hbm>> -> memref<100000x64xf32, #tpu.memory_space<hbm>>
        tpu.enqueue_indirect_dma source(%dma_start3A_757 : memref<100000x64xf32, #tpu.memory_space<hbm>>) target(%arg10 : memref<128x64xf32, #tpu.memory_space<vmem>>) offsets(%dma_start3A_754 : memref<128xi32, #tpu.memory_space<vmem>>) semaphore(%arg17 : memref<!tpu.dma_semaphore, #tpu.memory_space<semaphore_mem>>)
      } else {
      }
      %dma_wait3A_633 = arith.constant 0 : i32
      %dma_wait3A_634 = tpu.memref_slice %arg6[%add3A_625, %dma_wait3A_633] : memref<200x128xi32, #tpu.memory_space<vmem>> -> memref<1x128xi32, #tpu.memory_space<vmem>>
      %dma_wait3A_635 = tpu.memref_squeeze %dma_wait3A_634 : memref<1x128xi32, #tpu.memory_space<vmem>> -> memref<128xi32, #tpu.memory_space<vmem>>
      %dma_wait3A_636 = arith.constant 0 : i32
      %dma_wait3A_637 = arith.constant 0 : i32
      %dma_wait3A_638 = tpu.memref_slice %arg3[%dma_wait3A_636, %dma_wait3A_637] : memref<100000x64xf32, #tpu.memory_space<hbm>> -> memref<100000x64xf32, #tpu.memory_space<hbm>>
      tpu.wait_indirect_dma semaphore(%arg18 : memref<!tpu.dma_semaphore, #tpu.memory_space<semaphore_mem>>) src(%dma_wait3A_638 : memref<100000x64xf32, #tpu.memory_space<hbm>>) dst(%arg11 : memref<128x64xf32, #tpu.memory_space<vmem>>)
      %ge3A_639 = arith.constant 2 : i32
      %ge3A_640 = arith.cmpi sge, %add3A_625, %ge3A_639 : i32
      %convert_element_type3A_641 = arith.extui %ge3A_640 : i1 to i32
      %cond3A_642 = arith.constant 0 : i32
      %cond3A_643 = arith.cmpi ne, %convert_element_type3A_641, %cond3A_642 : i32
      scf.if %cond3A_643 {
        %sub3A = arith.constant 2 : i32
        %sub3A_750 = arith.subi %add3A_625, %sub3A : i32
        %dma_wait3A_751 = arith.constant 0 : i32
        %dma_wait3A_752 = arith.constant 0 : i32
        %dma_wait3A_753 = tpu.memref_slice %arg14[%dma_wait3A_752] : memref<8192xf32, #tpu.memory_space<vmem>> -> memref<1024xf32, #tpu.memory_space<vmem>>
        %dma_wait3A_754 = arith.constant 0 : i32
        %dma_wait3A_755 = tpu.memref_slice %arg5[%sub3A_750, %dma_wait3A_751, %add3A, %dma_wait3A_754] : memref<200x8x32x1024xf32, #tpu.memory_space<hbm>> -> memref<1x1x1x1024xf32, #tpu.memory_space<hbm>>
        %dma_wait3A_756 = tpu.memref_squeeze %dma_wait3A_755 : memref<1x1x1x1024xf32, #tpu.memory_space<hbm>> -> memref<1024xf32, #tpu.memory_space<hbm>>
        %dma_wait3A_757 = arith.constant 0 : i32
        %dma_wait3A_758 = tpu.memref_slice %arg5[%sub3A_750, %dma_wait3A_751, %add3A, %dma_wait3A_757] : memref<200x8x32x1024xf32, #tpu.memory_space<hbm>> -> memref<1x1x1x1024xf32, #tpu.memory_space<hbm>>
        %dma_wait3A_759 = tpu.memref_squeeze %dma_wait3A_758 : memref<1x1x1x1024xf32, #tpu.memory_space<hbm>> -> memref<1024xf32, #tpu.memory_space<hbm>>
        %dma_wait3A_760 = arith.constant 0 : i32
        %dma_wait3A_761 = tpu.memref_slice %arg14[%dma_wait3A_760] : memref<8192xf32, #tpu.memory_space<vmem>> -> memref<1024xf32, #tpu.memory_space<vmem>>
        tpu.wait_dma2 semaphore(%arg20 : memref<!tpu.dma_semaphore, #tpu.memory_space<semaphore_mem>>) src(%dma_wait3A_761 : memref<1024xf32, #tpu.memory_space<vmem>>) dst(%dma_wait3A_759 : memref<1024xf32, #tpu.memory_space<hbm>>)
        %dma_wait3A_762 = arith.constant 1 : i32
        %dma_wait3A_763 = arith.constant 1024 : i32
        %dma_wait3A_764 = tpu.memref_slice %arg14[%dma_wait3A_763] : memref<8192xf32, #tpu.memory_space<vmem>> -> memref<1024xf32, #tpu.memory_space<vmem>>
        %dma_wait3A_765 = arith.constant 0 : i32
        %dma_wait3A_766 = tpu.memref_slice %arg5[%sub3A_750, %dma_wait3A_762, %add3A, %dma_wait3A_765] : memref<200x8x32x1024xf32, #tpu.memory_space<hbm>> -> memref<1x1x1x1024xf32, #tpu.memory_space<hbm>>
        %dma_wait3A_767 = tpu.memref_squeeze %dma_wait3A_766 : memref<1x1x1x1024xf32, #tpu.memory_space<hbm>> -> memref<1024xf32, #tpu.memory_space<hbm>>
        %dma_wait3A_768 = arith.constant 0 : i32
        %dma_wait3A_769 = tpu.memref_slice %arg5[%sub3A_750, %dma_wait3A_762, %add3A, %dma_wait3A_768] : memref<200x8x32x1024xf32, #tpu.memory_space<hbm>> -> memref<1x1x1x1024xf32, #tpu.memory_space<hbm>>
        %dma_wait3A_770 = tpu.memref_squeeze %dma_wait3A_769 : memref<1x1x1x1024xf32, #tpu.memory_space<hbm>> -> memref<1024xf32, #tpu.memory_space<hbm>>
        %dma_wait3A_771 = arith.constant 1024 : i32
        %dma_wait3A_772 = tpu.memref_slice %arg14[%dma_wait3A_771] : memref<8192xf32, #tpu.memory_space<vmem>> -> memref<1024xf32, #tpu.memory_space<vmem>>
        tpu.wait_dma2 semaphore(%arg20 : memref<!tpu.dma_semaphore, #tpu.memory_space<semaphore_mem>>) src(%dma_wait3A_772 : memref<1024xf32, #tpu.memory_space<vmem>>) dst(%dma_wait3A_770 : memref<1024xf32, #tpu.memory_space<hbm>>)
        %dma_wait3A_773 = arith.constant 2 : i32
        %dma_wait3A_774 = arith.constant 2048 : i32
        %dma_wait3A_775 = tpu.memref_slice %arg14[%dma_wait3A_774] : memref<8192xf32, #tpu.memory_space<vmem>> -> memref<1024xf32, #tpu.memory_space<vmem>>
        %dma_wait3A_776 = arith.constant 0 : i32
        %dma_wait3A_777 = tpu.memref_slice %arg5[%sub3A_750, %dma_wait3A_773, %add3A, %dma_wait3A_776] : memref<200x8x32x1024xf32, #tpu.memory_space<hbm>> -> memref<1x1x1x1024xf32, #tpu.memory_space<hbm>>
        %dma_wait3A_778 = tpu.memref_squeeze %dma_wait3A_777 : memref<1x1x1x1024xf32, #tpu.memory_space<hbm>> -> memref<1024xf32, #tpu.memory_space<hbm>>
        %dma_wait3A_779 = arith.constant 0 : i32
        %dma_wait3A_780 = tpu.memref_slice %arg5[%sub3A_750, %dma_wait3A_773, %add3A, %dma_wait3A_779] : memref<200x8x32x1024xf32, #tpu.memory_space<hbm>> -> memref<1x1x1x1024xf32, #tpu.memory_space<hbm>>
        %dma_wait3A_781 = tpu.memref_squeeze %dma_wait3A_780 : memref<1x1x1x1024xf32, #tpu.memory_space<hbm>> -> memref<1024xf32, #tpu.memory_space<hbm>>
        %dma_wait3A_782 = arith.constant 2048 : i32
        %dma_wait3A_783 = tpu.memref_slice %arg14[%dma_wait3A_782] : memref<8192xf32, #tpu.memory_space<vmem>> -> memref<1024xf32, #tpu.memory_space<vmem>>
        tpu.wait_dma2 semaphore(%arg20 : memref<!tpu.dma_semaphore, #tpu.memory_space<semaphore_mem>>) src(%dma_wait3A_783 : memref<1024xf32, #tpu.memory_space<vmem>>) dst(%dma_wait3A_781 : memref<1024xf32, #tpu.memory_space<hbm>>)
        %dma_wait3A_784 = arith.constant 3 : i32
        %dma_wait3A_785 = arith.constant 3072 : i32
        %dma_wait3A_786 = tpu.memref_slice %arg14[%dma_wait3A_785] : memref<8192xf32, #tpu.memory_space<vmem>> -> memref<1024xf32, #tpu.memory_space<vmem>>
        %dma_wait3A_787 = arith.constant 0 : i32
        %dma_wait3A_788 = tpu.memref_slice %arg5[%sub3A_750, %dma_wait3A_784, %add3A, %dma_wait3A_787] : memref<200x8x32x1024xf32, #tpu.memory_space<hbm>> -> memref<1x1x1x1024xf32, #tpu.memory_space<hbm>>
        %dma_wait3A_789 = tpu.memref_squeeze %dma_wait3A_788 : memref<1x1x1x1024xf32, #tpu.memory_space<hbm>> -> memref<1024xf32, #tpu.memory_space<hbm>>
        %dma_wait3A_790 = arith.constant 0 : i32
        %dma_wait3A_791 = tpu.memref_slice %arg5[%sub3A_750, %dma_wait3A_784, %add3A, %dma_wait3A_790] : memref<200x8x32x1024xf32, #tpu.memory_space<hbm>> -> memref<1x1x1x1024xf32, #tpu.memory_space<hbm>>
        %dma_wait3A_792 = tpu.memref_squeeze %dma_wait3A_791 : memref<1x1x1x1024xf32, #tpu.memory_space<hbm>> -> memref<1024xf32, #tpu.memory_space<hbm>>
        %dma_wait3A_793 = arith.constant 3072 : i32
        %dma_wait3A_794 = tpu.memref_slice %arg14[%dma_wait3A_793] : memref<8192xf32, #tpu.memory_space<vmem>> -> memref<1024xf32, #tpu.memory_space<vmem>>
        tpu.wait_dma2 semaphore(%arg20 : memref<!tpu.dma_semaphore, #tpu.memory_space<semaphore_mem>>) src(%dma_wait3A_794 : memref<1024xf32, #tpu.memory_space<vmem>>) dst(%dma_wait3A_792 : memref<1024xf32, #tpu.memory_space<hbm>>)
        %dma_wait3A_795 = arith.constant 4 : i32
        %dma_wait3A_796 = arith.constant 4096 : i32
        %dma_wait3A_797 = tpu.memref_slice %arg14[%dma_wait3A_796] : memref<8192xf32, #tpu.memory_space<vmem>> -> memref<1024xf32, #tpu.memory_space<vmem>>
        %dma_wait3A_798 = arith.constant 0 : i32
        %dma_wait3A_799 = tpu.memref_slice %arg5[%sub3A_750, %dma_wait3A_795, %add3A, %dma_wait3A_798] : memref<200x8x32x1024xf32, #tpu.memory_space<hbm>> -> memref<1x1x1x1024xf32, #tpu.memory_space<hbm>>
        %dma_wait3A_800 = tpu.memref_squeeze %dma_wait3A_799 : memref<1x1x1x1024xf32, #tpu.memory_space<hbm>> -> memref<1024xf32, #tpu.memory_space<hbm>>
        %dma_wait3A_801 = arith.constant 0 : i32
        %dma_wait3A_802 = tpu.memref_slice %arg5[%sub3A_750, %dma_wait3A_795, %add3A, %dma_wait3A_801] : memref<200x8x32x1024xf32, #tpu.memory_space<hbm>> -> memref<1x1x1x1024xf32, #tpu.memory_space<hbm>>
        %dma_wait3A_803 = tpu.memref_squeeze %dma_wait3A_802 : memref<1x1x1x1024xf32, #tpu.memory_space<hbm>> -> memref<1024xf32, #tpu.memory_space<hbm>>
        %dma_wait3A_804 = arith.constant 4096 : i32
        %dma_wait3A_805 = tpu.memref_slice %arg14[%dma_wait3A_804] : memref<8192xf32, #tpu.memory_space<vmem>> -> memref<1024xf32, #tpu.memory_space<vmem>>
        tpu.wait_dma2 semaphore(%arg20 : memref<!tpu.dma_semaphore, #tpu.memory_space<semaphore_mem>>) src(%dma_wait3A_805 : memref<1024xf32, #tpu.memory_space<vmem>>) dst(%dma_wait3A_803 : memref<1024xf32, #tpu.memory_space<hbm>>)
        %dma_wait3A_806 = arith.constant 5 : i32
        %dma_wait3A_807 = arith.constant 5120 : i32
        %dma_wait3A_808 = tpu.memref_slice %arg14[%dma_wait3A_807] : memref<8192xf32, #tpu.memory_space<vmem>> -> memref<1024xf32, #tpu.memory_space<vmem>>
        %dma_wait3A_809 = arith.constant 0 : i32
        %dma_wait3A_810 = tpu.memref_slice %arg5[%sub3A_750, %dma_wait3A_806, %add3A, %dma_wait3A_809] : memref<200x8x32x1024xf32, #tpu.memory_space<hbm>> -> memref<1x1x1x1024xf32, #tpu.memory_space<hbm>>
        %dma_wait3A_811 = tpu.memref_squeeze %dma_wait3A_810 : memref<1x1x1x1024xf32, #tpu.memory_space<hbm>> -> memref<1024xf32, #tpu.memory_space<hbm>>
        %dma_wait3A_812 = arith.constant 0 : i32
        %dma_wait3A_813 = tpu.memref_slice %arg5[%sub3A_750, %dma_wait3A_806, %add3A, %dma_wait3A_812] : memref<200x8x32x1024xf32, #tpu.memory_space<hbm>> -> memref<1x1x1x1024xf32, #tpu.memory_space<hbm>>
        %dma_wait3A_814 = tpu.memref_squeeze %dma_wait3A_813 : memref<1x1x1x1024xf32, #tpu.memory_space<hbm>> -> memref<1024xf32, #tpu.memory_space<hbm>>
        %dma_wait3A_815 = arith.constant 5120 : i32
        %dma_wait3A_816 = tpu.memref_slice %arg14[%dma_wait3A_815] : memref<8192xf32, #tpu.memory_space<vmem>> -> memref<1024xf32, #tpu.memory_space<vmem>>
        tpu.wait_dma2 semaphore(%arg20 : memref<!tpu.dma_semaphore, #tpu.memory_space<semaphore_mem>>) src(%dma_wait3A_816 : memref<1024xf32, #tpu.memory_space<vmem>>) dst(%dma_wait3A_814 : memref<1024xf32, #tpu.memory_space<hbm>>)
        %dma_wait3A_817 = arith.constant 6 : i32
        %dma_wait3A_818 = arith.constant 6144 : i32
        %dma_wait3A_819 = tpu.memref_slice %arg14[%dma_wait3A_818] : memref<8192xf32, #tpu.memory_space<vmem>> -> memref<1024xf32, #tpu.memory_space<vmem>>
        %dma_wait3A_820 = arith.constant 0 : i32
        %dma_wait3A_821 = tpu.memref_slice %arg5[%sub3A_750, %dma_wait3A_817, %add3A, %dma_wait3A_820] : memref<200x8x32x1024xf32, #tpu.memory_space<hbm>> -> memref<1x1x1x1024xf32, #tpu.memory_space<hbm>>
        %dma_wait3A_822 = tpu.memref_squeeze %dma_wait3A_821 : memref<1x1x1x1024xf32, #tpu.memory_space<hbm>> -> memref<1024xf32, #tpu.memory_space<hbm>>
        %dma_wait3A_823 = arith.constant 0 : i32
        %dma_wait3A_824 = tpu.memref_slice %arg5[%sub3A_750, %dma_wait3A_817, %add3A, %dma_wait3A_823] : memref<200x8x32x1024xf32, #tpu.memory_space<hbm>> -> memref<1x1x1x1024xf32, #tpu.memory_space<hbm>>
        %dma_wait3A_825 = tpu.memref_squeeze %dma_wait3A_824 : memref<1x1x1x1024xf32, #tpu.memory_space<hbm>> -> memref<1024xf32, #tpu.memory_space<hbm>>
        %dma_wait3A_826 = arith.constant 6144 : i32
        %dma_wait3A_827 = tpu.memref_slice %arg14[%dma_wait3A_826] : memref<8192xf32, #tpu.memory_space<vmem>> -> memref<1024xf32, #tpu.memory_space<vmem>>
        tpu.wait_dma2 semaphore(%arg20 : memref<!tpu.dma_semaphore, #tpu.memory_space<semaphore_mem>>) src(%dma_wait3A_827 : memref<1024xf32, #tpu.memory_space<vmem>>) dst(%dma_wait3A_825 : memref<1024xf32, #tpu.memory_space<hbm>>)
        %dma_wait3A_828 = arith.constant 7 : i32
        %dma_wait3A_829 = arith.constant 7168 : i32
        %dma_wait3A_830 = tpu.memref_slice %arg14[%dma_wait3A_829] : memref<8192xf32, #tpu.memory_space<vmem>> -> memref<1024xf32, #tpu.memory_space<vmem>>
        %dma_wait3A_831 = arith.constant 0 : i32
        %dma_wait3A_832 = tpu.memref_slice %arg5[%sub3A_750, %dma_wait3A_828, %add3A, %dma_wait3A_831] : memref<200x8x32x1024xf32, #tpu.memory_space<hbm>> -> memref<1x1x1x1024xf32, #tpu.memory_space<hbm>>
        %dma_wait3A_833 = tpu.memref_squeeze %dma_wait3A_832 : memref<1x1x1x1024xf32, #tpu.memory_space<hbm>> -> memref<1024xf32, #tpu.memory_space<hbm>>
        %dma_wait3A_834 = arith.constant 0 : i32
        %dma_wait3A_835 = tpu.memref_slice %arg5[%sub3A_750, %dma_wait3A_828, %add3A, %dma_wait3A_834] : memref<200x8x32x1024xf32, #tpu.memory_space<hbm>> -> memref<1x1x1x1024xf32, #tpu.memory_space<hbm>>
        %dma_wait3A_836 = tpu.memref_squeeze %dma_wait3A_835 : memref<1x1x1x1024xf32, #tpu.memory_space<hbm>> -> memref<1024xf32, #tpu.memory_space<hbm>>
        %dma_wait3A_837 = arith.constant 7168 : i32
        %dma_wait3A_838 = tpu.memref_slice %arg14[%dma_wait3A_837] : memref<8192xf32, #tpu.memory_space<vmem>> -> memref<1024xf32, #tpu.memory_space<vmem>>
        tpu.wait_dma2 semaphore(%arg20 : memref<!tpu.dma_semaphore, #tpu.memory_space<semaphore_mem>>) src(%dma_wait3A_838 : memref<1024xf32, #tpu.memory_space<vmem>>) dst(%dma_wait3A_836 : memref<1024xf32, #tpu.memory_space<hbm>>)
      } else {
      }
      %get3A_644 = arith.index_cast %add3A_625 : i32 to index
      %get3A_645 = arith.constant 0 : index
      %get3A_646 = tpu.vector_load %arg7[%get3A_644, %get3A_645] {strides = array<i32>} : memref<200x64xf32, #tpu.memory_space<vmem>>, vector<16xf32>,
      %get3A_647 = arith.index_cast %add3A_625 : i32 to index
      %get3A_648 = arith.constant 16 : index
      %get3A_649 = tpu.vector_load %arg7[%get3A_647, %get3A_648] {strides = array<i32>} : memref<200x64xf32, #tpu.memory_space<vmem>>, vector<16xf32>,
      %get3A_650 = arith.index_cast %add3A_625 : i32 to index
      %get3A_651 = arith.constant 32 : index
      %get3A_652 = tpu.vector_load %arg7[%get3A_650, %get3A_651] {strides = array<i32>} : memref<200x64xf32, #tpu.memory_space<vmem>>, vector<16xf32>,
      %get3A_653 = arith.index_cast %add3A_625 : i32 to index
      %get3A_654 = arith.constant 48 : index
      %get3A_655 = tpu.vector_load %arg7[%get3A_653, %get3A_654] {strides = array<i32>} : memref<200x64xf32, #tpu.memory_space<vmem>>, vector<16xf32>,
      %parallel_loop3A_656 = arith.constant 0 : i32
      %parallel_loop3A_657 = arith.constant 128 : i32
      %parallel_loop3A_658 = arith.constant 1 : i32
      scf.for %parallel_loop3A_750 = %parallel_loop3A_656 to %parallel_loop3A_657 step %parallel_loop3A_658  : i32 {
        %parallel_loop3A_751 = arith.index_cast %parallel_loop3A_750 : i32 to index
        %parallel_loop3A_752 = arith.constant 0 : index
        %parallel_loop3A_753 = tpu.vector_load %arg11[%parallel_loop3A_751, %parallel_loop3A_752] {strides = array<i32>} : memref<128x64xf32, #tpu.memory_space<vmem>>, vector<16xf32>,
        %parallel_loop3A_754 = arith.addf %parallel_loop3A_753, %get3A_646 : vector<16xf32>
        %parallel_loop3A_755 = arith.index_cast %parallel_loop3A_750 : i32 to index
        %parallel_loop3A_756 = arith.constant 0 : index
        %parallel_loop3A_757 = tpu.vector_load %arg12[%parallel_loop3A_755, %parallel_loop3A_756] {strides = array<i32>} : memref<128x65xf32, #tpu.memory_space<vmem>>, vector<16xf32>,
        tpu.vector_store %arg12[%parallel_loop3A_755, %parallel_loop3A_756], %parallel_loop3A_754 {strides = array<i32>} : memref<128x65xf32, #tpu.memory_space<vmem>>, vector<16xf32>,
        %parallel_loop3A_758 = arith.index_cast %parallel_loop3A_750 : i32 to index
        %parallel_loop3A_759 = arith.constant 16 : index
        %parallel_loop3A_760 = tpu.vector_load %arg11[%parallel_loop3A_758, %parallel_loop3A_759] {strides = array<i32>} : memref<128x64xf32, #tpu.memory_space<vmem>>, vector<16xf32>,
        %parallel_loop3A_761 = arith.addf %parallel_loop3A_760, %get3A_649 : vector<16xf32>
        %parallel_loop3A_762 = arith.index_cast %parallel_loop3A_750 : i32 to index
        %parallel_loop3A_763 = arith.constant 16 : index
        %parallel_loop3A_764 = tpu.vector_load %arg12[%parallel_loop3A_762, %parallel_loop3A_763] {strides = array<i32>} : memref<128x65xf32, #tpu.memory_space<vmem>>, vector<16xf32>,
        tpu.vector_store %arg12[%parallel_loop3A_762, %parallel_loop3A_763], %parallel_loop3A_761 {strides = array<i32>} : memref<128x65xf32, #tpu.memory_space<vmem>>, vector<16xf32>,
        %parallel_loop3A_765 = arith.index_cast %parallel_loop3A_750 : i32 to index
        %parallel_loop3A_766 = arith.constant 32 : index
        %parallel_loop3A_767 = tpu.vector_load %arg11[%parallel_loop3A_765, %parallel_loop3A_766] {strides = array<i32>} : memref<128x64xf32, #tpu.memory_space<vmem>>, vector<16xf32>,
        %parallel_loop3A_768 = arith.addf %parallel_loop3A_767, %get3A_652 : vector<16xf32>
        %parallel_loop3A_769 = arith.index_cast %parallel_loop3A_750 : i32 to index
        %parallel_loop3A_770 = arith.constant 32 : index
        %parallel_loop3A_771 = tpu.vector_load %arg12[%parallel_loop3A_769, %parallel_loop3A_770] {strides = array<i32>} : memref<128x65xf32, #tpu.memory_space<vmem>>, vector<16xf32>,
        tpu.vector_store %arg12[%parallel_loop3A_769, %parallel_loop3A_770], %parallel_loop3A_768 {strides = array<i32>} : memref<128x65xf32, #tpu.memory_space<vmem>>, vector<16xf32>,
        %parallel_loop3A_772 = arith.index_cast %parallel_loop3A_750 : i32 to index
        %parallel_loop3A_773 = arith.constant 48 : index
        %parallel_loop3A_774 = tpu.vector_load %arg11[%parallel_loop3A_772, %parallel_loop3A_773] {strides = array<i32>} : memref<128x64xf32, #tpu.memory_space<vmem>>, vector<16xf32>,
        %parallel_loop3A_775 = arith.addf %parallel_loop3A_774, %get3A_655 : vector<16xf32>
        %parallel_loop3A_776 = arith.index_cast %parallel_loop3A_750 : i32 to index
        %parallel_loop3A_777 = arith.constant 48 : index
        %parallel_loop3A_778 = tpu.vector_load %arg12[%parallel_loop3A_776, %parallel_loop3A_777] {strides = array<i32>} : memref<128x65xf32, #tpu.memory_space<vmem>>, vector<16xf32>,
        tpu.vector_store %arg12[%parallel_loop3A_776, %parallel_loop3A_777], %parallel_loop3A_775 {strides = array<i32>} : memref<128x65xf32, #tpu.memory_space<vmem>>, vector<16xf32>,
      } {sc.loop_unroll_factor = 2 : i64, sc.parallel_access}
      %parallel_loop3A_659 = arith.constant 0 : i32
      %parallel_loop3A_660 = arith.constant 64 : i32
      %parallel_loop3A_661 = arith.constant 1 : i32
      scf.for %parallel_loop3A_750 = %parallel_loop3A_659 to %parallel_loop3A_660 step %parallel_loop3A_661  : i32 {
        %parallel_loop3A_751 = vector.broadcast %parallel_loop3A_750 : i32 to vector<16xi32>
        %parallel_loop3A_752 = arith.constant 3 : i32
        %parallel_loop3A_753 = arith.shrui %parallel_loop3A_750, %parallel_loop3A_752 : i32
        %parallel_loop3A_754 = arith.constant 10 : i32
        %parallel_loop3A_755 = arith.shli %parallel_loop3A_753, %parallel_loop3A_754 : i32
        %parallel_loop3A_756 = arith.constant 7 : i32
        %parallel_loop3A_757 = arith.andi %parallel_loop3A_750, %parallel_loop3A_756 : i32
        %parallel_loop3A_758 = arith.constant 7 : i32
        %parallel_loop3A_759 = arith.shli %parallel_loop3A_757, %parallel_loop3A_758 : i32
        %parallel_loop3A_760 = arith.addi %parallel_loop3A_755, %parallel_loop3A_759 : i32
        %parallel_loop3A_761 = tpu.vector_load_idx %arg12[%add3A_5, %parallel_loop3A_751] : memref<128x65xf32, #tpu.memory_space<vmem>>[vector<16xi32>, vector<16xi32>], vector<16xf32>,
        %parallel_loop3A_762 = arith.constant 0 : i32
        %parallel_loop3A_763 = arith.addi %parallel_loop3A_760, %parallel_loop3A_762 : i32
        %parallel_loop3A_764 = arith.index_cast %parallel_loop3A_763 : i32 to index
        %parallel_loop3A_765 = tpu.vector_load %arg14[%parallel_loop3A_764] {strides = array<i32>} : memref<8192xf32, #tpu.memory_space<vmem>>, vector<16xf32>,
        tpu.vector_store %arg14[%parallel_loop3A_764], %parallel_loop3A_761 {strides = array<i32>} : memref<8192xf32, #tpu.memory_space<vmem>>, vector<16xf32>,
        %parallel_loop3A_766 = tpu.vector_load_idx %arg12[%add3A_8, %parallel_loop3A_751] : memref<128x65xf32, #tpu.memory_space<vmem>>[vector<16xi32>, vector<16xi32>], vector<16xf32>,
        %parallel_loop3A_767 = arith.constant 16 : i32
        %parallel_loop3A_768 = arith.addi %parallel_loop3A_760, %parallel_loop3A_767 : i32
        %parallel_loop3A_769 = arith.index_cast %parallel_loop3A_768 : i32 to index
        %parallel_loop3A_770 = tpu.vector_load %arg14[%parallel_loop3A_769] {strides = array<i32>} : memref<8192xf32, #tpu.memory_space<vmem>>, vector<16xf32>,
        tpu.vector_store %arg14[%parallel_loop3A_769], %parallel_loop3A_766 {strides = array<i32>} : memref<8192xf32, #tpu.memory_space<vmem>>, vector<16xf32>,
        %parallel_loop3A_771 = tpu.vector_load_idx %arg12[%add3A_11, %parallel_loop3A_751] : memref<128x65xf32, #tpu.memory_space<vmem>>[vector<16xi32>, vector<16xi32>], vector<16xf32>,
        %parallel_loop3A_772 = arith.constant 32 : i32
        %parallel_loop3A_773 = arith.addi %parallel_loop3A_760, %parallel_loop3A_772 : i32
        %parallel_loop3A_774 = arith.index_cast %parallel_loop3A_773 : i32 to index
        %parallel_loop3A_775 = tpu.vector_load %arg14[%parallel_loop3A_774] {strides = array<i32>} : memref<8192xf32, #tpu.memory_space<vmem>>, vector<16xf32>,
        tpu.vector_store %arg14[%parallel_loop3A_774], %parallel_loop3A_771 {strides = array<i32>} : memref<8192xf32, #tpu.memory_space<vmem>>, vector<16xf32>,
        %parallel_loop3A_776 = tpu.vector_load_idx %arg12[%add3A_14, %parallel_loop3A_751] : memref<128x65xf32, #tpu.memory_space<vmem>>[vector<16xi32>, vector<16xi32>], vector<16xf32>,
        %parallel_loop3A_777 = arith.constant 48 : i32
        %parallel_loop3A_778 = arith.addi %parallel_loop3A_760, %parallel_loop3A_777 : i32
        %parallel_loop3A_779 = arith.index_cast %parallel_loop3A_778 : i32 to index
        %parallel_loop3A_780 = tpu.vector_load %arg14[%parallel_loop3A_779] {strides = array<i32>} : memref<8192xf32, #tpu.memory_space<vmem>>, vector<16xf32>,
        tpu.vector_store %arg14[%parallel_loop3A_779], %parallel_loop3A_776 {strides = array<i32>} : memref<8192xf32, #tpu.memory_space<vmem>>, vector<16xf32>,
        %parallel_loop3A_781 = tpu.vector_load_idx %arg12[%add3A_17, %parallel_loop3A_751] : memref<128x65xf32, #tpu.memory_space<vmem>>[vector<16xi32>, vector<16xi32>], vector<16xf32>,
        %parallel_loop3A_782 = arith.constant 64 : i32
        %parallel_loop3A_783 = arith.addi %parallel_loop3A_760, %parallel_loop3A_782 : i32
        %parallel_loop3A_784 = arith.index_cast %parallel_loop3A_783 : i32 to index
        %parallel_loop3A_785 = tpu.vector_load %arg14[%parallel_loop3A_784] {strides = array<i32>} : memref<8192xf32, #tpu.memory_space<vmem>>, vector<16xf32>,
        tpu.vector_store %arg14[%parallel_loop3A_784], %parallel_loop3A_781 {strides = array<i32>} : memref<8192xf32, #tpu.memory_space<vmem>>, vector<16xf32>,
        %parallel_loop3A_786 = tpu.vector_load_idx %arg12[%add3A_20, %parallel_loop3A_751] : memref<128x65xf32, #tpu.memory_space<vmem>>[vector<16xi32>, vector<16xi32>], vector<16xf32>,
        %parallel_loop3A_787 = arith.constant 80 : i32
        %parallel_loop3A_788 = arith.addi %parallel_loop3A_760, %parallel_loop3A_787 : i32
        %parallel_loop3A_789 = arith.index_cast %parallel_loop3A_788 : i32 to index
        %parallel_loop3A_790 = tpu.vector_load %arg14[%parallel_loop3A_789] {strides = array<i32>} : memref<8192xf32, #tpu.memory_space<vmem>>, vector<16xf32>,
        tpu.vector_store %arg14[%parallel_loop3A_789], %parallel_loop3A_786 {strides = array<i32>} : memref<8192xf32, #tpu.memory_space<vmem>>, vector<16xf32>,
        %parallel_loop3A_791 = tpu.vector_load_idx %arg12[%add3A_23, %parallel_loop3A_751] : memref<128x65xf32, #tpu.memory_space<vmem>>[vector<16xi32>, vector<16xi32>], vector<16xf32>,
        %parallel_loop3A_792 = arith.constant 96 : i32
        %parallel_loop3A_793 = arith.addi %parallel_loop3A_760, %parallel_loop3A_792 : i32
        %parallel_loop3A_794 = arith.index_cast %parallel_loop3A_793 : i32 to index
        %parallel_loop3A_795 = tpu.vector_load %arg14[%parallel_loop3A_794] {strides = array<i32>} : memref<8192xf32, #tpu.memory_space<vmem>>, vector<16xf32>,
        tpu.vector_store %arg14[%parallel_loop3A_794], %parallel_loop3A_791 {strides = array<i32>} : memref<8192xf32, #tpu.memory_space<vmem>>, vector<16xf32>,
        %parallel_loop3A_796 = tpu.vector_load_idx %arg12[%add3A_26, %parallel_loop3A_751] : memref<128x65xf32, #tpu.memory_space<vmem>>[vector<16xi32>, vector<16xi32>], vector<16xf32>,
        %parallel_loop3A_797 = arith.constant 112 : i32
        %parallel_loop3A_798 = arith.addi %parallel_loop3A_760, %parallel_loop3A_797 : i32
        %parallel_loop3A_799 = arith.index_cast %parallel_loop3A_798 : i32 to index
        %parallel_loop3A_800 = tpu.vector_load %arg14[%parallel_loop3A_799] {strides = array<i32>} : memref<8192xf32, #tpu.memory_space<vmem>>, vector<16xf32>,
        tpu.vector_store %arg14[%parallel_loop3A_799], %parallel_loop3A_796 {strides = array<i32>} : memref<8192xf32, #tpu.memory_space<vmem>>, vector<16xf32>,
      } {sc.loop_unroll_factor = 2 : i64, sc.parallel_access}
      %dma_start3A_662 = arith.constant 0 : i32
      %dma_start3A_663 = arith.constant 0 : i32
      %dma_start3A_664 = tpu.memref_slice %arg14[%dma_start3A_663] : memref<8192xf32, #tpu.memory_space<vmem>> -> memref<1024xf32, #tpu.memory_space<vmem>>
      %dma_start3A_665 = arith.constant 0 : i32
      %dma_start3A_666 = tpu.memref_slice %arg5[%add3A_625, %dma_start3A_662, %add3A, %dma_start3A_665] : memref<200x8x32x1024xf32, #tpu.memory_space<hbm>> -> memref<1x1x1x1024xf32, #tpu.memory_space<hbm>>
      %dma_start3A_667 = tpu.memref_squeeze %dma_start3A_666 : memref<1x1x1x1024xf32, #tpu.memory_space<hbm>> -> memref<1024xf32, #tpu.memory_space<hbm>>
      %dma_start3A_668 = arith.constant 0 : i32
      %dma_start3A_669 = tpu.memref_slice %arg5[%add3A_625, %dma_start3A_662, %add3A, %dma_start3A_668] : memref<200x8x32x1024xf32, #tpu.memory_space<hbm>> -> memref<1x1x1x1024xf32, #tpu.memory_space<hbm>>
      %dma_start3A_670 = tpu.memref_squeeze %dma_start3A_669 : memref<1x1x1x1024xf32, #tpu.memory_space<hbm>> -> memref<1024xf32, #tpu.memory_space<hbm>>
      %dma_start3A_671 = arith.constant 0 : i32
      %dma_start3A_672 = tpu.memref_slice %arg14[%dma_start3A_671] : memref<8192xf32, #tpu.memory_space<vmem>> -> memref<1024xf32, #tpu.memory_space<vmem>>
      tpu.enqueue_dma source(%dma_start3A_672 : memref<1024xf32, #tpu.memory_space<vmem>>) target(%dma_start3A_670 : memref<1024xf32, #tpu.memory_space<hbm>>) target_semaphore(%arg20 : memref<!tpu.dma_semaphore, #tpu.memory_space<semaphore_mem>>)
      %dma_start3A_673 = arith.constant 1 : i32
      %dma_start3A_674 = arith.constant 1024 : i32
      %dma_start3A_675 = tpu.memref_slice %arg14[%dma_start3A_674] : memref<8192xf32, #tpu.memory_space<vmem>> -> memref<1024xf32, #tpu.memory_space<vmem>>
      %dma_start3A_676 = arith.constant 0 : i32
      %dma_start3A_677 = tpu.memref_slice %arg5[%add3A_625, %dma_start3A_673, %add3A, %dma_start3A_676] : memref<200x8x32x1024xf32, #tpu.memory_space<hbm>> -> memref<1x1x1x1024xf32, #tpu.memory_space<hbm>>
      %dma_start3A_678 = tpu.memref_squeeze %dma_start3A_677 : memref<1x1x1x1024xf32, #tpu.memory_space<hbm>> -> memref<1024xf32, #tpu.memory_space<hbm>>
      %dma_start3A_679 = arith.constant 0 : i32
      %dma_start3A_680 = tpu.memref_slice %arg5[%add3A_625, %dma_start3A_673, %add3A, %dma_start3A_679] : memref<200x8x32x1024xf32, #tpu.memory_space<hbm>> -> memref<1x1x1x1024xf32, #tpu.memory_space<hbm>>
      %dma_start3A_681 = tpu.memref_squeeze %dma_start3A_680 : memref<1x1x1x1024xf32, #tpu.memory_space<hbm>> -> memref<1024xf32, #tpu.memory_space<hbm>>
      %dma_start3A_682 = arith.constant 1024 : i32
      %dma_start3A_683 = tpu.memref_slice %arg14[%dma_start3A_682] : memref<8192xf32, #tpu.memory_space<vmem>> -> memref<1024xf32, #tpu.memory_space<vmem>>
      tpu.enqueue_dma source(%dma_start3A_683 : memref<1024xf32, #tpu.memory_space<vmem>>) target(%dma_start3A_681 : memref<1024xf32, #tpu.memory_space<hbm>>) target_semaphore(%arg20 : memref<!tpu.dma_semaphore, #tpu.memory_space<semaphore_mem>>)
      %dma_start3A_684 = arith.constant 2 : i32
      %dma_start3A_685 = arith.constant 2048 : i32
      %dma_start3A_686 = tpu.memref_slice %arg14[%dma_start3A_685] : memref<8192xf32, #tpu.memory_space<vmem>> -> memref<1024xf32, #tpu.memory_space<vmem>>
      %dma_start3A_687 = arith.constant 0 : i32
      %dma_start3A_688 = tpu.memref_slice %arg5[%add3A_625, %dma_start3A_684, %add3A, %dma_start3A_687] : memref<200x8x32x1024xf32, #tpu.memory_space<hbm>> -> memref<1x1x1x1024xf32, #tpu.memory_space<hbm>>
      %dma_start3A_689 = tpu.memref_squeeze %dma_start3A_688 : memref<1x1x1x1024xf32, #tpu.memory_space<hbm>> -> memref<1024xf32, #tpu.memory_space<hbm>>
      %dma_start3A_690 = arith.constant 0 : i32
      %dma_start3A_691 = tpu.memref_slice %arg5[%add3A_625, %dma_start3A_684, %add3A, %dma_start3A_690] : memref<200x8x32x1024xf32, #tpu.memory_space<hbm>> -> memref<1x1x1x1024xf32, #tpu.memory_space<hbm>>
      %dma_start3A_692 = tpu.memref_squeeze %dma_start3A_691 : memref<1x1x1x1024xf32, #tpu.memory_space<hbm>> -> memref<1024xf32, #tpu.memory_space<hbm>>
      %dma_start3A_693 = arith.constant 2048 : i32
      %dma_start3A_694 = tpu.memref_slice %arg14[%dma_start3A_693] : memref<8192xf32, #tpu.memory_space<vmem>> -> memref<1024xf32, #tpu.memory_space<vmem>>
      tpu.enqueue_dma source(%dma_start3A_694 : memref<1024xf32, #tpu.memory_space<vmem>>) target(%dma_start3A_692 : memref<1024xf32, #tpu.memory_space<hbm>>) target_semaphore(%arg20 : memref<!tpu.dma_semaphore, #tpu.memory_space<semaphore_mem>>)
      %dma_start3A_695 = arith.constant 3 : i32
      %dma_start3A_696 = arith.constant 3072 : i32
      %dma_start3A_697 = tpu.memref_slice %arg14[%dma_start3A_696] : memref<8192xf32, #tpu.memory_space<vmem>> -> memref<1024xf32, #tpu.memory_space<vmem>>
      %dma_start3A_698 = arith.constant 0 : i32
      %dma_start3A_699 = tpu.memref_slice %arg5[%add3A_625, %dma_start3A_695, %add3A, %dma_start3A_698] : memref<200x8x32x1024xf32, #tpu.memory_space<hbm>> -> memref<1x1x1x1024xf32, #tpu.memory_space<hbm>>
      %dma_start3A_700 = tpu.memref_squeeze %dma_start3A_699 : memref<1x1x1x1024xf32, #tpu.memory_space<hbm>> -> memref<1024xf32, #tpu.memory_space<hbm>>
      %dma_start3A_701 = arith.constant 0 : i32
      %dma_start3A_702 = tpu.memref_slice %arg5[%add3A_625, %dma_start3A_695, %add3A, %dma_start3A_701] : memref<200x8x32x1024xf32, #tpu.memory_space<hbm>> -> memref<1x1x1x1024xf32, #tpu.memory_space<hbm>>
      %dma_start3A_703 = tpu.memref_squeeze %dma_start3A_702 : memref<1x1x1x1024xf32, #tpu.memory_space<hbm>> -> memref<1024xf32, #tpu.memory_space<hbm>>
      %dma_start3A_704 = arith.constant 3072 : i32
      %dma_start3A_705 = tpu.memref_slice %arg14[%dma_start3A_704] : memref<8192xf32, #tpu.memory_space<vmem>> -> memref<1024xf32, #tpu.memory_space<vmem>>
      tpu.enqueue_dma source(%dma_start3A_705 : memref<1024xf32, #tpu.memory_space<vmem>>) target(%dma_start3A_703 : memref<1024xf32, #tpu.memory_space<hbm>>) target_semaphore(%arg20 : memref<!tpu.dma_semaphore, #tpu.memory_space<semaphore_mem>>)
      %dma_start3A_706 = arith.constant 4 : i32
      %dma_start3A_707 = arith.constant 4096 : i32
      %dma_start3A_708 = tpu.memref_slice %arg14[%dma_start3A_707] : memref<8192xf32, #tpu.memory_space<vmem>> -> memref<1024xf32, #tpu.memory_space<vmem>>
      %dma_start3A_709 = arith.constant 0 : i32
      %dma_start3A_710 = tpu.memref_slice %arg5[%add3A_625, %dma_start3A_706, %add3A, %dma_start3A_709] : memref<200x8x32x1024xf32, #tpu.memory_space<hbm>> -> memref<1x1x1x1024xf32, #tpu.memory_space<hbm>>
      %dma_start3A_711 = tpu.memref_squeeze %dma_start3A_710 : memref<1x1x1x1024xf32, #tpu.memory_space<hbm>> -> memref<1024xf32, #tpu.memory_space<hbm>>
      %dma_start3A_712 = arith.constant 0 : i32
      %dma_start3A_713 = tpu.memref_slice %arg5[%add3A_625, %dma_start3A_706, %add3A, %dma_start3A_712] : memref<200x8x32x1024xf32, #tpu.memory_space<hbm>> -> memref<1x1x1x1024xf32, #tpu.memory_space<hbm>>
      %dma_start3A_714 = tpu.memref_squeeze %dma_start3A_713 : memref<1x1x1x1024xf32, #tpu.memory_space<hbm>> -> memref<1024xf32, #tpu.memory_space<hbm>>
      %dma_start3A_715 = arith.constant 4096 : i32
      %dma_start3A_716 = tpu.memref_slice %arg14[%dma_start3A_715] : memref<8192xf32, #tpu.memory_space<vmem>> -> memref<1024xf32, #tpu.memory_space<vmem>>
      tpu.enqueue_dma source(%dma_start3A_716 : memref<1024xf32, #tpu.memory_space<vmem>>) target(%dma_start3A_714 : memref<1024xf32, #tpu.memory_space<hbm>>) target_semaphore(%arg20 : memref<!tpu.dma_semaphore, #tpu.memory_space<semaphore_mem>>)
      %dma_start3A_717 = arith.constant 5 : i32
      %dma_start3A_718 = arith.constant 5120 : i32
      %dma_start3A_719 = tpu.memref_slice %arg14[%dma_start3A_718] : memref<8192xf32, #tpu.memory_space<vmem>> -> memref<1024xf32, #tpu.memory_space<vmem>>
      %dma_start3A_720 = arith.constant 0 : i32
      %dma_start3A_721 = tpu.memref_slice %arg5[%add3A_625, %dma_start3A_717, %add3A, %dma_start3A_720] : memref<200x8x32x1024xf32, #tpu.memory_space<hbm>> -> memref<1x1x1x1024xf32, #tpu.memory_space<hbm>>
      %dma_start3A_722 = tpu.memref_squeeze %dma_start3A_721 : memref<1x1x1x1024xf32, #tpu.memory_space<hbm>> -> memref<1024xf32, #tpu.memory_space<hbm>>
      %dma_start3A_723 = arith.constant 0 : i32
      %dma_start3A_724 = tpu.memref_slice %arg5[%add3A_625, %dma_start3A_717, %add3A, %dma_start3A_723] : memref<200x8x32x1024xf32, #tpu.memory_space<hbm>> -> memref<1x1x1x1024xf32, #tpu.memory_space<hbm>>
      %dma_start3A_725 = tpu.memref_squeeze %dma_start3A_724 : memref<1x1x1x1024xf32, #tpu.memory_space<hbm>> -> memref<1024xf32, #tpu.memory_space<hbm>>
      %dma_start3A_726 = arith.constant 5120 : i32
      %dma_start3A_727 = tpu.memref_slice %arg14[%dma_start3A_726] : memref<8192xf32, #tpu.memory_space<vmem>> -> memref<1024xf32, #tpu.memory_space<vmem>>
      tpu.enqueue_dma source(%dma_start3A_727 : memref<1024xf32, #tpu.memory_space<vmem>>) target(%dma_start3A_725 : memref<1024xf32, #tpu.memory_space<hbm>>) target_semaphore(%arg20 : memref<!tpu.dma_semaphore, #tpu.memory_space<semaphore_mem>>)
      %dma_start3A_728 = arith.constant 6 : i32
      %dma_start3A_729 = arith.constant 6144 : i32
      %dma_start3A_730 = tpu.memref_slice %arg14[%dma_start3A_729] : memref<8192xf32, #tpu.memory_space<vmem>> -> memref<1024xf32, #tpu.memory_space<vmem>>
      %dma_start3A_731 = arith.constant 0 : i32
      %dma_start3A_732 = tpu.memref_slice %arg5[%add3A_625, %dma_start3A_728, %add3A, %dma_start3A_731] : memref<200x8x32x1024xf32, #tpu.memory_space<hbm>> -> memref<1x1x1x1024xf32, #tpu.memory_space<hbm>>
      %dma_start3A_733 = tpu.memref_squeeze %dma_start3A_732 : memref<1x1x1x1024xf32, #tpu.memory_space<hbm>> -> memref<1024xf32, #tpu.memory_space<hbm>>
      %dma_start3A_734 = arith.constant 0 : i32
      %dma_start3A_735 = tpu.memref_slice %arg5[%add3A_625, %dma_start3A_728, %add3A, %dma_start3A_734] : memref<200x8x32x1024xf32, #tpu.memory_space<hbm>> -> memref<1x1x1x1024xf32, #tpu.memory_space<hbm>>
      %dma_start3A_736 = tpu.memref_squeeze %dma_start3A_735 : memref<1x1x1x1024xf32, #tpu.memory_space<hbm>> -> memref<1024xf32, #tpu.memory_space<hbm>>
      %dma_start3A_737 = arith.constant 6144 : i32
      %dma_start3A_738 = tpu.memref_slice %arg14[%dma_start3A_737] : memref<8192xf32, #tpu.memory_space<vmem>> -> memref<1024xf32, #tpu.memory_space<vmem>>
      tpu.enqueue_dma source(%dma_start3A_738 : memref<1024xf32, #tpu.memory_space<vmem>>) target(%dma_start3A_736 : memref<1024xf32, #tpu.memory_space<hbm>>) target_semaphore(%arg20 : memref<!tpu.dma_semaphore, #tpu.memory_space<semaphore_mem>>)
      %dma_start3A_739 = arith.constant 7 : i32
      %dma_start3A_740 = arith.constant 7168 : i32
      %dma_start3A_741 = tpu.memref_slice %arg14[%dma_start3A_740] : memref<8192xf32, #tpu.memory_space<vmem>> -> memref<1024xf32, #tpu.memory_space<vmem>>
      %dma_start3A_742 = arith.constant 0 : i32
      %dma_start3A_743 = tpu.memref_slice %arg5[%add3A_625, %dma_start3A_739, %add3A, %dma_start3A_742] : memref<200x8x32x1024xf32, #tpu.memory_space<hbm>> -> memref<1x1x1x1024xf32, #tpu.memory_space<hbm>>
      %dma_start3A_744 = tpu.memref_squeeze %dma_start3A_743 : memref<1x1x1x1024xf32, #tpu.memory_space<hbm>> -> memref<1024xf32, #tpu.memory_space<hbm>>
      %dma_start3A_745 = arith.constant 0 : i32
      %dma_start3A_746 = tpu.memref_slice %arg5[%add3A_625, %dma_start3A_739, %add3A, %dma_start3A_745] : memref<200x8x32x1024xf32, #tpu.memory_space<hbm>> -> memref<1x1x1x1024xf32, #tpu.memory_space<hbm>>
      %dma_start3A_747 = tpu.memref_squeeze %dma_start3A_746 : memref<1x1x1x1024xf32, #tpu.memory_space<hbm>> -> memref<1024xf32, #tpu.memory_space<hbm>>
      %dma_start3A_748 = arith.constant 7168 : i32
      %dma_start3A_749 = tpu.memref_slice %arg14[%dma_start3A_748] : memref<8192xf32, #tpu.memory_space<vmem>> -> memref<1024xf32, #tpu.memory_space<vmem>>
      tpu.enqueue_dma source(%dma_start3A_749 : memref<1024xf32, #tpu.memory_space<vmem>>) target(%dma_start3A_747 : memref<1024xf32, #tpu.memory_space<hbm>>) target_semaphore(%arg20 : memref<!tpu.dma_semaphore, #tpu.memory_space<semaphore_mem>>)
    }
    %scan3A_51 = arith.constant 50 : i32
    %dma_wait3A = arith.constant 198 : i32
    %dma_wait3A_52 = arith.constant 0 : i32
    %dma_wait3A_53 = arith.constant 0 : i32
    %dma_wait3A_54 = tpu.memref_slice %arg13[%dma_wait3A_53] : memref<8192xf32, #tpu.memory_space<vmem>> -> memref<1024xf32, #tpu.memory_space<vmem>>
    %dma_wait3A_55 = arith.constant 0 : i32
    %dma_wait3A_56 = tpu.memref_slice %arg5[%dma_wait3A, %dma_wait3A_52, %add3A, %dma_wait3A_55] : memref<200x8x32x1024xf32, #tpu.memory_space<hbm>> -> memref<1x1x1x1024xf32, #tpu.memory_space<hbm>>
    %dma_wait3A_57 = tpu.memref_squeeze %dma_wait3A_56 : memref<1x1x1x1024xf32, #tpu.memory_space<hbm>> -> memref<1024xf32, #tpu.memory_space<hbm>>
    %dma_wait3A_58 = arith.constant 0 : i32
    %dma_wait3A_59 = tpu.memref_slice %arg5[%dma_wait3A, %dma_wait3A_52, %add3A, %dma_wait3A_58] : memref<200x8x32x1024xf32, #tpu.memory_space<hbm>> -> memref<1x1x1x1024xf32, #tpu.memory_space<hbm>>
    %dma_wait3A_60 = tpu.memref_squeeze %dma_wait3A_59 : memref<1x1x1x1024xf32, #tpu.memory_space<hbm>> -> memref<1024xf32, #tpu.memory_space<hbm>>
    %dma_wait3A_61 = arith.constant 0 : i32
    %dma_wait3A_62 = tpu.memref_slice %arg13[%dma_wait3A_61] : memref<8192xf32, #tpu.memory_space<vmem>> -> memref<1024xf32, #tpu.memory_space<vmem>>
    tpu.wait_dma2 semaphore(%arg19 : memref<!tpu.dma_semaphore, #tpu.memory_space<semaphore_mem>>) src(%dma_wait3A_62 : memref<1024xf32, #tpu.memory_space<vmem>>) dst(%dma_wait3A_60 : memref<1024xf32, #tpu.memory_space<hbm>>)
    %dma_wait3A_63 = arith.constant 198 : i32
    %dma_wait3A_64 = arith.constant 1 : i32
    %dma_wait3A_65 = arith.constant 1024 : i32
    %dma_wait3A_66 = tpu.memref_slice %arg13[%dma_wait3A_65] : memref<8192xf32, #tpu.memory_space<vmem>> -> memref<1024xf32, #tpu.memory_space<vmem>>
    %dma_wait3A_67 = arith.constant 0 : i32
    %dma_wait3A_68 = tpu.memref_slice %arg5[%dma_wait3A_63, %dma_wait3A_64, %add3A, %dma_wait3A_67] : memref<200x8x32x1024xf32, #tpu.memory_space<hbm>> -> memref<1x1x1x1024xf32, #tpu.memory_space<hbm>>
    %dma_wait3A_69 = tpu.memref_squeeze %dma_wait3A_68 : memref<1x1x1x1024xf32, #tpu.memory_space<hbm>> -> memref<1024xf32, #tpu.memory_space<hbm>>
    %dma_wait3A_70 = arith.constant 0 : i32
    %dma_wait3A_71 = tpu.memref_slice %arg5[%dma_wait3A_63, %dma_wait3A_64, %add3A, %dma_wait3A_70] : memref<200x8x32x1024xf32, #tpu.memory_space<hbm>> -> memref<1x1x1x1024xf32, #tpu.memory_space<hbm>>
    %dma_wait3A_72 = tpu.memref_squeeze %dma_wait3A_71 : memref<1x1x1x1024xf32, #tpu.memory_space<hbm>> -> memref<1024xf32, #tpu.memory_space<hbm>>
    %dma_wait3A_73 = arith.constant 1024 : i32
    %dma_wait3A_74 = tpu.memref_slice %arg13[%dma_wait3A_73] : memref<8192xf32, #tpu.memory_space<vmem>> -> memref<1024xf32, #tpu.memory_space<vmem>>
    tpu.wait_dma2 semaphore(%arg19 : memref<!tpu.dma_semaphore, #tpu.memory_space<semaphore_mem>>) src(%dma_wait3A_74 : memref<1024xf32, #tpu.memory_space<vmem>>) dst(%dma_wait3A_72 : memref<1024xf32, #tpu.memory_space<hbm>>)
    %dma_wait3A_75 = arith.constant 198 : i32
    %dma_wait3A_76 = arith.constant 2 : i32
    %dma_wait3A_77 = arith.constant 2048 : i32
    %dma_wait3A_78 = tpu.memref_slice %arg13[%dma_wait3A_77] : memref<8192xf32, #tpu.memory_space<vmem>> -> memref<1024xf32, #tpu.memory_space<vmem>>
    %dma_wait3A_79 = arith.constant 0 : i32
    %dma_wait3A_80 = tpu.memref_slice %arg5[%dma_wait3A_75, %dma_wait3A_76, %add3A, %dma_wait3A_79] : memref<200x8x32x1024xf32, #tpu.memory_space<hbm>> -> memref<1x1x1x1024xf32, #tpu.memory_space<hbm>>
    %dma_wait3A_81 = tpu.memref_squeeze %dma_wait3A_80 : memref<1x1x1x1024xf32, #tpu.memory_space<hbm>> -> memref<1024xf32, #tpu.memory_space<hbm>>
    %dma_wait3A_82 = arith.constant 0 : i32
    %dma_wait3A_83 = tpu.memref_slice %arg5[%dma_wait3A_75, %dma_wait3A_76, %add3A, %dma_wait3A_82] : memref<200x8x32x1024xf32, #tpu.memory_space<hbm>> -> memref<1x1x1x1024xf32, #tpu.memory_space<hbm>>
    %dma_wait3A_84 = tpu.memref_squeeze %dma_wait3A_83 : memref<1x1x1x1024xf32, #tpu.memory_space<hbm>> -> memref<1024xf32, #tpu.memory_space<hbm>>
    %dma_wait3A_85 = arith.constant 2048 : i32
    %dma_wait3A_86 = tpu.memref_slice %arg13[%dma_wait3A_85] : memref<8192xf32, #tpu.memory_space<vmem>> -> memref<1024xf32, #tpu.memory_space<vmem>>
    tpu.wait_dma2 semaphore(%arg19 : memref<!tpu.dma_semaphore, #tpu.memory_space<semaphore_mem>>) src(%dma_wait3A_86 : memref<1024xf32, #tpu.memory_space<vmem>>) dst(%dma_wait3A_84 : memref<1024xf32, #tpu.memory_space<hbm>>)
    %dma_wait3A_87 = arith.constant 198 : i32
    %dma_wait3A_88 = arith.constant 3 : i32
    %dma_wait3A_89 = arith.constant 3072 : i32
    %dma_wait3A_90 = tpu.memref_slice %arg13[%dma_wait3A_89] : memref<8192xf32, #tpu.memory_space<vmem>> -> memref<1024xf32, #tpu.memory_space<vmem>>
    %dma_wait3A_91 = arith.constant 0 : i32
    %dma_wait3A_92 = tpu.memref_slice %arg5[%dma_wait3A_87, %dma_wait3A_88, %add3A, %dma_wait3A_91] : memref<200x8x32x1024xf32, #tpu.memory_space<hbm>> -> memref<1x1x1x1024xf32, #tpu.memory_space<hbm>>
    %dma_wait3A_93 = tpu.memref_squeeze %dma_wait3A_92 : memref<1x1x1x1024xf32, #tpu.memory_space<hbm>> -> memref<1024xf32, #tpu.memory_space<hbm>>
    %dma_wait3A_94 = arith.constant 0 : i32
    %dma_wait3A_95 = tpu.memref_slice %arg5[%dma_wait3A_87, %dma_wait3A_88, %add3A, %dma_wait3A_94] : memref<200x8x32x1024xf32, #tpu.memory_space<hbm>> -> memref<1x1x1x1024xf32, #tpu.memory_space<hbm>>
    %dma_wait3A_96 = tpu.memref_squeeze %dma_wait3A_95 : memref<1x1x1x1024xf32, #tpu.memory_space<hbm>> -> memref<1024xf32, #tpu.memory_space<hbm>>
    %dma_wait3A_97 = arith.constant 3072 : i32
    %dma_wait3A_98 = tpu.memref_slice %arg13[%dma_wait3A_97] : memref<8192xf32, #tpu.memory_space<vmem>> -> memref<1024xf32, #tpu.memory_space<vmem>>
    tpu.wait_dma2 semaphore(%arg19 : memref<!tpu.dma_semaphore, #tpu.memory_space<semaphore_mem>>) src(%dma_wait3A_98 : memref<1024xf32, #tpu.memory_space<vmem>>) dst(%dma_wait3A_96 : memref<1024xf32, #tpu.memory_space<hbm>>)
    %dma_wait3A_99 = arith.constant 198 : i32
    %dma_wait3A_100 = arith.constant 4 : i32
    %dma_wait3A_101 = arith.constant 4096 : i32
    %dma_wait3A_102 = tpu.memref_slice %arg13[%dma_wait3A_101] : memref<8192xf32, #tpu.memory_space<vmem>> -> memref<1024xf32, #tpu.memory_space<vmem>>
    %dma_wait3A_103 = arith.constant 0 : i32
    %dma_wait3A_104 = tpu.memref_slice %arg5[%dma_wait3A_99, %dma_wait3A_100, %add3A, %dma_wait3A_103] : memref<200x8x32x1024xf32, #tpu.memory_space<hbm>> -> memref<1x1x1x1024xf32, #tpu.memory_space<hbm>>
    %dma_wait3A_105 = tpu.memref_squeeze %dma_wait3A_104 : memref<1x1x1x1024xf32, #tpu.memory_space<hbm>> -> memref<1024xf32, #tpu.memory_space<hbm>>
    %dma_wait3A_106 = arith.constant 0 : i32
    %dma_wait3A_107 = tpu.memref_slice %arg5[%dma_wait3A_99, %dma_wait3A_100, %add3A, %dma_wait3A_106] : memref<200x8x32x1024xf32, #tpu.memory_space<hbm>> -> memref<1x1x1x1024xf32, #tpu.memory_space<hbm>>
    %dma_wait3A_108 = tpu.memref_squeeze %dma_wait3A_107 : memref<1x1x1x1024xf32, #tpu.memory_space<hbm>> -> memref<1024xf32, #tpu.memory_space<hbm>>
    %dma_wait3A_109 = arith.constant 4096 : i32
    %dma_wait3A_110 = tpu.memref_slice %arg13[%dma_wait3A_109] : memref<8192xf32, #tpu.memory_space<vmem>> -> memref<1024xf32, #tpu.memory_space<vmem>>
    tpu.wait_dma2 semaphore(%arg19 : memref<!tpu.dma_semaphore, #tpu.memory_space<semaphore_mem>>) src(%dma_wait3A_110 : memref<1024xf32, #tpu.memory_space<vmem>>) dst(%dma_wait3A_108 : memref<1024xf32, #tpu.memory_space<hbm>>)
    %dma_wait3A_111 = arith.constant 198 : i32
    %dma_wait3A_112 = arith.constant 5 : i32
    %dma_wait3A_113 = arith.constant 5120 : i32
    %dma_wait3A_114 = tpu.memref_slice %arg13[%dma_wait3A_113] : memref<8192xf32, #tpu.memory_space<vmem>> -> memref<1024xf32, #tpu.memory_space<vmem>>
    %dma_wait3A_115 = arith.constant 0 : i32
    %dma_wait3A_116 = tpu.memref_slice %arg5[%dma_wait3A_111, %dma_wait3A_112, %add3A, %dma_wait3A_115] : memref<200x8x32x1024xf32, #tpu.memory_space<hbm>> -> memref<1x1x1x1024xf32, #tpu.memory_space<hbm>>
    %dma_wait3A_117 = tpu.memref_squeeze %dma_wait3A_116 : memref<1x1x1x1024xf32, #tpu.memory_space<hbm>> -> memref<1024xf32, #tpu.memory_space<hbm>>
    %dma_wait3A_118 = arith.constant 0 : i32
    %dma_wait3A_119 = tpu.memref_slice %arg5[%dma_wait3A_111, %dma_wait3A_112, %add3A, %dma_wait3A_118] : memref<200x8x32x1024xf32, #tpu.memory_space<hbm>> -> memref<1x1x1x1024xf32, #tpu.memory_space<hbm>>
    %dma_wait3A_120 = tpu.memref_squeeze %dma_wait3A_119 : memref<1x1x1x1024xf32, #tpu.memory_space<hbm>> -> memref<1024xf32, #tpu.memory_space<hbm>>
    %dma_wait3A_121 = arith.constant 5120 : i32
    %dma_wait3A_122 = tpu.memref_slice %arg13[%dma_wait3A_121] : memref<8192xf32, #tpu.memory_space<vmem>> -> memref<1024xf32, #tpu.memory_space<vmem>>
    tpu.wait_dma2 semaphore(%arg19 : memref<!tpu.dma_semaphore, #tpu.memory_space<semaphore_mem>>) src(%dma_wait3A_122 : memref<1024xf32, #tpu.memory_space<vmem>>) dst(%dma_wait3A_120 : memref<1024xf32, #tpu.memory_space<hbm>>)
    %dma_wait3A_123 = arith.constant 198 : i32
    %dma_wait3A_124 = arith.constant 6 : i32
    %dma_wait3A_125 = arith.constant 6144 : i32
    %dma_wait3A_126 = tpu.memref_slice %arg13[%dma_wait3A_125] : memref<8192xf32, #tpu.memory_space<vmem>> -> memref<1024xf32, #tpu.memory_space<vmem>>
    %dma_wait3A_127 = arith.constant 0 : i32
    %dma_wait3A_128 = tpu.memref_slice %arg5[%dma_wait3A_123, %dma_wait3A_124, %add3A, %dma_wait3A_127] : memref<200x8x32x1024xf32, #tpu.memory_space<hbm>> -> memref<1x1x1x1024xf32, #tpu.memory_space<hbm>>
    %dma_wait3A_129 = tpu.memref_squeeze %dma_wait3A_128 : memref<1x1x1x1024xf32, #tpu.memory_space<hbm>> -> memref<1024xf32, #tpu.memory_space<hbm>>
    %dma_wait3A_130 = arith.constant 0 : i32
    %dma_wait3A_131 = tpu.memref_slice %arg5[%dma_wait3A_123, %dma_wait3A_124, %add3A, %dma_wait3A_130] : memref<200x8x32x1024xf32, #tpu.memory_space<hbm>> -> memref<1x1x1x1024xf32, #tpu.memory_space<hbm>>
    %dma_wait3A_132 = tpu.memref_squeeze %dma_wait3A_131 : memref<1x1x1x1024xf32, #tpu.memory_space<hbm>> -> memref<1024xf32, #tpu.memory_space<hbm>>
    %dma_wait3A_133 = arith.constant 6144 : i32
    %dma_wait3A_134 = tpu.memref_slice %arg13[%dma_wait3A_133] : memref<8192xf32, #tpu.memory_space<vmem>> -> memref<1024xf32, #tpu.memory_space<vmem>>
    tpu.wait_dma2 semaphore(%arg19 : memref<!tpu.dma_semaphore, #tpu.memory_space<semaphore_mem>>) src(%dma_wait3A_134 : memref<1024xf32, #tpu.memory_space<vmem>>) dst(%dma_wait3A_132 : memref<1024xf32, #tpu.memory_space<hbm>>)
    %dma_wait3A_135 = arith.constant 198 : i32
    %dma_wait3A_136 = arith.constant 7 : i32
    %dma_wait3A_137 = arith.constant 7168 : i32
    %dma_wait3A_138 = tpu.memref_slice %arg13[%dma_wait3A_137] : memref<8192xf32, #tpu.memory_space<vmem>> -> memref<1024xf32, #tpu.memory_space<vmem>>
    %dma_wait3A_139 = arith.constant 0 : i32
    %dma_wait3A_140 = tpu.memref_slice %arg5[%dma_wait3A_135, %dma_wait3A_136, %add3A, %dma_wait3A_139] : memref<200x8x32x1024xf32, #tpu.memory_space<hbm>> -> memref<1x1x1x1024xf32, #tpu.memory_space<hbm>>
    %dma_wait3A_141 = tpu.memref_squeeze %dma_wait3A_140 : memref<1x1x1x1024xf32, #tpu.memory_space<hbm>> -> memref<1024xf32, #tpu.memory_space<hbm>>
    %dma_wait3A_142 = arith.constant 0 : i32
    %dma_wait3A_143 = tpu.memref_slice %arg5[%dma_wait3A_135, %dma_wait3A_136, %add3A, %dma_wait3A_142] : memref<200x8x32x1024xf32, #tpu.memory_space<hbm>> -> memref<1x1x1x1024xf32, #tpu.memory_space<hbm>>
    %dma_wait3A_144 = tpu.memref_squeeze %dma_wait3A_143 : memref<1x1x1x1024xf32, #tpu.memory_space<hbm>> -> memref<1024xf32, #tpu.memory_space<hbm>>
    %dma_wait3A_145 = arith.constant 7168 : i32
    %dma_wait3A_146 = tpu.memref_slice %arg13[%dma_wait3A_145] : memref<8192xf32, #tpu.memory_space<vmem>> -> memref<1024xf32, #tpu.memory_space<vmem>>
    tpu.wait_dma2 semaphore(%arg19 : memref<!tpu.dma_semaphore, #tpu.memory_space<semaphore_mem>>) src(%dma_wait3A_146 : memref<1024xf32, #tpu.memory_space<vmem>>) dst(%dma_wait3A_144 : memref<1024xf32, #tpu.memory_space<hbm>>)
    %dma_wait3A_147 = arith.constant 199 : i32
    %dma_wait3A_148 = arith.constant 0 : i32
    %dma_wait3A_149 = arith.constant 0 : i32
    %dma_wait3A_150 = tpu.memref_slice %arg14[%dma_wait3A_149] : memref<8192xf32, #tpu.memory_space<vmem>> -> memref<1024xf32, #tpu.memory_space<vmem>>
    %dma_wait3A_151 = arith.constant 0 : i32
    %dma_wait3A_152 = tpu.memref_slice %arg5[%dma_wait3A_147, %dma_wait3A_148, %add3A, %dma_wait3A_151] : memref<200x8x32x1024xf32, #tpu.memory_space<hbm>> -> memref<1x1x1x1024xf32, #tpu.memory_space<hbm>>
    %dma_wait3A_153 = tpu.memref_squeeze %dma_wait3A_152 : memref<1x1x1x1024xf32, #tpu.memory_space<hbm>> -> memref<1024xf32, #tpu.memory_space<hbm>>
    %dma_wait3A_154 = arith.constant 0 : i32
    %dma_wait3A_155 = tpu.memref_slice %arg5[%dma_wait3A_147, %dma_wait3A_148, %add3A, %dma_wait3A_154] : memref<200x8x32x1024xf32, #tpu.memory_space<hbm>> -> memref<1x1x1x1024xf32, #tpu.memory_space<hbm>>
    %dma_wait3A_156 = tpu.memref_squeeze %dma_wait3A_155 : memref<1x1x1x1024xf32, #tpu.memory_space<hbm>> -> memref<1024xf32, #tpu.memory_space<hbm>>
    %dma_wait3A_157 = arith.constant 0 : i32
    %dma_wait3A_158 = tpu.memref_slice %arg14[%dma_wait3A_157] : memref<8192xf32, #tpu.memory_space<vmem>> -> memref<1024xf32, #tpu.memory_space<vmem>>
    tpu.wait_dma2 semaphore(%arg20 : memref<!tpu.dma_semaphore, #tpu.memory_space<semaphore_mem>>) src(%dma_wait3A_158 : memref<1024xf32, #tpu.memory_space<vmem>>) dst(%dma_wait3A_156 : memref<1024xf32, #tpu.memory_space<hbm>>)
    %dma_wait3A_159 = arith.constant 199 : i32
    %dma_wait3A_160 = arith.constant 1 : i32
    %dma_wait3A_161 = arith.constant 1024 : i32
    %dma_wait3A_162 = tpu.memref_slice %arg14[%dma_wait3A_161] : memref<8192xf32, #tpu.memory_space<vmem>> -> memref<1024xf32, #tpu.memory_space<vmem>>
    %dma_wait3A_163 = arith.constant 0 : i32
    %dma_wait3A_164 = tpu.memref_slice %arg5[%dma_wait3A_159, %dma_wait3A_160, %add3A, %dma_wait3A_163] : memref<200x8x32x1024xf32, #tpu.memory_space<hbm>> -> memref<1x1x1x1024xf32, #tpu.memory_space<hbm>>
    %dma_wait3A_165 = tpu.memref_squeeze %dma_wait3A_164 : memref<1x1x1x1024xf32, #tpu.memory_space<hbm>> -> memref<1024xf32, #tpu.memory_space<hbm>>
    %dma_wait3A_166 = arith.constant 0 : i32
    %dma_wait3A_167 = tpu.memref_slice %arg5[%dma_wait3A_159, %dma_wait3A_160, %add3A, %dma_wait3A_166] : memref<200x8x32x1024xf32, #tpu.memory_space<hbm>> -> memref<1x1x1x1024xf32, #tpu.memory_space<hbm>>
    %dma_wait3A_168 = tpu.memref_squeeze %dma_wait3A_167 : memref<1x1x1x1024xf32, #tpu.memory_space<hbm>> -> memref<1024xf32, #tpu.memory_space<hbm>>
    %dma_wait3A_169 = arith.constant 1024 : i32
    %dma_wait3A_170 = tpu.memref_slice %arg14[%dma_wait3A_169] : memref<8192xf32, #tpu.memory_space<vmem>> -> memref<1024xf32, #tpu.memory_space<vmem>>
    tpu.wait_dma2 semaphore(%arg20 : memref<!tpu.dma_semaphore, #tpu.memory_space<semaphore_mem>>) src(%dma_wait3A_170 : memref<1024xf32, #tpu.memory_space<vmem>>) dst(%dma_wait3A_168 : memref<1024xf32, #tpu.memory_space<hbm>>)
    %dma_wait3A_171 = arith.constant 199 : i32
    %dma_wait3A_172 = arith.constant 2 : i32
    %dma_wait3A_173 = arith.constant 2048 : i32
    %dma_wait3A_174 = tpu.memref_slice %arg14[%dma_wait3A_173] : memref<8192xf32, #tpu.memory_space<vmem>> -> memref<1024xf32, #tpu.memory_space<vmem>>
    %dma_wait3A_175 = arith.constant 0 : i32
    %dma_wait3A_176 = tpu.memref_slice %arg5[%dma_wait3A_171, %dma_wait3A_172, %add3A, %dma_wait3A_175] : memref<200x8x32x1024xf32, #tpu.memory_space<hbm>> -> memref<1x1x1x1024xf32, #tpu.memory_space<hbm>>
    %dma_wait3A_177 = tpu.memref_squeeze %dma_wait3A_176 : memref<1x1x1x1024xf32, #tpu.memory_space<hbm>> -> memref<1024xf32, #tpu.memory_space<hbm>>
    %dma_wait3A_178 = arith.constant 0 : i32
    %dma_wait3A_179 = tpu.memref_slice %arg5[%dma_wait3A_171, %dma_wait3A_172, %add3A, %dma_wait3A_178] : memref<200x8x32x1024xf32, #tpu.memory_space<hbm>> -> memref<1x1x1x1024xf32, #tpu.memory_space<hbm>>
    %dma_wait3A_180 = tpu.memref_squeeze %dma_wait3A_179 : memref<1x1x1x1024xf32, #tpu.memory_space<hbm>> -> memref<1024xf32, #tpu.memory_space<hbm>>
    %dma_wait3A_181 = arith.constant 2048 : i32
    %dma_wait3A_182 = tpu.memref_slice %arg14[%dma_wait3A_181] : memref<8192xf32, #tpu.memory_space<vmem>> -> memref<1024xf32, #tpu.memory_space<vmem>>
    tpu.wait_dma2 semaphore(%arg20 : memref<!tpu.dma_semaphore, #tpu.memory_space<semaphore_mem>>) src(%dma_wait3A_182 : memref<1024xf32, #tpu.memory_space<vmem>>) dst(%dma_wait3A_180 : memref<1024xf32, #tpu.memory_space<hbm>>)
    %dma_wait3A_183 = arith.constant 199 : i32
    %dma_wait3A_184 = arith.constant 3 : i32
    %dma_wait3A_185 = arith.constant 3072 : i32
    %dma_wait3A_186 = tpu.memref_slice %arg14[%dma_wait3A_185] : memref<8192xf32, #tpu.memory_space<vmem>> -> memref<1024xf32, #tpu.memory_space<vmem>>
    %dma_wait3A_187 = arith.constant 0 : i32
    %dma_wait3A_188 = tpu.memref_slice %arg5[%dma_wait3A_183, %dma_wait3A_184, %add3A, %dma_wait3A_187] : memref<200x8x32x1024xf32, #tpu.memory_space<hbm>> -> memref<1x1x1x1024xf32, #tpu.memory_space<hbm>>
    %dma_wait3A_189 = tpu.memref_squeeze %dma_wait3A_188 : memref<1x1x1x1024xf32, #tpu.memory_space<hbm>> -> memref<1024xf32, #tpu.memory_space<hbm>>
    %dma_wait3A_190 = arith.constant 0 : i32
    %dma_wait3A_191 = tpu.memref_slice %arg5[%dma_wait3A_183, %dma_wait3A_184, %add3A, %dma_wait3A_190] : memref<200x8x32x1024xf32, #tpu.memory_space<hbm>> -> memref<1x1x1x1024xf32, #tpu.memory_space<hbm>>
    %dma_wait3A_192 = tpu.memref_squeeze %dma_wait3A_191 : memref<1x1x1x1024xf32, #tpu.memory_space<hbm>> -> memref<1024xf32, #tpu.memory_space<hbm>>
    %dma_wait3A_193 = arith.constant 3072 : i32
    %dma_wait3A_194 = tpu.memref_slice %arg14[%dma_wait3A_193] : memref<8192xf32, #tpu.memory_space<vmem>> -> memref<1024xf32, #tpu.memory_space<vmem>>
    tpu.wait_dma2 semaphore(%arg20 : memref<!tpu.dma_semaphore, #tpu.memory_space<semaphore_mem>>) src(%dma_wait3A_194 : memref<1024xf32, #tpu.memory_space<vmem>>) dst(%dma_wait3A_192 : memref<1024xf32, #tpu.memory_space<hbm>>)
    %dma_wait3A_195 = arith.constant 199 : i32
    %dma_wait3A_196 = arith.constant 4 : i32
    %dma_wait3A_197 = arith.constant 4096 : i32
    %dma_wait3A_198 = tpu.memref_slice %arg14[%dma_wait3A_197] : memref<8192xf32, #tpu.memory_space<vmem>> -> memref<1024xf32, #tpu.memory_space<vmem>>
    %dma_wait3A_199 = arith.constant 0 : i32
    %dma_wait3A_200 = tpu.memref_slice %arg5[%dma_wait3A_195, %dma_wait3A_196, %add3A, %dma_wait3A_199] : memref<200x8x32x1024xf32, #tpu.memory_space<hbm>> -> memref<1x1x1x1024xf32, #tpu.memory_space<hbm>>
    %dma_wait3A_201 = tpu.memref_squeeze %dma_wait3A_200 : memref<1x1x1x1024xf32, #tpu.memory_space<hbm>> -> memref<1024xf32, #tpu.memory_space<hbm>>
    %dma_wait3A_202 = arith.constant 0 : i32
    %dma_wait3A_203 = tpu.memref_slice %arg5[%dma_wait3A_195, %dma_wait3A_196, %add3A, %dma_wait3A_202] : memref<200x8x32x1024xf32, #tpu.memory_space<hbm>> -> memref<1x1x1x1024xf32, #tpu.memory_space<hbm>>
    %dma_wait3A_204 = tpu.memref_squeeze %dma_wait3A_203 : memref<1x1x1x1024xf32, #tpu.memory_space<hbm>> -> memref<1024xf32, #tpu.memory_space<hbm>>
    %dma_wait3A_205 = arith.constant 4096 : i32
    %dma_wait3A_206 = tpu.memref_slice %arg14[%dma_wait3A_205] : memref<8192xf32, #tpu.memory_space<vmem>> -> memref<1024xf32, #tpu.memory_space<vmem>>
    tpu.wait_dma2 semaphore(%arg20 : memref<!tpu.dma_semaphore, #tpu.memory_space<semaphore_mem>>) src(%dma_wait3A_206 : memref<1024xf32, #tpu.memory_space<vmem>>) dst(%dma_wait3A_204 : memref<1024xf32, #tpu.memory_space<hbm>>)
    %dma_wait3A_207 = arith.constant 199 : i32
    %dma_wait3A_208 = arith.constant 5 : i32
    %dma_wait3A_209 = arith.constant 5120 : i32
    %dma_wait3A_210 = tpu.memref_slice %arg14[%dma_wait3A_209] : memref<8192xf32, #tpu.memory_space<vmem>> -> memref<1024xf32, #tpu.memory_space<vmem>>
    %dma_wait3A_211 = arith.constant 0 : i32
    %dma_wait3A_212 = tpu.memref_slice %arg5[%dma_wait3A_207, %dma_wait3A_208, %add3A, %dma_wait3A_211] : memref<200x8x32x1024xf32, #tpu.memory_space<hbm>> -> memref<1x1x1x1024xf32, #tpu.memory_space<hbm>>
    %dma_wait3A_213 = tpu.memref_squeeze %dma_wait3A_212 : memref<1x1x1x1024xf32, #tpu.memory_space<hbm>> -> memref<1024xf32, #tpu.memory_space<hbm>>
    %dma_wait3A_214 = arith.constant 0 : i32
    %dma_wait3A_215 = tpu.memref_slice %arg5[%dma_wait3A_207, %dma_wait3A_208, %add3A, %dma_wait3A_214] : memref<200x8x32x1024xf32, #tpu.memory_space<hbm>> -> memref<1x1x1x1024xf32, #tpu.memory_space<hbm>>
    %dma_wait3A_216 = tpu.memref_squeeze %dma_wait3A_215 : memref<1x1x1x1024xf32, #tpu.memory_space<hbm>> -> memref<1024xf32, #tpu.memory_space<hbm>>
    %dma_wait3A_217 = arith.constant 5120 : i32
    %dma_wait3A_218 = tpu.memref_slice %arg14[%dma_wait3A_217] : memref<8192xf32, #tpu.memory_space<vmem>> -> memref<1024xf32, #tpu.memory_space<vmem>>
    tpu.wait_dma2 semaphore(%arg20 : memref<!tpu.dma_semaphore, #tpu.memory_space<semaphore_mem>>) src(%dma_wait3A_218 : memref<1024xf32, #tpu.memory_space<vmem>>) dst(%dma_wait3A_216 : memref<1024xf32, #tpu.memory_space<hbm>>)
    %dma_wait3A_219 = arith.constant 199 : i32
    %dma_wait3A_220 = arith.constant 6 : i32
    %dma_wait3A_221 = arith.constant 6144 : i32
    %dma_wait3A_222 = tpu.memref_slice %arg14[%dma_wait3A_221] : memref<8192xf32, #tpu.memory_space<vmem>> -> memref<1024xf32, #tpu.memory_space<vmem>>
    %dma_wait3A_223 = arith.constant 0 : i32
    %dma_wait3A_224 = tpu.memref_slice %arg5[%dma_wait3A_219, %dma_wait3A_220, %add3A, %dma_wait3A_223] : memref<200x8x32x1024xf32, #tpu.memory_space<hbm>> -> memref<1x1x1x1024xf32, #tpu.memory_space<hbm>>
    %dma_wait3A_225 = tpu.memref_squeeze %dma_wait3A_224 : memref<1x1x1x1024xf32, #tpu.memory_space<hbm>> -> memref<1024xf32, #tpu.memory_space<hbm>>
    %dma_wait3A_226 = arith.constant 0 : i32
    %dma_wait3A_227 = tpu.memref_slice %arg5[%dma_wait3A_219, %dma_wait3A_220, %add3A, %dma_wait3A_226] : memref<200x8x32x1024xf32, #tpu.memory_space<hbm>> -> memref<1x1x1x1024xf32, #tpu.memory_space<hbm>>
    %dma_wait3A_228 = tpu.memref_squeeze %dma_wait3A_227 : memref<1x1x1x1024xf32, #tpu.memory_space<hbm>> -> memref<1024xf32, #tpu.memory_space<hbm>>
    %dma_wait3A_229 = arith.constant 6144 : i32
    %dma_wait3A_230 = tpu.memref_slice %arg14[%dma_wait3A_229] : memref<8192xf32, #tpu.memory_space<vmem>> -> memref<1024xf32, #tpu.memory_space<vmem>>
    tpu.wait_dma2 semaphore(%arg20 : memref<!tpu.dma_semaphore, #tpu.memory_space<semaphore_mem>>) src(%dma_wait3A_230 : memref<1024xf32, #tpu.memory_space<vmem>>) dst(%dma_wait3A_228 : memref<1024xf32, #tpu.memory_space<hbm>>)
    %dma_wait3A_231 = arith.constant 199 : i32
    %dma_wait3A_232 = arith.constant 7 : i32
    %dma_wait3A_233 = arith.constant 7168 : i32
    %dma_wait3A_234 = tpu.memref_slice %arg14[%dma_wait3A_233] : memref<8192xf32, #tpu.memory_space<vmem>> -> memref<1024xf32, #tpu.memory_space<vmem>>
    %dma_wait3A_235 = arith.constant 0 : i32
    %dma_wait3A_236 = tpu.memref_slice %arg5[%dma_wait3A_231, %dma_wait3A_232, %add3A, %dma_wait3A_235] : memref<200x8x32x1024xf32, #tpu.memory_space<hbm>> -> memref<1x1x1x1024xf32, #tpu.memory_space<hbm>>
    %dma_wait3A_237 = tpu.memref_squeeze %dma_wait3A_236 : memref<1x1x1x1024xf32, #tpu.memory_space<hbm>> -> memref<1024xf32, #tpu.memory_space<hbm>>
    %dma_wait3A_238 = arith.constant 0 : i32
    %dma_wait3A_239 = tpu.memref_slice %arg5[%dma_wait3A_231, %dma_wait3A_232, %add3A, %dma_wait3A_238] : memref<200x8x32x1024xf32, #tpu.memory_space<hbm>> -> memref<1x1x1x1024xf32, #tpu.memory_space<hbm>>
    %dma_wait3A_240 = tpu.memref_squeeze %dma_wait3A_239 : memref<1x1x1x1024xf32, #tpu.memory_space<hbm>> -> memref<1024xf32, #tpu.memory_space<hbm>>
    %dma_wait3A_241 = arith.constant 7168 : i32
    %dma_wait3A_242 = tpu.memref_slice %arg14[%dma_wait3A_241] : memref<8192xf32, #tpu.memory_space<vmem>> -> memref<1024xf32, #tpu.memory_space<vmem>>
    tpu.wait_dma2 semaphore(%arg20 : memref<!tpu.dma_semaphore, #tpu.memory_space<semaphore_mem>>) src(%dma_wait3A_242 : memref<1024xf32, #tpu.memory_space<vmem>>) dst(%dma_wait3A_240 : memref<1024xf32, #tpu.memory_space<hbm>>)
    return
  }
}

</mosaic_0001>

<sc_bundles>
// kernel: kernel.3.cloned.1.call-start
scs
__scs_entry_jumppad:
0x0: {  	(pc) =	sbr.rel $0x88, $3  }
0x1: {  	(tag) =	ssettag $0x0;
	lr =	simm.s32 $0x1  }
0x2: {  	[smem:$0x3F9E] =	sst lr;
	_ =	strace $0xD0000000  }
0x3: {  	_ = 	snop  }
0x4: {  	_ = 	snop  }
0x5: {  	_ = 	snop  }
0x6: {  	_ = 	snop  }
0x7: {  	_ = 	snop  }
__scs_overlays_trampoline_lowered:
0x8: {  	[smem:$0x3FAD] =	sst s0  }
0x9: {  	[smem:$0x3FAE] =	sst s1  }
0xa: {  	[smem:$0x3FAF] =	sst s2  }
0xb: {  	[smem:$0x3FB0] =	sst s3  }
0xc: {  	[smem:$0x3FB1] =	sst s4  }
0xd: {  	[smem:$0x3FB2] =	sst s5  }
0xe: {  	[smem:$0x3FB3] =	sst s6  }
0xf: {  	[smem:$0x3FB4] =	sst s7  }
0x10: {  	[smem:$0x3FB5] =	sst s8  }
0x11: {  	[smem:$0x3FB6] =	sst s9;
	s0 =	simm.s32 @!p0 $0x0  }
0x12: {  	s1 =	sld [smem:$0x3F9C];
	s0 =	simm.s32 @p0 $0x1  }
0x13: {  	[smem:$0x3FB7] =	sst s0;
	s0 =	simm.s32 @!p1 $0x0  }
0x14: {  	s2 =	sld [smem:$0x3F9B];
	s0 =	simm.s32 @p1 $0x1  }
0x15: {  	[smem:$0x3FB8] =	sst s0;
	s0 =	simm.s32 @!p2 $0x0  }
0x16: {  	s3 =	sld [smem:$0x3FDB];
	s0 =	simm.s32 @p2 $0x1  }
0x17: {  	s4 =	simm.s32 $0x1BF5;
	[smem:$0x3FBA] =	sst s0  }
0x18: {  	s0 =	sld [smem:$0x3F9D];
	_ =	swait.ge [sflag:s4], $0x0  }
0x19: {  	s7 =	sld [smem:$0x3F9E]  }
0x1a: {  	s8 =	sadd.s32 $0xFFFFE003, lr  }
0x1b: {  	s9 =	sadd.s32 $0xFFFFFEF7, lr;
	s5 =	simm.s32 $0xFFFFFFFF;
	p2 =	slt.u32 s8, $0xFFFFF086  }
0x1c: {  	p1 =	slt.u32 s9, $0xF7A;
	s5 =	simm.s32 @!p2 $0x0  }
0x1d: {  	s5 =	simm.s32 @p1 $0x1;
	p0 =	seq.s32 s7, s2  }
0x1e: {  	s7 =	smul.u32 @!p0 $0xF7A, s2;
	p2 =	seq.s32 @!p0 s5, $0x0  }
0x1f: {  	s9 =	smul.u32 $0xF7A, s1;
	s8 =	simm.s32 @!p0 $0x1BF5;
	p2 =	por !p2, p0  }
0x20: {  	[sflag:s8] =	ssyncset.s32 @!p0 $0xFFFFF086;
	s6 =	sadd.s32 @!p0 s3, s7;
	s7 =	simm.s32 @!p0 $0x108  }
0x21: {  	s3 =	sadd.s32 s3, s9;
	s6 =	sadd.s32 @!p0 $0x88, s6;
	s7 =	simm.s32 @p2 $0x1082  }
0x22: {  	[simem:s7], [sflag:s8] =	dma.local @!p0 [hbm:s6], $0xF7A  }
0x23: {  	s9 =	sor.u32 $0xD0000000, s2;
	s6 =	simm.s32 $0x108;
	_ =	swait.ge @!p0 [sflag:s8], $0x0  }
0x24: {  	s3 =	sadd.s32 $0x88, s3;
	s6 =	simm.s32 @!p1 $0x1082;
	[sflag:s4] =	ssyncset.s32 $0xFFFFF086  }
0x25: {  	[simem:s6], [sflag:s4] =	dma.local [hbm:s3], $0xF7A  }
0x26: {  	[smem:$0x3F9E] =	sst s1;
	(tag) =	ssettag s2;
	_ =	strace s9  }
0x27: {  	s1 =	sld [smem:$0x3FAE]  }
0x28: {  	s2 =	sld [smem:$0x3FAF]  }
0x29: {  	s4 =	sld [smem:$0x3FB1]  }
0x2a: {  	p0 =	seq.s32 s5, $0x0;
	s5 =	sld [smem:$0x3FB2]  }
0x2b: {  	s6 =	sld [smem:$0x3FB3]  }
0x2c: {  	s7 =	sld [smem:$0x3FB4]  }
0x2d: {  	s3 =	simm.s32 $0x108;
	s8 =	sld [smem:$0x3FB5]  }
0x2e: {  	s3 =	simm.s32 @!p0 $0x1082;
	s9 =	sld [smem:$0x3FB6]  }
0x2f: {  	lr =	sadd.s32 s0, s3;
	s0 =	sld [smem:$0x3FAD]  }
0x30: {  	s3 =	sld [smem:$0x3FB0]  }
0x31: {  	[smem:$0x3FB9] =	sst s10  }
0x32: {  	s10 =	sld [smem:$0x3FB7];
	_ =	sdelay $0x3  }
0x33: {  	p0 =	seq.s32 s10, $0x1;
	s10 =	sld [smem:$0x3FB9];
	_ =	sdelay $0x3  }
0x34: {  	[smem:$0x3FB9] =	sst s10  }
0x35: {  	s10 =	sld [smem:$0x3FB8];
	_ =	sdelay $0x3  }
0x36: {  	p1 =	seq.s32 s10, $0x1;
	s10 =	sld [smem:$0x3FB9];
	_ =	sdelay $0x3  }
0x37: {  	[smem:$0x3FB9] =	sst s10  }
0x38: {  	s10 =	sld [smem:$0x3FBA]  }
0x39: {  	_ = 	snop;
	(pc) =	sbr.ind lr, $3  }
0x3a: {  	_ = 	snop  }
0x3b: {  	_ = 	snop  }
0x3c: {  	p2 =	seq.s32 s10, $0x1;
	s10 =	sld [smem:$0x3FB9]  }
0x3d: {  	_ =	shalt  }
0x3e: {  	_ =	shalt  }
0x3f: {  	_ =	shalt  }
0x40: {  	_ =	shalt  }
0x41: {  	_ =	shalt  }
0x42: {  	_ =	shalt  }
0x43: {  	_ =	shalt  }
0x44: {  	_ =	shalt  }
0x45: {  	_ =	shalt  }
0x46: {  	_ =	shalt  }
0x47: {  	_ =	shalt  }
0x48: {  	_ =	shalt  }
0x49: {  	_ =	shalt  }
0x4a: {  	_ =	shalt  }
0x4b: {  	_ =	shalt  }
0x4c: {  	_ =	shalt  }
0x4d: {  	_ =	shalt  }
0x4e: {  	_ =	shalt  }
0x4f: {  	_ =	shalt  }
0x50: {  	_ =	shalt  }
0x51: {  	_ =	shalt  }
0x52: {  	_ =	shalt  }
0x53: {  	_ =	shalt  }
0x54: {  	_ =	shalt  }
0x55: {  	_ =	shalt  }
0x56: {  	_ =	shalt  }
0x57: {  	_ =	shalt  }
0x58: {  	_ =	shalt  }
0x59: {  	_ =	shalt  }
0x5a: {  	_ =	shalt  }
0x5b: {  	_ =	shalt  }
0x5c: {  	_ =	shalt  }
0x5d: {  	_ =	shalt  }
0x5e: {  	_ =	shalt  }
0x5f: {  	_ =	shalt  }
0x60: {  	_ =	shalt  }
0x61: {  	_ =	shalt  }
0x62: {  	_ =	shalt  }
0x63: {  	_ =	shalt  }
0x64: {  	_ =	shalt  }
0x65: {  	_ =	shalt  }
0x66: {  	_ =	shalt  }
0x67: {  	_ =	shalt  }
0x68: {  	_ =	shalt  }
0x69: {  	_ =	shalt  }
0x6a: {  	_ =	shalt  }
0x6b: {  	_ =	shalt  }
0x6c: {  	_ =	shalt  }
0x6d: {  	_ =	shalt  }
0x6e: {  	_ =	shalt  }
0x6f: {  	_ =	shalt  }
0x70: {  	_ =	shalt  }
0x71: {  	_ =	shalt  }
0x72: {  	_ =	shalt  }
0x73: {  	_ =	shalt  }
0x74: {  	_ =	shalt  }
0x75: {  	_ =	shalt  }
0x76: {  	_ =	shalt  }
0x77: {  	_ =	shalt  }
0x78: {  	_ =	shalt  }
0x79: {  	_ =	shalt  }
0x7a: {  	_ =	shalt  }
0x7b: {  	_ =	shalt  }
0x7c: {  	_ =	shalt  }
0x7d: {  	_ =	shalt  }
0x7e: {  	_ =	shalt  }
0x7f: {  	_ =	shalt  }
0x80: {  	_ =	shalt  }
0x81: {  	_ =	shalt  }
0x82: {  	_ =	shalt  }
0x83: {  	_ =	shalt  }
0x84: {  	_ =	shalt  }
0x85: {  	_ =	shalt  }
0x86: {  	_ =	shalt  }
0x87: {  	_ =	shalt  }
.Lfunc_end0:
.L_simem_size_0:
called_computation_lowered:
.L_overlay_start_0:
0x88: {  	s2 =	sld [smem:$0x3FD9]  }
0x89: {  	s3 =	sld [smem:$0x3FFE];
	_ =	sdelay $0x1  }
0x8a: {  	s1 =	srdreg.scid  }
0x8b: {  	s0 =	sand.u32 $0x1, s1  }
0x8c: {  	s17 =	sshll.u32 s0, $0xA;
	s2 =	sadd.s32 s3, s2  }
0x8d: {  	s2 =	sadd.s32 s2, s17  }
0x8e: {  	[smem:$0x3FC5] =	sst s2  }
0x8f: {  	_ = 	snop  }
0x90: {  	s2 =	sld [smem:$0x3FD0];
	(tm) =	ssettm $0x1  }
0x91: {  	s18 =	sld [smem:$0x3FFB];
	_ =	sdelay $0x3  }
0x92: {  	_ =	strace s18  }
0x93: {  	s3 =	sld [smem:$0x3FFC];
	_ =	sdelay $0x3  }
0x94: {  	_ =	strace s3  }
0x95: {  	s3 =	sld [smem:$0x3FFD];
	_ =	sdelay $0x3  }
0x96: {  	_ =	strace s3  }
0x97: {  	_ =	strace $0x8FFFFFFF  }
0x98: {  	s19 =	sld [smem:$0x3FDB];
	_ =	sdelay $0x1  }
0x99: {  	s4 =	simm.s32 $_scs_section_size  }
0x9a: {  	s5 =	simm.s32 $_size__tile_overlayer_lowered;
	s6 =	simm.s32 $_tile_overlayer_lowered  }
0x9b: {  	s22 =	simm.s32 $0x1BFF;
	s21 =	sshll.u32 s6, $0x1;
	s3 =	sadd.s32 s4, s19  }
0x9c: {  	s7 =	simm.s32 $0x0;
	s20 =	sshll.u32 s5, $0x1;
	s5 =	sadd.s32 s21, s3  }
0x9d: {  	[timem:s7], [sflag:s22] =	dma.local [hbm:s5], s20  }
0x9e: {  	_ =	swait.ge [sflag:s22], s20  }
0x9f: {  	s4 =	ssub.s32 $0x0, s20;
	[sflag:s22] =	ssyncset.done $0x0  }
0xa0: {  	[sflag:s22] =	ssyncadd.s32 s4;
	_ =	sdelay $0x1  }
0xa1: {  	s23 =	simm.s32 $0x1B8B  }
0xa2: {  	_ =	swait.ge [sflag:s23], $0x1  }
0xa3: {  	[sflag:s23] =	ssyncset.done $0x0  }
0xa4: {  	s25 =	simm.s32 $0x1B8E;
	s24 =	sld [smem:$0x3FFE];
	[sflag:s23] =	ssyncadd.s32 $0xFFFFFFFF  }
0xa5: {  	s26 =	simm.s32 $execute0_lowered;
	[smem:$0x3FD2] =	sst s25  }
0xa6: {  	s5 =	sshll.u32 s26, $0x1;
	_ =	strace $0x80000046;
	[dreg:$0x1] =	wrdreg $0xFFFFFFFF  }
0xa7: {  	s28 =	simm.s32 $_size_execute0_lowered;
	s3 =	sadd.s32 s3, s5;
	[dreg:$0x0] =	wrdreg $0x0  }
0xa8: {  	s5 =	sshll.u32 s28, $0x1;
	[dreg:$0x2] =	wrdreg s3  }
0xa9: {  	[dreg:$0x3] =	wrdreg s5  }
0xaa: {  	[dreg:$0x4] =	wrdreg $0xC0  }
0xab: {  	_ =	task [dreg:s7], $0x5FFFF  }
0xac: {  	[dreg:$0x1] =	wrdreg $0xFFFFFFFF  }
0xad: {  	[dreg:$0x0] =	wrdreg $0x60  }
0xae: {  	[dreg:$0x2] =	wrdreg s24  }
0xaf: {  	[dreg:$0x3] =	wrdreg s2  }
0xb0: {  	[dreg:$0x4] =	wrdreg $0x9  }
0xb1: {  	_ =	task.clear_ibuf [dreg:s7], $0x5FFFF;
	_ =	strace $0x90000046  }
0xb2: {  	s29 =	simm.s32 $0x9;
	_ =	strace $0x80000048  }
0xb3: {  	_ =	swait.ge [sflag:s29], $0x1  }
0xb4: {  	[sflag:s29] =	ssyncadd.s32 $0xFFFFFFFF  }
0xb5: {  	_ =	strace $0x90000048  }
0xb6: {  	_ =	sfence  }
0xb7: {  	s30 =	sld [smem:$0x0];
	_ =	sdelay $0x2  }
0xb8: {  	s31 =	sshll.u32 s1, $0xD;
	s1 =	sshrl.u32 s1, $0x2  }
0xb9: {  	s3 =	sand.u32 $0x4000, s31;
	s1 =	sadd.s32 s1, s30  }
0xba: {  	s0 =	sor.u32 s3, s0;
	s1 =	sshll.u32 s1, $0x11  }
0xbb: {  	s0 =	sor.u32 s1, s0  }
0xbc: {  	s0 =	sadd.s32 $0x8F2B, s0  }
0xbd: {  	[sflag:s0] =	ssyncadd.remote.s32 $0x1  }
0xbe: {  	_ =	sfence.sel $0xFFFF  }
0xbf: {  	[dreg:$0x0] =	wrdreg $0xFFFFFFFF;
	(pc) =	sbr.abs _section_cstart, $3  }
0xc0: {  	[dreg:$0x1] =	wrdreg $0xFFFFFFFF  }
0xc1: {  	_ =	task.clear_ibuf [dreg:s7], $0x2FFFF;
	_ =	strace $0x9FFFFFFF  }
0xc2: {  	(tm) =	ssettm $0x7FFFFFFF  }
0xc3: {  	_ =	shalt  }
tec
execute0_lowered:
.L_overlay_start_1:
0x0: {  	(tag) =	ssettag $0x1  }
0x1: {  	s0 =	rddreg [dreg:$0x0]  }
0x2: {  	s2 =	rddreg [dreg:$0x1];
	s1 =	srdreg.scid  }
0x3: {  	s4 =	stileid.u32;
	s3 =	simm.s32 $0x0;
	s28 =	simm.s32 $0x13A00  }
0x4: {  	s22 =	simm.s32 $0x6;
	s29 =	simm.s32 $0x5;
	s30 =	simm.s32 $0x4  }
0x5: {  	s1 =	sand.u32 $0x1, s1;
	s4 =	sshll.u32 s4, $0x1;
	[smem:$0x7FF] =	sst s3  }
0x6: {  	s8 =	sadd.s32 $0x1000, s2;
	s9 =	sadd.s32 $0x2000, s2;
	s10 =	sadd.s32 $0x3000, s2  }
0x7: {  	s11 =	sadd.s32 $0x4000, s2;
	s12 =	sadd.s32 $0x5000, s2;
	s13 =	sadd.s32 $0x6000, s2  }
0x8: {  	v0 =	vlaneseq.u32;
	s14 =	sadd.s32 $0x7000, s2;
	s5 =	sor.u32 s1, s4;
	s1 =	ssub.s32 $0x2, s1  }
0x9: {  	v0 =	vmul.u32 $0x48, v0;
	_ =	strace $0x80000047;
	s4 =	sshll.u32 s5, $0x4;
	s7 =	sshrl.u32 s1, $0x1  }
0xa: {  	s6 =	sadd.s32 s4, s0;
	s4 =	sadd.s32 $0x19C00, s0;
	s0 =	sadd.s32 $0x400, s0  }
0xb: {  	v1 =	vadd.s32 $0x480, v0;
	s26 =	ssub.s32 s1, s7;
	[dreg:$0x3] =	wrdreg s0;
	s31 =	sadd.s32 $0xC00, s6  }
0xc: {  	v2 =	vadd.s32 $0x900, v0;
	v3 =	vadd.s32 $0xD80, v0;
	v4 =	vadd.s32 $0x1200, v0;
	s7 =	sshll.u32 s5, $0xA;
	s0 =	smax.u32 s26, $0x1;
	[dreg:$0x4] =	wrdreg s31  }
0xd: {  	v5 =	vadd.s32 $0x1680, v0;
	v6 =	vadd.s32 $0x1B00, v0;
	v7 =	vadd.s32 $0x1F80, v0;
	s1 =	simm.s32 $0x0;
	s26 =	simm.s32 $0x11600;
	[dreg:$0x5] =	wrdreg s0  }
.LBB2_1:
0xe: {  	[dreg:$0x6] =	wrdreg s1  }
0xf: {  	s0 =	rddreg [dreg:$0x4]  }
0x10: {  	s18 =	simm.s32 $0x80;
	s5 =	simm.s32 $0x1000;
	s19 =	simm.s32 $0x7  }
0x11: {  	[tilespmem:s3], [sflag:$0x7] =	stream.strided.gather [hbm4b:s0+s18], $0x6400, s5, s18, $0x38;
	[tilespmem:$0x17A00] =	vst v63  }
0x12: {  	_ =	swait.ge [sflag:s19], $0x6400  }
0x13: {  	[sflag:s19] =	ssyncset.done $0x0  }
0x14: {  	s6 =	simm.s32 $0x6400;
	s20 =	rddreg [dreg:$0x3];
	[sflag:s19] =	ssyncadd.s32 $0xFFFF9C00  }
0x15: {  	[tilespmem:s6], [sflag:$0x7] =	stream.linear.gather [hbm4b:s20+s3], $0x3200, $0x38;
	[tilespmem:$0x17A00] =	vst v63  }
0x16: {  	_ =	swait.ge [sflag:s19], $0x3200  }
0x17: {  	[sflag:s19] =	ssyncset.done $0x0  }
0x18: {  	s21 =	simm.s32 $0x9600;
	[sflag:s19] =	ssyncadd.s32 $0xFFFFCE00  }
0x19: {  	[tilespmem:s21], [sflag:$0x1] =	stream.indirect.gather [hbm4b:s4+s18], $0x40, s3, s18, $0xb8;
	[tilespmem:$0x17A00] =	vst v63  }
0x1a: {  	s23 =	simm.s32 $0xB600  }
0x1b: {  	[tilespmem:s23], [sflag:$0x2] =	stream.indirect.gather [hbm4b:s4+s18], $0x40, s18, s18, $0xb8;
	[tilespmem:$0x17A00] =	vst v63  }
0x1c: {  	s24 =	simm.s32 $0x100;
	s25 =	simm.s32 $0xD600;
	s31 =	simm.s32 $0x0  }
0x1d: {  	[tilespmem:s25], [sflag:$0x3] =	stream.indirect.gather [hbm4b:s4+s18], $0x40, s24, s18, $0xb8;
	[tilespmem:$0x17A00] =	vst v63  }
.LBB2_2:
0x1e: {  	s0 =	sshllo.u32 s31, $0x2  }
0x1f: {  	s5 =	simm.s32 $0x80;
	s1 =	sshll.u32 s0, $0x7  }
0x20: {  	s6 =	simm.s32 $0xF600;
	s23 =	simm.s32 $0x1;
	s1 =	sand.u32 $0x3FFFFF80, s1  }
0x21: {  	[tilespmem:s6], [sflag:$0x4] =	stream.indirect.gather [hbm4b:s4+s5], $0x40, s1, s5, $0xb8;
	[tilespmem:$0x17A00] =	vst v63  }
0x22: {  	_ =	swait.ge [sflag:s23], $0x2000  }
0x23: {  	p0 =	seq.s32 s31, $0x0;
	[sflag:s23] =	ssyncset.done $0x0  }
0x24: {  	s1 =	simm.s32 @!p0 $0x5;
	[sflag:s23] =	ssyncadd.s32 $0xFFFFE000  }
0x25: {  	_ =	swait.ge @!p0 [sflag:s1], $0x400  }
0x26: {  	[sflag:s1] =	ssyncset.done @!p0 $0x0  }
0x27: {  	[sflag:s1] =	ssyncadd.s32 @!p0 $0xFFFFFC00  }
0x28: {  	_ =	swait.ge @!p0 [sflag:s1], $0x400  }
0x29: {  	[sflag:s1] =	ssyncset.done @!p0 $0x0  }
0x2a: {  	[sflag:s1] =	ssyncadd.s32 @!p0 $0xFFFFFC00  }
0x2b: {  	_ =	swait.ge @!p0 [sflag:s1], $0x400  }
0x2c: {  	[sflag:s1] =	ssyncset.done @!p0 $0x0  }
0x2d: {  	[sflag:s1] =	ssyncadd.s32 @!p0 $0xFFFFFC00  }
0x2e: {  	_ =	swait.ge @!p0 [sflag:s1], $0x400  }
0x2f: {  	[sflag:s1] =	ssyncset.done @!p0 $0x0  }
0x30: {  	[sflag:s1] =	ssyncadd.s32 @!p0 $0xFFFFFC00  }
0x31: {  	_ =	swait.ge @!p0 [sflag:s1], $0x400  }
0x32: {  	[sflag:s1] =	ssyncset.done @!p0 $0x0  }
0x33: {  	[sflag:s1] =	ssyncadd.s32 @!p0 $0xFFFFFC00  }
0x34: {  	_ =	swait.ge @!p0 [sflag:s1], $0x400  }
0x35: {  	[sflag:s1] =	ssyncset.done @!p0 $0x0  }
0x36: {  	[sflag:s1] =	ssyncadd.s32 @!p0 $0xFFFFFC00  }
0x37: {  	_ =	swait.ge @!p0 [sflag:s1], $0x400  }
0x38: {  	[sflag:s1] =	ssyncset.done @!p0 $0x0  }
0x39: {  	[sflag:s1] =	ssyncadd.s32 @!p0 $0xFFFFFC00  }
0x3a: {  	_ =	swait.ge @!p0 [sflag:s1], $0x400  }
0x3b: {  	s24 =	sshll.u32 s31, $0x8;
	[sflag:s1] =	ssyncset.done @!p0 $0x0  }
0x3c: {  	s25 =	sand.u32 $0x3FFFFF00, s24;
	[sflag:s1] =	ssyncadd.s32 @!p0 $0xFFFFFC00  }
0x3d: {  	s17 =	simm.s32 $0x9640;
	v11 =	vld [tilespmem:s25+$0x6400]  }
0x3e: {  	v8 =	vld [tilespmem:s17+$0x0];
	_ =	sdelay $0x2  }
0x3f: {  	v10 =	vld [tilespmem:s25+$0x6410]  }
0x40: {  	v12 =	vld [tilespmem:s17+$0xFFFFFFC0]  }
0x41: {  	v9 =	vld [tilespmem:s25+$0x6420];
	v13 =	vadd.f32 v8, v11  }
0x42: {  	s15 =	simm.s32 $0x96C0;
	s5 =	simm.s32 $0x11648;
	v8 =	vld [tilespmem:s25+$0x6430]  }
0x43: {  	[tilespmem:s5+$0x0] =	vst v13;
	v13 =	vld [tilespmem:s15+$0x0]  }
0x44: {  	v14 =	vld [tilespmem:s17+$0x10]  }
0x45: {  	v12 =	vadd.f32 v12, v11;
	_ =	sdelay $0x1  }
0x46: {  	[tilespmem:s5+$0xFFFFFFB8] =	vst v12;
	v12 =	vld [tilespmem:s15+$0xFFFFFFC0]  }
0x47: {  	v15 =	vld [tilespmem:s17+$0xFFFFFFD0];
	v13 =	vadd.f32 v13, v11  }
0x48: {  	s19 =	simm.s32 $0x9740;
	s6 =	simm.s32 $0x116D8;
	v14 =	vadd.f32 v14, v10  }
0x49: {  	[tilespmem:s6+$0x0] =	vst v13;
	v13 =	vld [tilespmem:s19+$0x0]  }
0x4a: {  	[tilespmem:s5+$0x10] =	vst v14;
	v14 =	vld [tilespmem:s15+$0x10]  }
0x4b: {  	v12 =	vadd.f32 v12, v11;
	v16 =	vld [tilespmem:s17+$0x20]  }
0x4c: {  	v15 =	vadd.f32 v15, v10  }
0x4d: {  	[tilespmem:s6+$0xFFFFFFB8] =	vst v12;
	v12 =	vld [tilespmem:s19+$0xFFFFFFC0]  }
0x4e: {  	[tilespmem:s5+$0xFFFFFFC8] =	vst v15;
	v15 =	vld [tilespmem:s15+$0xFFFFFFD0];
	v13 =	vadd.f32 v13, v11  }
0x4f: {  	s18 =	simm.s32 $0x11768;
	s20 =	simm.s32 $0x97C0;
	v17 =	vld [tilespmem:s17+$0xFFFFFFE0];
	v14 =	vadd.f32 v14, v10  }
0x50: {  	[tilespmem:s18+$0x0] =	vst v13;
	v13 =	vadd.f32 v16, v9;
	v16 =	vld [tilespmem:s20+$0x0]  }
0x51: {  	[tilespmem:s6+$0x10] =	vst v14;
	v18 =	vld [tilespmem:s19+$0x10]  }
0x52: {  	v14 =	vadd.f32 v12, v11;
	[tilespmem:s5+$0x20] =	vst v13;
	v13 =	vld [tilespmem:s15+$0x20]  }
0x53: {  	v19 =	vadd.f32 v15, v10;
	v12 =	vld [tilespmem:s17+$0x30]  }
0x54: {  	v15 =	vld [tilespmem:s20+$0xFFFFFFC0];
	[tilespmem:s18+$0xFFFFFFB8] =	vst v14;
	v14 =	vadd.f32 v17, v9  }
0x55: {  	[tilespmem:s6+$0xFFFFFFC8] =	vst v19;
	v17 =	vadd.f32 v16, v11;
	v16 =	vld [tilespmem:s19+$0xFFFFFFD0]  }
0x56: {  	s16 =	simm.s32 $0x117F8;
	s24 =	simm.s32 $0x6;
	[tilespmem:s5+$0xFFFFFFD8] =	vst v14;
	v14 =	vld [tilespmem:s15+$0xFFFFFFE0];
	v18 =	vadd.f32 v18, v10  }
0x57: {  	s23 =	simm.s32 $0x117F8;
	s1 =	sshll.u32 s31, $0x2;
	s25 =	simm.s32 $0x9840;
	[tilespmem:s16+$0x0] =	vst v17;
	v17 =	vadd.f32 v13, v9;
	v13 =	vld [tilespmem:s17+$0xFFFFFFF0]  }
.LBB2_3:
0x58: {  	v19 =	vld [tilespmem:s25+$0x0];
	[tilespmem:s18+$0x10] =	vst v18;
	v12 =	vadd.f32 v12, v8;
	s21 =	smov.u32 s15;
	s15 =	smov.u32 s19;
	s19 =	smov.u32 s20  }
0x59: {  	s20 =	smov.u32 s25;
	s24 =	sadd.s32 $0x2, s24;
	v15 =	vadd.f32 v15, v11;
	v18 =	vld [tilespmem:s19+$0x10];
	[tilespmem:s6+$0x20] =	vst v17  }
0x5a: {  	s17 =	simm.s32 $0x13A40;
	p1 =	slt.u32 s24, $0x7E;
	v16 =	vadd.f32 v16, v10;
	v17 =	vld [tilespmem:s15+$0x20];
	[tilespmem:s5+$0x30] =	vst v12  }
.Ltmp0:
0x5b: {  	[tilespmem:s16+$0xFFFFFFB8] =	vst v15;
	v14 =	vadd.f32 v14, v9;
	v12 =	vld [tilespmem:s21+$0x30];
	(pc) =	sbr.rel @p1 .LBB2_3-.Ltmp0, $4  }
0x5c: {  	v15 =	vld [tilespmem:s25+$0xFFFFFFC0];
	[tilespmem:s18+$0xFFFFFFC8] =	vst v16;
	v13 =	vadd.f32 v13, v8  }
0x5d: {  	v19 =	vadd.f32 v19, v11;
	v16 =	vld [tilespmem:s19+$0xFFFFFFD0];
	[tilespmem:s6+$0xFFFFFFD8] =	vst v14  }
0x5e: {  	s16 =	sadd.s32 $0x90, s16;
	v18 =	vadd.f32 v18, v10;
	v14 =	vld [tilespmem:s15+$0xFFFFFFE0];
	[tilespmem:s5+$0xFFFFFFE8] =	vst v13;
	s5 =	smov.u32 s6;
	s6 =	smov.u32 s18  }
0x5f: {  	s25 =	sadd.s32 $0x80, s25;
	s18 =	smov.u32 s23;
	s23 =	smov.u32 s16;
	[tilespmem:s16+$0x0] =	vst v19;
	v17 =	vadd.f32 v17, v9;
	v13 =	vld [tilespmem:s21+$0xFFFFFFF0]  }
0x60: {  	_ = 	snop  }
0x61: {  	v11 =	vadd.f32 v15, v11;
	_ =	sdelay $0x1  }
0x62: {  	v15 =	vld [tilespmem:s20+$0x10];
	[tilespmem:s16+$0xFFFFFFB8] =	vst v11  }
0x63: {  	v11 =	vld [tilespmem:s20+$0xFFFFFFD0];
	_ =	sdelay $0x2  }
0x64: {  	v16 =	vadd.f32 v16, v10  }
0x65: {  	[tilespmem:s18+$0x10] =	vst v18;
	v15 =	vadd.f32 v15, v10  }
0x66: {  	v18 =	vld [tilespmem:s19+$0x20];
	[tilespmem:s18+$0xFFFFFFC8] =	vst v16;
	v10 =	vadd.f32 v11, v10  }
0x67: {  	[tilespmem:s23+$0x10] =	vst v15;
	v11 =	vld [tilespmem:s19+$0xFFFFFFE0]  }
0x68: {  	v15 =	vld [tilespmem:s20+$0x20];
	[tilespmem:s23+$0xFFFFFFC8] =	vst v10  }
0x69: {  	v10 =	vld [tilespmem:s20+$0xFFFFFFE0]  }
0x6a: {  	v14 =	vadd.f32 v14, v9  }
0x6b: {  	[tilespmem:s6+$0x20] =	vst v17;
	v16 =	vadd.f32 v18, v9  }
0x6c: {  	v17 =	vld [tilespmem:s15+$0x30];
	[tilespmem:s6+$0xFFFFFFD8] =	vst v14;
	v11 =	vadd.f32 v11, v9  }
0x6d: {  	v14 =	vld [tilespmem:s15+$0xFFFFFFF0];
	[tilespmem:s18+$0x20] =	vst v16;
	v15 =	vadd.f32 v15, v9  }
0x6e: {  	v16 =	vld [tilespmem:s19+$0x30];
	[tilespmem:s18+$0xFFFFFFD8] =	vst v11;
	v9 =	vadd.f32 v10, v9  }
0x6f: {  	[tilespmem:s23+$0x20] =	vst v15;
	v10 =	vadd.f32 v12, v8;
	v11 =	vld [tilespmem:s19+$0xFFFFFFF0]  }
0x70: {  	v12 =	vadd.f32 v13, v8;
	v13 =	vld [tilespmem:s20+$0x30];
	[tilespmem:s23+$0xFFFFFFD8] =	vst v9  }
0x71: {  	[tilespmem:s5+$0x30] =	vst v10;
	v9 =	vadd.f32 v17, v8;
	v10 =	vld [tilespmem:s20+$0xFFFFFFF0];
	s20 =	simm.s32 $0x0  }
0x72: {  	[tilespmem:s5+$0xFFFFFFE8] =	vst v12;
	v12 =	vadd.f32 v14, v8;
	v14 =	vmov s20  }
0x73: {  	[tilespmem:s6+$0x30] =	vst v9;
	v9 =	vadd.f32 v16, v8;
	v14 =	vand.u32 $0x3E, v14  }
0x74: {  	s21 =	simm.s32 $0x1;
	[tilespmem:s6+$0xFFFFFFE8] =	vst v12;
	v11 =	vadd.f32 v11, v8;
	v12 =	vadd.s32 v0, v14  }
0x75: {  	[tilespmem:s18+$0x30] =	vst v9;
	v9 =	vadd.f32 v13, v8;
	v13 =	vmov s21  }
0x76: {  	[tilespmem:s18+$0xFFFFFFE8] =	vst v11;
	v11 =	vand.u32 $0x3F, v13;
	v8 =	vadd.f32 v10, v8  }
0x77: {  	[tilespmem:s23+$0x30] =	vst v9;
	v9 =	vadd.s32 v0, v11  }
0x78: {  	[tilespmem:s23+$0xFFFFFFE8] =	vst v8  }
0x79: {  	v10 =	vld.idx.msk [tilespmem:v12+s26+$0x0], $0xffff  }
0x7a: {  	v12 =	vadd.s32 v1, v14  }
0x7b: {  	s23 =	simm.s32 $0x2  }
0x7c: {  	v8 =	vmov s23;
	v9 =	vld.idx.msk [tilespmem:v9+s26+$0x0], $0xffff  }
0x7d: {  	v13 =	vadd.s32 v1, v11;
	v8 =	vand.u32 $0x3E, v8  }
0x7e: {  	s24 =	simm.s32 $0x80;
	s25 =	simm.s32 $0x0;
	[tilespmem:s17+$0xFFFFFFC0] =	vst v10;
	v10 =	vadd.s32 v0, v8  }
0x7f: {  	s5 =	sand.u32 $0x380, s24;
	s6 =	sand.u32 $0x1C00, s25;
	v12 =	vld.idx.msk [tilespmem:v12+s26+$0x0], $0xffff  }
0x80: {  	s5 =	sor.u32 s5, s6;
	v15 =	vadd.s32 v2, v14  }
0x81: {  	[tilespmem:s5+$0x13A00] =	vst v9  }
0x82: {  	s15 =	simm.s32 $0x3;
	v13 =	vld.idx.msk [tilespmem:v13+s26+$0x0], $0xffff  }
0x83: {  	v17 =	vadd.s32 v2, v11;
	v9 =	vmov s15;
	v16 =	vld.idx.msk [tilespmem:v10+s26+$0x0], $0xffff  }
0x84: {  	v9 =	vand.u32 $0x3F, v9;
	[tilespmem:s17+$0xFFFFFFD0] =	vst v12;
	v12 =	vadd.s32 v1, v8  }
0x85: {  	s16 =	simm.s32 $0x4;
	v18 =	vadd.s32 v0, v9;
	v15 =	vld.idx.msk [tilespmem:v15+s26+$0x0], $0xffff  }
0x86: {  	v19 =	vadd.s32 v3, v14;
	s15 =	sadd.s32 $0x13A00, s5;
	v10 =	vmov s16  }
0x87: {  	s19 =	simm.s32 $0x13B40;
	v10 =	vand.u32 $0x3E, v10;
	[tilespmem:s15+$0x10] =	vst v13  }
0x88: {  	v13 =	vadd.s32 v0, v10;
	[tilespmem:s19+$0xFFFFFFC0] =	vst v16;
	v16 =	vld.idx.msk [tilespmem:v17+s26+$0x0], $0xffff  }
0x89: {  	v17 =	vadd.s32 v3, v11;
	v12 =	vld.idx.msk [tilespmem:v12+s26+$0x0], $0xffff  }
0x8a: {  	v18 =	vld.idx.msk [tilespmem:v18+s26+$0x0], $0xffff;
	[tilespmem:s17+$0xFFFFFFE0] =	vst v15;
	v15 =	vadd.s32 v2, v8  }
0x8b: {  	v20 =	vadd.s32 v1, v9;
	v19 =	vld.idx.msk [tilespmem:v19+s26+$0x0], $0xffff  }
0x8c: {  	s20 =	simm.s32 $0x100;
	v21 =	vadd.s32 v4, v14;
	s18 =	simm.s32 $0x180  }
0x8d: {  	s6 =	sand.u32 $0x1C00, s20;
	s5 =	sand.u32 $0x380, s18;
	v13 =	vld.idx.msk [tilespmem:v13+s26+$0x0], $0xffff;
	[tilespmem:s15+$0x20] =	vst v16  }
0x8e: {  	s6 =	sor.u32 s5, s6;
	[tilespmem:s19+$0xFFFFFFD0] =	vst v12;
	v12 =	vadd.s32 v1, v10;
	v16 =	vld.idx.msk [tilespmem:v17+s26+$0x0], $0xffff  }
0x8f: {  	[tilespmem:s6+$0x13A00] =	vst v18;
	v15 =	vld.idx.msk [tilespmem:v15+s26+$0x0], $0xffff  }
0x90: {  	s21 =	simm.s32 $0x5;
	v17 =	vadd.s32 v4, v11;
	[tilespmem:s17+$0xFFFFFFF0] =	vst v19;
	v19 =	vld.idx.msk [tilespmem:v20+s26+$0x0], $0xffff  }
0x91: {  	s5 =	simm.s32 $0x13C40;
	v18 =	vadd.s32 v3, v8;
	v20 =	vld.idx.msk [tilespmem:v21+s26+$0x0], $0xffff;
	v21 =	vmov s21  }
0x92: {  	s23 =	simm.s32 $0x6;
	v22 =	vadd.s32 v2, v9;
	[tilespmem:s5+$0xFFFFFFC0] =	vst v13;
	v13 =	vand.u32 $0x3F, v21  }
0x93: {  	v21 =	vmov s23;
	v24 =	vld.idx.msk [tilespmem:v12+s26+$0x0], $0xffff;
	v25 =	vadd.s32 v0, v13  }
0x94: {  	v23 =	vadd.s32 v5, v14;
	[tilespmem:s15+$0x30] =	vst v16;
	v12 =	vand.u32 $0x3E, v21  }
0x95: {  	s6 =	sadd.s32 $0x13A00, s6;
	[tilespmem:s19+$0xFFFFFFE0] =	vst v15;
	v15 =	vld.idx.msk [tilespmem:v17+s26+$0x0], $0xffff;
	v16 =	vadd.s32 v0, v12  }
0x96: {  	v17 =	vld.idx.msk [tilespmem:v18+s26+$0x0], $0xffff;
	[tilespmem:s6+$0x10] =	vst v19;
	v18 =	vadd.s32 v5, v11  }
0x97: {  	[tilespmem:s17+$0x0] =	vst v20;
	v19 =	vld.idx.msk [tilespmem:v22+s26+$0x0], $0xffff;
	v20 =	vadd.s32 v2, v10  }
0x98: {  	[tilespmem:s5+$0xFFFFFFD0] =	vst v24;
	v24 =	vld.idx.msk [tilespmem:v25+s26+$0x0], $0xffff;
	v25 =	vadd.s32 v4, v8  }
0x99: {  	v22 =	vld.idx.msk [tilespmem:v23+s26+$0x0], $0xffff;
	v23 =	vadd.s32 v3, v9  }
0x9a: {  	v26 =	vld.idx.msk [tilespmem:v16+s26+$0x0], $0xffff;
	[tilespmem:s15+$0x40] =	vst v15  }
0x9b: {  	v28 =	vadd.s32 v6, v14;
	v21 =	vld.idx.msk [tilespmem:v18+s26+$0x0], $0xffff  }
0x9c: {  	v27 =	vadd.s32 v1, v13;
	[tilespmem:s19+$0xFFFFFFF0] =	vst v17;
	v18 =	vld.idx.msk [tilespmem:v20+s26+$0x0], $0xffff  }
0x9d: {  	s24 =	simm.s32 $0x200;
	s18 =	simm.s32 $0x280;
	[tilespmem:s6+$0x20] =	vst v19;
	v15 =	vld.idx.msk [tilespmem:v25+s26+$0x0], $0xffff;
	v25 =	vadd.s32 v1, v12  }
0x9e: {  	s25 =	sand.u32 $0x380, s18;
	s16 =	sand.u32 $0x1C00, s24;
	v16 =	vld.idx.msk [tilespmem:v23+s26+$0x0], $0xffff;
	v23 =	vadd.s32 v6, v11  }
0x9f: {  	s24 =	sor.u32 s25, s16;
	v20 =	vadd.s32 v3, v10;
	[tilespmem:s17+$0x10] =	vst v22  }
0xa0: {  	s23 =	simm.s32 $0x13D40;
	v19 =	vadd.s32 v4, v9;
	[tilespmem:s24+$0x13A00] =	vst v24;
	v24 =	vld.idx.msk [tilespmem:v28+s26+$0x0], $0xffff  }
0xa1: {  	s20 =	simm.s32 $0x8;
	s16 =	simm.s32 $0x7;
	v17 =	vadd.s32 v5, v8;
	v22 =	vld.idx.msk [tilespmem:v27+s26+$0x0], $0xffff;
	[tilespmem:s23+$0xFFFFFFC0] =	vst v26  }
.LBB2_5:
0xa2: {  	p1 =	slt.u32 s20, $0x3E;
	v25 =	vld.idx.msk [tilespmem:v25+s26+$0x0], $0xffff;
	v26 =	vmov s16;
	v27 =	vadd.s32 v2, v13;
	[tilespmem:s15+$0x50] =	vst v21  }
0xa3: {  	v21 =	vand.u32 $0x3F, v26;
	[tilespmem:s5+$0xFFFFFFE0] =	vst v18;
	v18 =	vadd.s32 v7, v14;
	v23 =	vld.idx.msk [tilespmem:v23+s26+$0x0], $0xffff;
	v14 =	vmovc v8;
	v8 =	vmov v10  }
0xa4: {  	v26 =	vmov s20;
	v10 =	vmov v12;
	v28 =	vadd.s32 v0, v21;
	v20 =	vld.idx.msk [tilespmem:v20+s26+$0x0], $0xffff;
	[tilespmem:s6+$0x30] =	vst v16  }
0xa5: {  	s16 =	sadd.s32 $0x13A00, s24;
	v12 =	vand.u32 $0x3E, v26;
	v16 =	vadd.s32 v7, v11;
	v11 =	vmovc v9;
	v9 =	vmov v13;
	[tilespmem:s19+$0x0] =	vst v15;
	v15 =	vld.idx.msk [tilespmem:v19+s26+$0x0], $0xffff  }
0xa6: {  	v13 =	vmov v21;
	v19 =	vadd.s32 v0, v12;
	[tilespmem:s16+$0x10] =	vst v22;
	v17 =	vld.idx.msk [tilespmem:v17+s26+$0x0], $0xffff  }
0xa7: {  	v21 =	vadd.s32 v5, v11;
	v22 =	vld.idx.msk [tilespmem:v27+s26+$0x0], $0xffff;
	[tilespmem:s17+$0x20] =	vst v24  }
0xa8: {  	v24 =	vadd.s32 v2, v10;
	[tilespmem:s23+$0xFFFFFFD0] =	vst v25;
	v26 =	vld.idx.msk [tilespmem:v18+s26+$0x0], $0xffff  }
0xa9: {  	v27 =	vld.idx.msk [tilespmem:v28+s26+$0x0], $0xffff;
	v28 =	vadd.s32 v3, v9;
	[tilespmem:s15+$0x60] =	vst v23  }
0xaa: {  	v29 =	vadd.s32 v4, v8;
	[tilespmem:s5+$0xFFFFFFF0] =	vst v20;
	v30 =	vld.idx.msk [tilespmem:v16+s26+$0x0], $0xffff  }
0xab: {  	s18 =	sadd.s32 $0x100, s18;
	v31 =	vld.idx.msk [tilespmem:v19+s26+$0x0], $0xffff;
	v19 =	vadd.s32 v1, v13;
	[tilespmem:s6+$0x40] =	vst v15  }
0xac: {  	s21 =	sadd.s32 $0xFFFFFF80, s18;
	v32 =	vadd.s32 v6, v14;
	[tilespmem:s19+$0x10] =	vst v17;
	v21 =	vld.idx.msk [tilespmem:v21+s26+$0x0], $0xffff  }
.Ltmp1:
0xad: {  	s24 =	sand.u32 $0x380, s18;
	s21 =	sand.u32 $0x1C00, s21;
	v25 =	vadd.s32 v1, v12;
	v18 =	vld.idx.msk [tilespmem:v24+s26+$0x0], $0xffff;
	[tilespmem:s16+$0x20] =	vst v22;
	(pc) =	sbr.rel @p1 .LBB2_5-.Ltmp1, $4  }
0xae: {  	s24 =	sor.u32 s24, s21;
	v23 =	vadd.s32 v6, v11;
	v16 =	vld.idx.msk [tilespmem:v28+s26+$0x0], $0xffff;
	[tilespmem:s17+$0x30] =	vst v26;
	s17 =	smov.u32 s19;
	s19 =	smov.u32 s5  }
0xaf: {  	v20 =	vadd.s32 v3, v10;
	s5 =	smov.u32 s23;
	[tilespmem:s24+$0x13A00] =	vst v27;
	v15 =	vld.idx.msk [tilespmem:v29+s26+$0x0], $0xffff  }
0xb0: {  	s23 =	sadd.s32 $0x100, s23;
	v22 =	vld.idx.msk [tilespmem:v19+s26+$0x0], $0xffff;
	v19 =	vadd.s32 v4, v9;
	[tilespmem:s15+$0x70] =	vst v30;
	s15 =	smov.u32 s6;
	s6 =	smov.u32 s16  }
0xb1: {  	v17 =	vadd.s32 v5, v8;
	s16 =	sadd.s32 $0x1, s20;
	s20 =	sadd.s32 $0x2, s20;
	[tilespmem:s23+$0xFFFFFFC0] =	vst v31;
	v24 =	vld.idx.msk [tilespmem:v32+s26+$0x0], $0xffff  }
0xb2: {  	v26 =	vmov s16  }
0xb3: {  	v26 =	vand.u32 $0x3F, v26  }
0xb4: {  	v27 =	vadd.s32 v0, v26;
	_ =	sdelay $0x4  }
0xb5: {  	v27 =	vld.idx.msk [tilespmem:v27+s26+$0x0], $0xffff  }
0xb6: {  	s21 =	sadd.s32 $0x100, s18;
	v28 =	vadd.s32 v1, v26  }
0xb7: {  	s18 =	sadd.s32 $0xFFFFFF80, s21  }
0xb8: {  	s16 =	sand.u32 $0x380, s21;
	s18 =	sand.u32 $0x1C00, s18  }
0xb9: {  	s16 =	sor.u32 s16, s18  }
0xba: {  	v25 =	vld.idx.msk [tilespmem:v25+s26+$0x0], $0xffff;
	v63 =	vadd.s32 v2, v13;
	[tilespmem:s16+$0x13A00] =	vst v27  }
0xbb: {  	v32 =	vadd.s32 v2, v12;
	v28 =	vld.idx.msk [tilespmem:v28+s26+$0x0], $0xffff  }
0xbc: {  	[tilespmem:s15+$0x50] =	vst v21;
	v33 =	vadd.s32 v2, v26  }
0xbd: {  	v14 =	vadd.s32 v7, v14;
	s25 =	sadd.s32 $0x13A00, s24;
	[tilespmem:s5+$0xFFFFFFE0] =	vst v18  }
0xbe: {  	v23 =	vld.idx.msk [tilespmem:v23+s26+$0x0], $0xffff;
	[tilespmem:s25+$0x10] =	vst v22  }
0xbf: {  	v11 =	vadd.s32 v7, v11;
	s20 =	sadd.s32 $0x13A00, s16;
	v22 =	vld.idx.msk [tilespmem:v63+s26+$0x0], $0xffff;
	[tilespmem:s23+$0xFFFFFFD0] =	vst v25  }
0xc0: {  	v34 =	vadd.s32 v3, v13;
	v21 =	vld.idx.msk [tilespmem:v32+s26+$0x0], $0xffff;
	[tilespmem:s20+$0x10] =	vst v28  }
0xc1: {  	v35 =	vadd.s32 v3, v12;
	[tilespmem:s17+$0x20] =	vst v24;
	v24 =	vld.idx.msk [tilespmem:v33+s26+$0x0], $0xffff  }
0xc2: {  	[tilespmem:s6+$0x30] =	vst v16;
	v36 =	vadd.s32 v3, v26;
	v14 =	vld.idx.msk [tilespmem:v14+s26+$0x0], $0xffff  }
0xc3: {  	v18 =	vld.idx.msk [tilespmem:v20+s26+$0x0], $0xffff;
	[tilespmem:s15+$0x60] =	vst v23  }
0xc4: {  	v11 =	vld.idx.msk [tilespmem:v11+s26+$0x0], $0xffff;
	[tilespmem:s25+$0x20] =	vst v22  }
0xc5: {  	v37 =	vadd.s32 v4, v10;
	v22 =	vld.idx.msk [tilespmem:v34+s26+$0x0], $0xffff;
	[tilespmem:s23+$0xFFFFFFE0] =	vst v21  }
0xc6: {  	v38 =	vadd.s32 v4, v13;
	v23 =	vld.idx.msk [tilespmem:v35+s26+$0x0], $0xffff;
	[tilespmem:s20+$0x20] =	vst v24  }
0xc7: {  	v39 =	vadd.s32 v4, v12;
	[tilespmem:s17+$0x30] =	vst v14;
	v14 =	vld.idx.msk [tilespmem:v36+s26+$0x0], $0xffff  }
0xc8: {  	v40 =	vadd.s32 v4, v26;
	[tilespmem:s5+$0xFFFFFFF0] =	vst v18  }
0xc9: {  	v19 =	vld.idx.msk [tilespmem:v19+s26+$0x0], $0xffff;
	[tilespmem:s15+$0x70] =	vst v11  }
0xca: {  	v41 =	vadd.s32 v5, v9;
	v20 =	vld.idx.msk [tilespmem:v37+s26+$0x0], $0xffff;
	[tilespmem:s25+$0x30] =	vst v22  }
0xcb: {  	v42 =	vadd.s32 v5, v10;
	v21 =	vld.idx.msk [tilespmem:v38+s26+$0x0], $0xffff;
	[tilespmem:s23+$0xFFFFFFF0] =	vst v23  }
0xcc: {  	v43 =	vadd.s32 v5, v13;
	v11 =	vld.idx.msk [tilespmem:v39+s26+$0x0], $0xffff;
	[tilespmem:s20+$0x30] =	vst v14  }
0xcd: {  	v44 =	vadd.s32 v5, v12;
	[tilespmem:s19+$0x0] =	vst v15;
	v45 =	vld.idx.msk [tilespmem:v40+s26+$0x0], $0xffff  }
0xce: {  	v47 =	vadd.s32 v5, v26;
	v46 =	vld.idx.msk [tilespmem:v17+s26+$0x0], $0xffff;
	[tilespmem:s6+$0x40] =	vst v19  }
0xcf: {  	v48 =	vadd.s32 v6, v8;
	v18 =	vld.idx.msk [tilespmem:v41+s26+$0x0], $0xffff;
	[tilespmem:s5+$0x0] =	vst v20  }
0xd0: {  	v49 =	vadd.s32 v6, v9;
	v22 =	vld.idx.msk [tilespmem:v42+s26+$0x0], $0xffff;
	[tilespmem:s25+$0x40] =	vst v21  }
0xd1: {  	v50 =	vadd.s32 v6, v10;
	v23 =	vld.idx.msk [tilespmem:v43+s26+$0x0], $0xffff;
	[tilespmem:s23+$0x0] =	vst v11  }
0xd2: {  	v51 =	vadd.s32 v6, v13;
	v14 =	vld.idx.msk [tilespmem:v44+s26+$0x0], $0xffff;
	[tilespmem:s20+$0x40] =	vst v45  }
0xd3: {  	v52 =	vadd.s32 v6, v12;
	[tilespmem:s19+$0x10] =	vst v46;
	v53 =	vld.idx.msk [tilespmem:v47+s26+$0x0], $0xffff  }
0xd4: {  	v55 =	vadd.s32 v6, v26;
	v54 =	vld.idx.msk [tilespmem:v48+s26+$0x0], $0xffff;
	[tilespmem:s6+$0x50] =	vst v18  }
0xd5: {  	v8 =	vadd.s32 v7, v8;
	v56 =	vld.idx.msk [tilespmem:v49+s26+$0x0], $0xffff;
	[tilespmem:s5+$0x10] =	vst v22  }
0xd6: {  	v57 =	vadd.s32 v7, v9;
	v58 =	vld.idx.msk [tilespmem:v50+s26+$0x0], $0xffff;
	[tilespmem:s25+$0x50] =	vst v23  }
0xd7: {  	v59 =	vadd.s32 v7, v10;
	v11 =	vld.idx.msk [tilespmem:v51+s26+$0x0], $0xffff;
	[tilespmem:s23+$0x10] =	vst v14  }
0xd8: {  	v60 =	vadd.s32 v7, v13;
	v14 =	vld.idx.msk [tilespmem:v52+s26+$0x0], $0xffff;
	[tilespmem:s20+$0x50] =	vst v53  }
0xd9: {  	v61 =	vadd.s32 v7, v12;
	[tilespmem:s19+$0x20] =	vst v54;
	v62 =	vld.idx.msk [tilespmem:v55+s26+$0x0], $0xffff  }
0xda: {  	v63 =	vadd.s32 v7, v26;
	v8 =	vld.idx.msk [tilespmem:v8+s26+$0x0], $0xffff;
	[tilespmem:s6+$0x60] =	vst v56  }
0xdb: {  	v9 =	vld.idx.msk [tilespmem:v57+s26+$0x0], $0xffff;
	[tilespmem:s5+$0x20] =	vst v58  }
0xdc: {  	v10 =	vld.idx.msk [tilespmem:v59+s26+$0x0], $0xffff;
	[tilespmem:s25+$0x60] =	vst v11  }
0xdd: {  	v11 =	vld.idx.msk [tilespmem:v60+s26+$0x0], $0xffff;
	[tilespmem:s23+$0x20] =	vst v14  }
0xde: {  	v12 =	vld.idx.msk [tilespmem:v61+s26+$0x0], $0xffff;
	[tilespmem:s20+$0x60] =	vst v62  }
0xdf: {  	[tilespmem:s19+$0x30] =	vst v8;
	v8 =	vld.idx.msk [tilespmem:v63+s26+$0x0], $0xffff  }
0xe0: {  	[tilespmem:s6+$0x70] =	vst v9  }
0xe1: {  	s21 =	sshll.u32 s31, $0x14;
	[tilespmem:s5+$0x30] =	vst v10  }
0xe2: {  	s5 =	sor.u32 s7, s21;
	[tilespmem:s25+$0x70] =	vst v11  }
0xe3: {  	s5 =	sshrl.u32 s5, $0x3;
	[tilespmem:s23+$0x30] =	vst v12  }
0xe4: {  	s24 =	sadd.s32 s2, s5;
	[tilespmem:s20+$0x70] =	vst v8  }
0xe5: {  	[hbm4b:s24+s3] =	stream.linear.scatter [tilespmem:s28], [sflag:$0x5], $0x400, $0x38;
	[tilespmem:$0x17A00] =	vst v63  }
0xe6: {  	s25 =	sadd.s32 s5, s8;
	s28 =	simm.s32 $0x13E00  }
0xe7: {  	[hbm4b:s25+s3] =	stream.linear.scatter [tilespmem:s28], [sflag:$0x5], $0x400, $0x38;
	[tilespmem:$0x17A00] =	vst v63  }
0xe8: {  	s16 =	simm.s32 $0x14200;
	s15 =	sadd.s32 s5, s9  }
0xe9: {  	[hbm4b:s15+s3] =	stream.linear.scatter [tilespmem:s16], [sflag:$0x5], $0x400, $0x38;
	[tilespmem:$0x17A00] =	vst v63  }
0xea: {  	s18 =	simm.s32 $0x14600;
	s17 =	sadd.s32 s5, s10  }
0xeb: {  	[hbm4b:s17+s3] =	stream.linear.scatter [tilespmem:s18], [sflag:$0x5], $0x400, $0x38;
	[tilespmem:$0x17A00] =	vst v63  }
0xec: {  	s19 =	sadd.s32 s5, s11;
	s20 =	simm.s32 $0x14A00  }
0xed: {  	[hbm4b:s19+s3] =	stream.linear.scatter [tilespmem:s20], [sflag:$0x5], $0x400, $0x38;
	[tilespmem:$0x17A00] =	vst v63  }
0xee: {  	p1 =	sne.s32 s31, $0x31;
	s21 =	sadd.s32 s5, s12;
	s23 =	simm.s32 $0x14E00  }
0xef: {  	[hbm4b:s21+s3] =	stream.linear.scatter [tilespmem:s23], [sflag:$0x5], $0x400, $0x38;
	[tilespmem:$0x17A00] =	vst v63  }
.Ltmp2:
0xf0: {  	_ = 	snop;
	(pc) =	sbr.rel @p1 .LBB2_8-.Ltmp2, $4  }
0xf1: {  	s24 =	sadd.s32 s5, s13;
	s25 =	simm.s32 $0x15200  }
0xf2: {  	[hbm4b:s24+s3] =	stream.linear.scatter [tilespmem:s25], [sflag:$0x5], $0x400, $0x38;
	[tilespmem:$0x17A00] =	vst v63  }
0xf3: {  	s5 =	sadd.s32 s5, s14;
	s28 =	simm.s32 $0x15600  }
0xf4: {  	[hbm4b:s5+s3] =	stream.linear.scatter [tilespmem:s28], [sflag:$0x5], $0x400, $0x38;
	[tilespmem:$0x17A00] =	vst v63  }
.Ltmp3:
0xf5: {  	(pc) =	sbr.rel .LBB2_9-.Ltmp3, $4  }
0xf6: {  	s5 =	simm.s32 $0x2  }
0xf7: {  	_ =	swait.ge [sflag:s5], $0x2000  }
0xf8: {  	[sflag:s5] =	ssyncset.done $0x0  }
0xf9: {  	[sflag:s5] =	ssyncadd.s32 $0xFFFFE000  }
.LBB2_8:
0xfa: {  	s5 =	sshll.u32 s31, $0x9  }
0xfb: {  	s6 =	simm.s32 $0x80;
	s15 =	simm.s32 $0x9600;
	s5 =	sand.u32 $0x3FFFFE00, s5  }
.Ltmp4:
0xfc: {  	s28 =	simm.s32 $0x2;
	s5 =	sadd.s32 $0x200, s5;
	(pc) =	sbr.rel @p0 .LBB2_10-.Ltmp4, $4  }
0xfd: {  	[tilespmem:s15], [sflag:$0x1] =	stream.indirect.gather [hbm4b:s4+s6], $0x40, s5, s6, $0xb8;
	[tilespmem:$0x17A00] =	vst v63  }
0xfe: {  	_ =	swait.ge [sflag:s28], $0x2000  }
0xff: {  	[sflag:s28] =	ssyncset.done $0x0  }
0x100: {  	[sflag:s28] =	ssyncadd.s32 $0xFFFFE000  }
.LBB2_9:
0x101: {  	_ =	swait.ge [sflag:s22], $0x400  }
0x102: {  	[sflag:s22] =	ssyncset.done $0x0  }
0x103: {  	[sflag:s22] =	ssyncadd.s32 $0xFFFFFC00  }
0x104: {  	_ =	swait.ge [sflag:s22], $0x400  }
0x105: {  	[sflag:s22] =	ssyncset.done $0x0  }
0x106: {  	[sflag:s22] =	ssyncadd.s32 $0xFFFFFC00  }
0x107: {  	_ =	swait.ge [sflag:s22], $0x400  }
0x108: {  	[sflag:s22] =	ssyncset.done $0x0  }
0x109: {  	[sflag:s22] =	ssyncadd.s32 $0xFFFFFC00  }
0x10a: {  	_ =	swait.ge [sflag:s22], $0x400  }
0x10b: {  	[sflag:s22] =	ssyncset.done $0x0  }
0x10c: {  	[sflag:s22] =	ssyncadd.s32 $0xFFFFFC00  }
0x10d: {  	_ =	swait.ge [sflag:s22], $0x400  }
0x10e: {  	[sflag:s22] =	ssyncset.done $0x0  }
0x10f: {  	[sflag:s22] =	ssyncadd.s32 $0xFFFFFC00  }
0x110: {  	_ =	swait.ge [sflag:s22], $0x400  }
0x111: {  	[sflag:s22] =	ssyncset.done $0x0  }
0x112: {  	[sflag:s22] =	ssyncadd.s32 $0xFFFFFC00  }
0x113: {  	_ =	swait.ge [sflag:s22], $0x400  }
0x114: {  	[sflag:s22] =	ssyncset.done $0x0  }
0x115: {  	[sflag:s22] =	ssyncadd.s32 $0xFFFFFC00  }
0x116: {  	_ =	swait.ge [sflag:s22], $0x400  }
0x117: {  	[sflag:s22] =	ssyncset.done $0x0  }
0x118: {  	[sflag:s22] =	ssyncadd.s32 $0xFFFFFC00  }
.LBB2_10:
0x119: {  	s17 =	sor.u32 $0x1, s1  }
0x11a: {  	s19 =	simm.s32 $0xB640;
	s5 =	sshll.u32 s17, $0x6  }
0x11b: {  	v8 =	vld [tilespmem:s19+$0x0];
	s5 =	sand.u32 $0x3FFFFFC0, s5  }
0x11c: {  	v11 =	vld [tilespmem:s5+$0x6400];
	_ =	sdelay $0x2  }
0x11d: {  	v12 =	vld [tilespmem:s19+$0xFFFFFFC0]  }
0x11e: {  	v10 =	vld [tilespmem:s5+$0x6410]  }
0x11f: {  	v9 =	vld [tilespmem:s5+$0x6420];
	v13 =	vadd.f32 v8, v11  }
0x120: {  	s15 =	simm.s32 $0xB6C0;
	v8 =	vld [tilespmem:s5+$0x6430];
	s5 =	simm.s32 $0x11648  }
0x121: {  	[tilespmem:s5+$0x0] =	vst v13;
	v13 =	vld [tilespmem:s15+$0x0]  }
0x122: {  	v14 =	vld [tilespmem:s19+$0x10]  }
0x123: {  	v12 =	vadd.f32 v12, v11;
	_ =	sdelay $0x1  }
0x124: {  	[tilespmem:s5+$0xFFFFFFB8] =	vst v12;
	v12 =	vld [tilespmem:s15+$0xFFFFFFC0]  }
0x125: {  	v15 =	vld [tilespmem:s19+$0xFFFFFFD0];
	v13 =	vadd.f32 v13, v11  }
0x126: {  	s6 =	simm.s32 $0x116D8;
	s20 =	simm.s32 $0xB740;
	v14 =	vadd.f32 v14, v10  }
0x127: {  	[tilespmem:s6+$0x0] =	vst v13;
	v13 =	vld [tilespmem:s20+$0x0]  }
0x128: {  	[tilespmem:s5+$0x10] =	vst v14;
	v14 =	vld [tilespmem:s15+$0x10]  }
0x129: {  	v12 =	vadd.f32 v12, v11;
	v16 =	vld [tilespmem:s19+$0x20]  }
0x12a: {  	v15 =	vadd.f32 v15, v10  }
0x12b: {  	[tilespmem:s6+$0xFFFFFFB8] =	vst v12;
	v12 =	vld [tilespmem:s20+$0xFFFFFFC0]  }
0x12c: {  	[tilespmem:s5+$0xFFFFFFC8] =	vst v15;
	v15 =	vld [tilespmem:s15+$0xFFFFFFD0];
	v13 =	vadd.f32 v13, v11  }
0x12d: {  	s18 =	simm.s32 $0x11768;
	s23 =	simm.s32 $0xB7C0;
	v17 =	vld [tilespmem:s19+$0xFFFFFFE0];
	v14 =	vadd.f32 v14, v10  }
0x12e: {  	[tilespmem:s18+$0x0] =	vst v13;
	v13 =	vadd.f32 v16, v9;
	v16 =	vld [tilespmem:s23+$0x0]  }
0x12f: {  	[tilespmem:s6+$0x10] =	vst v14;
	v18 =	vld [tilespmem:s20+$0x10]  }
0x130: {  	v14 =	vadd.f32 v12, v11;
	[tilespmem:s5+$0x20] =	vst v13;
	v13 =	vld [tilespmem:s15+$0x20]  }
0x131: {  	v19 =	vadd.f32 v15, v10;
	v12 =	vld [tilespmem:s19+$0x30]  }
0x132: {  	v15 =	vld [tilespmem:s23+$0xFFFFFFC0];
	[tilespmem:s18+$0xFFFFFFB8] =	vst v14;
	v14 =	vadd.f32 v17, v9  }
0x133: {  	[tilespmem:s6+$0xFFFFFFC8] =	vst v19;
	v17 =	vadd.f32 v16, v11;
	v16 =	vld [tilespmem:s20+$0xFFFFFFD0]  }
0x134: {  	s16 =	simm.s32 $0x117F8;
	[tilespmem:s5+$0xFFFFFFD8] =	vst v14;
	v14 =	vld [tilespmem:s15+$0xFFFFFFE0];
	v18 =	vadd.f32 v18, v10  }
0x135: {  	s25 =	simm.s32 $0x6;
	s21 =	simm.s32 $0xB840;
	s24 =	simm.s32 $0x117F8;
	[tilespmem:s16+$0x0] =	vst v17;
	v17 =	vadd.f32 v13, v9;
	v13 =	vld [tilespmem:s19+$0xFFFFFFF0]  }
.LBB2_11:
0x136: {  	v19 =	vld [tilespmem:s21+$0x0];
	[tilespmem:s18+$0x10] =	vst v18;
	v12 =	vadd.f32 v12, v8;
	s28 =	smov.u32 s15;
	s15 =	smov.u32 s20;
	s20 =	smov.u32 s23  }
0x137: {  	s23 =	smov.u32 s21;
	s25 =	sadd.s32 $0x2, s25;
	v15 =	vadd.f32 v15, v11;
	v18 =	vld [tilespmem:s20+$0x10];
	[tilespmem:s6+$0x20] =	vst v17  }
0x138: {  	s19 =	simm.s32 $0x15A40;
	p0 =	slt.u32 s25, $0x7E;
	v16 =	vadd.f32 v16, v10;
	v17 =	vld [tilespmem:s15+$0x20];
	[tilespmem:s5+$0x30] =	vst v12  }
.Ltmp5:
0x139: {  	[tilespmem:s16+$0xFFFFFFB8] =	vst v15;
	v14 =	vadd.f32 v14, v9;
	v12 =	vld [tilespmem:s28+$0x30];
	(pc) =	sbr.rel @p0 .LBB2_11-.Ltmp5, $4  }
0x13a: {  	v15 =	vld [tilespmem:s21+$0xFFFFFFC0];
	[tilespmem:s18+$0xFFFFFFC8] =	vst v16;
	v13 =	vadd.f32 v13, v8  }
0x13b: {  	v19 =	vadd.f32 v19, v11;
	v16 =	vld [tilespmem:s20+$0xFFFFFFD0];
	[tilespmem:s6+$0xFFFFFFD8] =	vst v14  }
0x13c: {  	s16 =	sadd.s32 $0x90, s16;
	v18 =	vadd.f32 v18, v10;
	v14 =	vld [tilespmem:s15+$0xFFFFFFE0];
	[tilespmem:s5+$0xFFFFFFE8] =	vst v13;
	s5 =	smov.u32 s6;
	s6 =	smov.u32 s18  }
0x13d: {  	s21 =	sadd.s32 $0x80, s21;
	s18 =	smov.u32 s24;
	s24 =	smov.u32 s16;
	[tilespmem:s16+$0x0] =	vst v19;
	v17 =	vadd.f32 v17, v9;
	v13 =	vld [tilespmem:s28+$0xFFFFFFF0]  }
0x13e: {  	_ = 	snop  }
0x13f: {  	v11 =	vadd.f32 v15, v11;
	_ =	sdelay $0x1  }
0x140: {  	v15 =	vld [tilespmem:s23+$0x10];
	[tilespmem:s16+$0xFFFFFFB8] =	vst v11  }
0x141: {  	v11 =	vld [tilespmem:s23+$0xFFFFFFD0];
	_ =	sdelay $0x2  }
0x142: {  	v16 =	vadd.f32 v16, v10  }
0x143: {  	[tilespmem:s18+$0x10] =	vst v18;
	v15 =	vadd.f32 v15, v10  }
0x144: {  	v18 =	vld [tilespmem:s20+$0x20];
	[tilespmem:s18+$0xFFFFFFC8] =	vst v16;
	v10 =	vadd.f32 v11, v10  }
0x145: {  	[tilespmem:s24+$0x10] =	vst v15;
	v11 =	vld [tilespmem:s20+$0xFFFFFFE0]  }
0x146: {  	v15 =	vld [tilespmem:s23+$0x20];
	[tilespmem:s24+$0xFFFFFFC8] =	vst v10  }
0x147: {  	v10 =	vld [tilespmem:s23+$0xFFFFFFE0]  }
0x148: {  	v14 =	vadd.f32 v14, v9  }
0x149: {  	[tilespmem:s6+$0x20] =	vst v17;
	v16 =	vadd.f32 v18, v9  }
0x14a: {  	v17 =	vld [tilespmem:s15+$0x30];
	[tilespmem:s6+$0xFFFFFFD8] =	vst v14;
	v11 =	vadd.f32 v11, v9  }
0x14b: {  	v14 =	vld [tilespmem:s15+$0xFFFFFFF0];
	[tilespmem:s18+$0x20] =	vst v16;
	v15 =	vadd.f32 v15, v9  }
0x14c: {  	v16 =	vld [tilespmem:s20+$0x30];
	[tilespmem:s18+$0xFFFFFFD8] =	vst v11;
	v9 =	vadd.f32 v10, v9  }
0x14d: {  	[tilespmem:s24+$0x20] =	vst v15;
	v10 =	vadd.f32 v12, v8;
	v11 =	vld [tilespmem:s20+$0xFFFFFFF0]  }
0x14e: {  	v12 =	vadd.f32 v13, v8;
	v13 =	vld [tilespmem:s23+$0x30];
	[tilespmem:s24+$0xFFFFFFD8] =	vst v9  }
0x14f: {  	s21 =	simm.s32 $0x0;
	[tilespmem:s5+$0x30] =	vst v10;
	v9 =	vadd.f32 v17, v8;
	v10 =	vld [tilespmem:s23+$0xFFFFFFF0]  }
0x150: {  	v14 =	vadd.f32 v14, v8;
	[tilespmem:s5+$0xFFFFFFE8] =	vst v12;
	v12 =	vmov s21  }
0x151: {  	v12 =	vand.u32 $0x3E, v12;
	[tilespmem:s6+$0x30] =	vst v9;
	v9 =	vadd.f32 v16, v8  }
0x152: {  	[tilespmem:s6+$0xFFFFFFE8] =	vst v14;
	s23 =	simm.s32 $0x1;
	v14 =	vadd.s32 v0, v12;
	v11 =	vadd.f32 v11, v8  }
0x153: {  	[tilespmem:s18+$0x30] =	vst v9;
	v9 =	vadd.f32 v13, v8;
	v13 =	vmov s23  }
0x154: {  	[tilespmem:s18+$0xFFFFFFE8] =	vst v11;
	v11 =	vand.u32 $0x3F, v13;
	v8 =	vadd.f32 v10, v8  }
0x155: {  	[tilespmem:s24+$0x30] =	vst v9;
	v9 =	vadd.s32 v0, v11  }
0x156: {  	[tilespmem:s24+$0xFFFFFFE8] =	vst v8  }
0x157: {  	v10 =	vld.idx.msk [tilespmem:v14+s26+$0x0], $0xffff  }
0x158: {  	v13 =	vadd.s32 v1, v12  }
0x159: {  	s24 =	simm.s32 $0x2  }
0x15a: {  	v8 =	vmov s24;
	v9 =	vld.idx.msk [tilespmem:v9+s26+$0x0], $0xffff  }
0x15b: {  	v14 =	vadd.s32 v1, v11;
	v8 =	vand.u32 $0x3E, v8  }
0x15c: {  	s25 =	simm.s32 $0x80;
	s28 =	simm.s32 $0x0;
	[tilespmem:s19+$0xFFFFFFC0] =	vst v10;
	v10 =	vadd.s32 v0, v8  }
0x15d: {  	s5 =	sand.u32 $0x380, s25;
	s6 =	sand.u32 $0x1C00, s28;
	v13 =	vld.idx.msk [tilespmem:v13+s26+$0x0], $0xffff  }
0x15e: {  	v15 =	vadd.s32 v2, v12;
	s5 =	sor.u32 s5, s6  }
0x15f: {  	[tilespmem:s5+$0x15A00] =	vst v9  }
0x160: {  	s15 =	simm.s32 $0x3;
	v14 =	vld.idx.msk [tilespmem:v14+s26+$0x0], $0xffff  }
0x161: {  	v17 =	vadd.s32 v2, v11;
	v9 =	vmov s15;
	v16 =	vld.idx.msk [tilespmem:v10+s26+$0x0], $0xffff  }
0x162: {  	v9 =	vand.u32 $0x3F, v9;
	[tilespmem:s19+$0xFFFFFFD0] =	vst v13;
	v13 =	vadd.s32 v1, v8  }
0x163: {  	s16 =	simm.s32 $0x4;
	v18 =	vadd.s32 v0, v9;
	v15 =	vld.idx.msk [tilespmem:v15+s26+$0x0], $0xffff  }
0x164: {  	v19 =	vadd.s32 v3, v12;
	s5 =	sadd.s32 $0x15A00, s5;
	v10 =	vmov s16  }
0x165: {  	s23 =	simm.s32 $0x15B40;
	v10 =	vand.u32 $0x3E, v10;
	[tilespmem:s5+$0x10] =	vst v14  }
0x166: {  	v14 =	vadd.s32 v0, v10;
	[tilespmem:s23+$0xFFFFFFC0] =	vst v16;
	v16 =	vld.idx.msk [tilespmem:v17+s26+$0x0], $0xffff  }
0x167: {  	v17 =	vadd.s32 v3, v11;
	v13 =	vld.idx.msk [tilespmem:v13+s26+$0x0], $0xffff  }
0x168: {  	v18 =	vld.idx.msk [tilespmem:v18+s26+$0x0], $0xffff;
	[tilespmem:s19+$0xFFFFFFE0] =	vst v15;
	v15 =	vadd.s32 v2, v8  }
0x169: {  	v20 =	vadd.s32 v1, v9;
	v19 =	vld.idx.msk [tilespmem:v19+s26+$0x0], $0xffff  }
0x16a: {  	s20 =	simm.s32 $0x100;
	v21 =	vadd.s32 v4, v12;
	s18 =	simm.s32 $0x180  }
0x16b: {  	s6 =	sand.u32 $0x380, s18;
	s15 =	sand.u32 $0x1C00, s20;
	v14 =	vld.idx.msk [tilespmem:v14+s26+$0x0], $0xffff;
	[tilespmem:s5+$0x20] =	vst v16  }
0x16c: {  	s15 =	sor.u32 s6, s15;
	[tilespmem:s23+$0xFFFFFFD0] =	vst v13;
	v13 =	vadd.s32 v1, v10;
	v16 =	vld.idx.msk [tilespmem:v17+s26+$0x0], $0xffff  }
0x16d: {  	[tilespmem:s15+$0x15A00] =	vst v18;
	v15 =	vld.idx.msk [tilespmem:v15+s26+$0x0], $0xffff  }
0x16e: {  	s21 =	simm.s32 $0x5;
	v17 =	vadd.s32 v4, v11;
	[tilespmem:s19+$0xFFFFFFF0] =	vst v19;
	v19 =	vld.idx.msk [tilespmem:v20+s26+$0x0], $0xffff  }
0x16f: {  	s6 =	simm.s32 $0x15C40;
	v18 =	vadd.s32 v3, v8;
	v20 =	vld.idx.msk [tilespmem:v21+s26+$0x0], $0xffff;
	v21 =	vmov s21  }
0x170: {  	v22 =	vadd.s32 v2, v9;
	[tilespmem:s6+$0xFFFFFFC0] =	vst v14;
	v14 =	vand.u32 $0x3F, v21  }
0x171: {  	s24 =	simm.s32 $0x6;
	v24 =	vld.idx.msk [tilespmem:v13+s26+$0x0], $0xffff;
	v25 =	vadd.s32 v0, v14  }
0x172: {  	v23 =	vadd.s32 v5, v12;
	v21 =	vmov s24;
	[tilespmem:s5+$0x30] =	vst v16  }
0x173: {  	s15 =	sadd.s32 $0x15A00, s15;
	v13 =	vand.u32 $0x3E, v21;
	[tilespmem:s23+$0xFFFFFFE0] =	vst v15;
	v15 =	vld.idx.msk [tilespmem:v17+s26+$0x0], $0xffff  }
0x174: {  	v16 =	vadd.s32 v0, v13;
	v17 =	vld.idx.msk [tilespmem:v18+s26+$0x0], $0xffff;
	[tilespmem:s15+$0x10] =	vst v19  }
0x175: {  	v18 =	vadd.s32 v5, v11;
	[tilespmem:s19+$0x0] =	vst v20;
	v19 =	vld.idx.msk [tilespmem:v22+s26+$0x0], $0xffff  }
0x176: {  	[tilespmem:s6+$0xFFFFFFD0] =	vst v24;
	v24 =	vld.idx.msk [tilespmem:v25+s26+$0x0], $0xffff;
	v25 =	vadd.s32 v4, v8  }
0x177: {  	v21 =	vadd.s32 v2, v10;
	v22 =	vld.idx.msk [tilespmem:v23+s26+$0x0], $0xffff  }
0x178: {  	v23 =	vadd.s32 v3, v9  }
0x179: {  	v27 =	vadd.s32 v6, v12;
	v16 =	vld.idx.msk [tilespmem:v16+s26+$0x0], $0xffff;
	[tilespmem:s5+$0x40] =	vst v15  }
0x17a: {  	v26 =	vadd.s32 v1, v14;
	[tilespmem:s23+$0xFFFFFFF0] =	vst v17;
	v20 =	vld.idx.msk [tilespmem:v18+s26+$0x0], $0xffff  }
0x17b: {  	s25 =	simm.s32 $0x200;
	s20 =	simm.s32 $0x280;
	[tilespmem:s15+$0x20] =	vst v19;
	v17 =	vld.idx.msk [tilespmem:v25+s26+$0x0], $0xffff;
	v25 =	vadd.s32 v1, v13  }
0x17c: {  	s28 =	sand.u32 $0x380, s20;
	s16 =	sand.u32 $0x1C00, s25;
	v21 =	vld.idx.msk [tilespmem:v21+s26+$0x0], $0xffff;
	[tilespmem:s19+$0x10] =	vst v22;
	v22 =	vadd.s32 v6, v11  }
0x17d: {  	s16 =	sor.u32 s28, s16;
	v18 =	vadd.s32 v3, v10;
	v15 =	vld.idx.msk [tilespmem:v23+s26+$0x0], $0xffff  }
0x17e: {  	s18 =	simm.s32 $0x15D40;
	v19 =	vadd.s32 v4, v9;
	[tilespmem:s16+$0x15A00] =	vst v24;
	v23 =	vld.idx.msk [tilespmem:v27+s26+$0x0], $0xffff  }
0x17f: {  	s21 =	simm.s32 $0x7;
	s24 =	simm.s32 $0x8;
	v24 =	vld.idx.msk [tilespmem:v26+s26+$0x0], $0xffff;
	[tilespmem:s18+$0xFFFFFFC0] =	vst v16;
	v16 =	vadd.s32 v5, v8  }
.LBB2_13:
0x180: {  	p0 =	slt.u32 s24, $0x3E;
	v25 =	vld.idx.msk [tilespmem:v25+s26+$0x0], $0xffff;
	v26 =	vmov s21;
	v27 =	vadd.s32 v2, v14;
	[tilespmem:s5+$0x50] =	vst v20  }
0x181: {  	v20 =	vand.u32 $0x3F, v26;
	[tilespmem:s6+$0xFFFFFFE0] =	vst v21;
	v21 =	vadd.s32 v7, v12;
	v22 =	vld.idx.msk [tilespmem:v22+s26+$0x0], $0xffff;
	v12 =	vmovc v8;
	v8 =	vmov v10  }
0x182: {  	v26 =	vmov s24;
	v10 =	vmov v13;
	v28 =	vadd.s32 v0, v20;
	v18 =	vld.idx.msk [tilespmem:v18+s26+$0x0], $0xffff;
	[tilespmem:s15+$0x30] =	vst v15  }
0x183: {  	s21 =	sadd.s32 $0x15A00, s16;
	v13 =	vand.u32 $0x3E, v26;
	[tilespmem:s23+$0x0] =	vst v17;
	v15 =	vld.idx.msk [tilespmem:v19+s26+$0x0], $0xffff;
	v17 =	vadd.s32 v7, v11;
	v11 =	vmovc v9;
	v9 =	vmov v14  }
0x184: {  	v19 =	vadd.s32 v0, v13;
	v14 =	vmov v20;
	[tilespmem:s21+$0x10] =	vst v24;
	v16 =	vld.idx.msk [tilespmem:v16+s26+$0x0], $0xffff  }
0x185: {  	v20 =	vadd.s32 v5, v11;
	v24 =	vld.idx.msk [tilespmem:v27+s26+$0x0], $0xffff;
	[tilespmem:s19+$0x20] =	vst v23  }
0x186: {  	v23 =	vadd.s32 v2, v10;
	[tilespmem:s18+$0xFFFFFFD0] =	vst v25;
	v26 =	vld.idx.msk [tilespmem:v21+s26+$0x0], $0xffff  }
0x187: {  	v27 =	vld.idx.msk [tilespmem:v28+s26+$0x0], $0xffff;
	v28 =	vadd.s32 v3, v9;
	[tilespmem:s5+$0x60] =	vst v22  }
0x188: {  	v29 =	vadd.s32 v4, v8;
	[tilespmem:s6+$0xFFFFFFF0] =	vst v18;
	v30 =	vld.idx.msk [tilespmem:v17+s26+$0x0], $0xffff  }
0x189: {  	s20 =	sadd.s32 $0x100, s20;
	v31 =	vld.idx.msk [tilespmem:v19+s26+$0x0], $0xffff;
	v19 =	vadd.s32 v1, v14;
	[tilespmem:s15+$0x40] =	vst v15  }
0x18a: {  	s16 =	sadd.s32 $0xFFFFFF80, s20;
	v32 =	vadd.s32 v6, v12;
	[tilespmem:s23+$0x10] =	vst v16;
	v20 =	vld.idx.msk [tilespmem:v20+s26+$0x0], $0xffff  }
.Ltmp6:
0x18b: {  	s25 =	sand.u32 $0x380, s20;
	s16 =	sand.u32 $0x1C00, s16;
	v25 =	vadd.s32 v1, v13;
	v21 =	vld.idx.msk [tilespmem:v23+s26+$0x0], $0xffff;
	[tilespmem:s21+$0x20] =	vst v24;
	(pc) =	sbr.rel @p0 .LBB2_13-.Ltmp6, $4  }
0x18c: {  	s16 =	sor.u32 s25, s16;
	v22 =	vadd.s32 v6, v11;
	v15 =	vld.idx.msk [tilespmem:v28+s26+$0x0], $0xffff;
	[tilespmem:s19+$0x30] =	vst v26;
	s19 =	smov.u32 s23;
	s23 =	smov.u32 s6  }
0x18d: {  	v18 =	vadd.s32 v3, v10;
	s6 =	smov.u32 s18;
	[tilespmem:s16+$0x15A00] =	vst v27;
	v17 =	vld.idx.msk [tilespmem:v29+s26+$0x0], $0xffff  }
0x18e: {  	s18 =	sadd.s32 $0x100, s18;
	v24 =	vld.idx.msk [tilespmem:v19+s26+$0x0], $0xffff;
	v19 =	vadd.s32 v4, v9;
	[tilespmem:s5+$0x70] =	vst v30;
	s5 =	smov.u32 s15;
	s15 =	smov.u32 s21  }
0x18f: {  	v16 =	vadd.s32 v5, v8;
	s21 =	sadd.s32 $0x1, s24;
	s24 =	sadd.s32 $0x2, s24;
	[tilespmem:s18+$0xFFFFFFC0] =	vst v31;
	v23 =	vld.idx.msk [tilespmem:v32+s26+$0x0], $0xffff  }
0x190: {  	v26 =	vmov s21  }
0x191: {  	v26 =	vand.u32 $0x3F, v26  }
0x192: {  	v27 =	vadd.s32 v0, v26;
	_ =	sdelay $0x4  }
0x193: {  	v27 =	vld.idx.msk [tilespmem:v27+s26+$0x0], $0xffff  }
0x194: {  	s20 =	sadd.s32 $0x100, s20;
	v28 =	vadd.s32 v1, v26  }
0x195: {  	s25 =	sadd.s32 $0xFFFFFF80, s20  }
0x196: {  	s20 =	sand.u32 $0x380, s20;
	s21 =	sand.u32 $0x1C00, s25  }
0x197: {  	s20 =	sor.u32 s20, s21  }
0x198: {  	v25 =	vld.idx.msk [tilespmem:v25+s26+$0x0], $0xffff;
	v29 =	vadd.s32 v2, v14;
	[tilespmem:s20+$0x15A00] =	vst v27  }
0x199: {  	v54 =	vadd.s32 v2, v13;
	v28 =	vld.idx.msk [tilespmem:v28+s26+$0x0], $0xffff  }
0x19a: {  	[tilespmem:s5+$0x50] =	vst v20;
	v20 =	vadd.s32 v2, v26  }
0x19b: {  	[tilespmem:s6+$0xFFFFFFE0] =	vst v21;
	s24 =	sadd.s32 $0x15A00, s16  }
0x19c: {  	[tilespmem:s24+$0x10] =	vst v24  }
0x19d: {  	v55 =	vld.idx.msk [tilespmem:v29+s26+$0x0], $0xffff;
	[tilespmem:s18+$0xFFFFFFD0] =	vst v25;
	s20 =	sadd.s32 $0x15A00, s20  }
0x19e: {  	v56 =	vadd.s32 v3, v14;
	v25 =	vld.idx.msk [tilespmem:v54+s26+$0x0], $0xffff;
	[tilespmem:s20+$0x10] =	vst v28  }
0x19f: {  	[tilespmem:s15+$0x30] =	vst v15;
	v15 =	vadd.s32 v3, v13;
	v20 =	vld.idx.msk [tilespmem:v20+s26+$0x0], $0xffff  }
0x1a0: {  	v22 =	vld.idx.msk [tilespmem:v22+s26+$0x0], $0xffff;
	[tilespmem:s23+$0x0] =	vst v17;
	v17 =	vadd.s32 v3, v26  }
0x1a1: {  	v18 =	vld.idx.msk [tilespmem:v18+s26+$0x0], $0xffff;
	[tilespmem:s19+$0x20] =	vst v23  }
0x1a2: {  	v12 =	vadd.s32 v7, v12;
	v19 =	vld.idx.msk [tilespmem:v19+s26+$0x0], $0xffff;
	[tilespmem:s24+$0x20] =	vst v55  }
0x1a3: {  	v57 =	vadd.s32 v4, v10;
	v58 =	vld.idx.msk [tilespmem:v56+s26+$0x0], $0xffff;
	[tilespmem:s18+$0xFFFFFFE0] =	vst v25  }
0x1a4: {  	v59 =	vadd.s32 v4, v14;
	v15 =	vld.idx.msk [tilespmem:v15+s26+$0x0], $0xffff;
	[tilespmem:s20+$0x20] =	vst v20  }
0x1a5: {  	[tilespmem:s5+$0x60] =	vst v22;
	v20 =	vadd.s32 v4, v13;
	v17 =	vld.idx.msk [tilespmem:v17+s26+$0x0], $0xffff  }
0x1a6: {  	v16 =	vld.idx.msk [tilespmem:v16+s26+$0x0], $0xffff;
	[tilespmem:s6+$0xFFFFFFF0] =	vst v18;
	v18 =	vadd.s32 v4, v26  }
0x1a7: {  	v11 =	vadd.s32 v7, v11;
	v12 =	vld.idx.msk [tilespmem:v12+s26+$0x0], $0xffff;
	[tilespmem:s15+$0x40] =	vst v19  }
0x1a8: {  	v19 =	vadd.s32 v5, v9;
	v21 =	vld.idx.msk [tilespmem:v57+s26+$0x0], $0xffff;
	[tilespmem:s24+$0x30] =	vst v58  }
0x1a9: {  	v60 =	vadd.s32 v5, v10;
	v23 =	vld.idx.msk [tilespmem:v59+s26+$0x0], $0xffff;
	[tilespmem:s18+$0xFFFFFFF0] =	vst v15  }
0x1aa: {  	v15 =	vadd.s32 v5, v14;
	v20 =	vld.idx.msk [tilespmem:v20+s26+$0x0], $0xffff;
	[tilespmem:s20+$0x30] =	vst v17  }
0x1ab: {  	[tilespmem:s23+$0x10] =	vst v16;
	v16 =	vadd.s32 v5, v13;
	v17 =	vld.idx.msk [tilespmem:v18+s26+$0x0], $0xffff  }
0x1ac: {  	v11 =	vld.idx.msk [tilespmem:v11+s26+$0x0], $0xffff;
	[tilespmem:s19+$0x30] =	vst v12;
	v12 =	vadd.s32 v5, v26  }
0x1ad: {  	v19 =	vld.idx.msk [tilespmem:v19+s26+$0x0], $0xffff;
	[tilespmem:s6+$0x0] =	vst v21;
	v18 =	vadd.s32 v6, v8  }
0x1ae: {  	v61 =	vadd.s32 v6, v9;
	v22 =	vld.idx.msk [tilespmem:v60+s26+$0x0], $0xffff;
	[tilespmem:s24+$0x40] =	vst v23  }
0x1af: {  	v62 =	vadd.s32 v6, v10;
	v15 =	vld.idx.msk [tilespmem:v15+s26+$0x0], $0xffff;
	[tilespmem:s18+$0x0] =	vst v20  }
0x1b0: {  	v20 =	vadd.s32 v6, v14;
	v16 =	vld.idx.msk [tilespmem:v16+s26+$0x0], $0xffff;
	[tilespmem:s20+$0x40] =	vst v17  }
0x1b1: {  	[tilespmem:s5+$0x70] =	vst v11;
	v11 =	vadd.s32 v6, v13;
	v12 =	vld.idx.msk [tilespmem:v12+s26+$0x0], $0xffff  }
0x1b2: {  	[tilespmem:s15+$0x50] =	vst v19;
	v17 =	vld.idx.msk [tilespmem:v18+s26+$0x0], $0xffff;
	v18 =	vadd.s32 v6, v26  }
0x1b3: {  	v19 =	vld.idx.msk [tilespmem:v61+s26+$0x0], $0xffff;
	[tilespmem:s6+$0x10] =	vst v22;
	v8 =	vadd.s32 v7, v8  }
0x1b4: {  	v9 =	vadd.s32 v7, v9;
	v63 =	vld.idx.msk [tilespmem:v62+s26+$0x0], $0xffff;
	[tilespmem:s24+$0x50] =	vst v15  }
0x1b5: {  	v10 =	vadd.s32 v7, v10;
	v15 =	vld.idx.msk [tilespmem:v20+s26+$0x0], $0xffff;
	[tilespmem:s18+$0x10] =	vst v16  }
0x1b6: {  	v14 =	vadd.s32 v7, v14;
	v11 =	vld.idx.msk [tilespmem:v11+s26+$0x0], $0xffff;
	[tilespmem:s20+$0x50] =	vst v12  }
0x1b7: {  	[tilespmem:s23+$0x20] =	vst v17;
	v12 =	vadd.s32 v7, v13;
	v13 =	vld.idx.msk [tilespmem:v18+s26+$0x0], $0xffff  }
0x1b8: {  	[tilespmem:s15+$0x60] =	vst v19;
	v16 =	vadd.s32 v7, v26;
	v8 =	vld.idx.msk [tilespmem:v8+s26+$0x0], $0xffff  }
0x1b9: {  	v9 =	vld.idx.msk [tilespmem:v9+s26+$0x0], $0xffff;
	[tilespmem:s6+$0x20] =	vst v63  }
0x1ba: {  	v10 =	vld.idx.msk [tilespmem:v10+s26+$0x0], $0xffff;
	[tilespmem:s24+$0x60] =	vst v15  }
0x1bb: {  	v14 =	vld.idx.msk [tilespmem:v14+s26+$0x0], $0xffff;
	[tilespmem:s18+$0x20] =	vst v11  }
0x1bc: {  	v11 =	vld.idx.msk [tilespmem:v12+s26+$0x0], $0xffff;
	[tilespmem:s20+$0x60] =	vst v13  }
0x1bd: {  	[tilespmem:s23+$0x30] =	vst v8;
	v8 =	vld.idx.msk [tilespmem:v16+s26+$0x0], $0xffff  }
0x1be: {  	[tilespmem:s15+$0x70] =	vst v9  }
0x1bf: {  	s16 =	sshll.u32 s17, $0x12;
	[tilespmem:s6+$0x30] =	vst v10  }
0x1c0: {  	s5 =	sor.u32 s7, s16;
	[tilespmem:s24+$0x70] =	vst v14  }
0x1c1: {  	s5 =	sshrl.u32 s5, $0x3;
	[tilespmem:s18+$0x30] =	vst v11  }
0x1c2: {  	s17 =	sadd.s32 s2, s5;
	s18 =	simm.s32 $0x15A00;
	[tilespmem:s20+$0x70] =	vst v8  }
0x1c3: {  	[hbm4b:s17+s3] =	stream.linear.scatter [tilespmem:s18], [sflag:$0x6], $0x400, $0x38;
	[tilespmem:$0x17A00] =	vst v63  }
0x1c4: {  	s19 =	sadd.s32 s5, s8;
	s20 =	simm.s32 $0x15E00  }
0x1c5: {  	[hbm4b:s19+s3] =	stream.linear.scatter [tilespmem:s20], [sflag:$0x6], $0x400, $0x38;
	[tilespmem:$0x17A00] =	vst v63  }
0x1c6: {  	s21 =	sadd.s32 s5, s9;
	s23 =	simm.s32 $0x16200  }
0x1c7: {  	[hbm4b:s21+s3] =	stream.linear.scatter [tilespmem:s23], [sflag:$0x6], $0x400, $0x38;
	[tilespmem:$0x17A00] =	vst v63  }
0x1c8: {  	s25 =	simm.s32 $0x16600;
	s24 =	sadd.s32 s5, s10  }
0x1c9: {  	[hbm4b:s24+s3] =	stream.linear.scatter [tilespmem:s25], [sflag:$0x6], $0x400, $0x38;
	[tilespmem:$0x17A00] =	vst v63  }
0x1ca: {  	s16 =	simm.s32 $0x16A00;
	s15 =	sadd.s32 s5, s11  }
0x1cb: {  	[hbm4b:s15+s3] =	stream.linear.scatter [tilespmem:s16], [sflag:$0x6], $0x400, $0x38;
	[tilespmem:$0x17A00] =	vst v63  }
0x1cc: {  	s17 =	sadd.s32 s5, s12;
	s18 =	simm.s32 $0x16E00  }
0x1cd: {  	[hbm4b:s17+s3] =	stream.linear.scatter [tilespmem:s18], [sflag:$0x6], $0x400, $0x38;
	[tilespmem:$0x17A00] =	vst v63  }
0x1ce: {  	s19 =	sadd.s32 s5, s13;
	s20 =	simm.s32 $0x17200  }
0x1cf: {  	[hbm4b:s19+s3] =	stream.linear.scatter [tilespmem:s20], [sflag:$0x6], $0x400, $0x38;
	[tilespmem:$0x17A00] =	vst v63  }
0x1d0: {  	p0 =	seq.s32 s31, $0x31;
	s5 =	sadd.s32 s5, s14;
	s21 =	simm.s32 $0x17600  }
0x1d1: {  	[hbm4b:s5+s3] =	stream.linear.scatter [tilespmem:s21], [sflag:$0x6], $0x400, $0x38;
	[tilespmem:$0x17A00] =	vst v63  }
0x1d2: {  	s5 =	sshll.u32 @!p0 s31, $0x9  }
0x1d3: {  	s6 =	simm.s32 @!p0 $0x80;
	s17 =	sand.u32 @!p0 $0x3FFFFE00, s5  }
0x1d4: {  	s23 =	simm.s32 $0x3;
	s15 =	simm.s32 @!p0 $0xB600;
	s5 =	sadd.s32 @!p0 $0x280, s17  }
0x1d5: {  	[tilespmem:s15], [sflag:$0x2] =	stream.indirect.gather @!p0 [hbm4b:s4+s6], $0x40, s5, s6, $0xb8;
	[tilespmem:$0x17A00] =	vst v63  }
0x1d6: {  	_ =	swait.ge [sflag:s23], $0x2000  }
0x1d7: {  	[sflag:s23] =	ssyncset.done $0x0  }
0x1d8: {  	[sflag:s23] =	ssyncadd.s32 $0xFFFFE000  }
0x1d9: {  	_ =	swait.ge [sflag:s29], $0x400  }
0x1da: {  	[sflag:s29] =	ssyncset.done $0x0  }
0x1db: {  	[sflag:s29] =	ssyncadd.s32 $0xFFFFFC00  }
0x1dc: {  	_ =	swait.ge [sflag:s29], $0x400  }
0x1dd: {  	[sflag:s29] =	ssyncset.done $0x0  }
0x1de: {  	[sflag:s29] =	ssyncadd.s32 $0xFFFFFC00  }
0x1df: {  	_ =	swait.ge [sflag:s29], $0x400  }
0x1e0: {  	[sflag:s29] =	ssyncset.done $0x0  }
0x1e1: {  	[sflag:s29] =	ssyncadd.s32 $0xFFFFFC00  }
0x1e2: {  	_ =	swait.ge [sflag:s29], $0x400  }
0x1e3: {  	[sflag:s29] =	ssyncset.done $0x0  }
0x1e4: {  	[sflag:s29] =	ssyncadd.s32 $0xFFFFFC00  }
0x1e5: {  	_ =	swait.ge [sflag:s29], $0x400  }
0x1e6: {  	[sflag:s29] =	ssyncset.done $0x0  }
0x1e7: {  	[sflag:s29] =	ssyncadd.s32 $0xFFFFFC00  }
0x1e8: {  	_ =	swait.ge [sflag:s29], $0x400  }
0x1e9: {  	[sflag:s29] =	ssyncset.done $0x0  }
0x1ea: {  	[sflag:s29] =	ssyncadd.s32 $0xFFFFFC00  }
0x1eb: {  	_ =	swait.ge [sflag:s29], $0x400  }
0x1ec: {  	[sflag:s29] =	ssyncset.done $0x0  }
0x1ed: {  	[sflag:s29] =	ssyncadd.s32 $0xFFFFFC00  }
0x1ee: {  	s1 =	sor.u32 $0x2, s1;
	_ =	swait.ge [sflag:s29], $0x400  }
0x1ef: {  	s24 =	sshll.u32 s1, $0x6;
	[sflag:s29] =	ssyncset.done $0x0  }
0x1f0: {  	s5 =	sand.u32 $0x3FFFFFC0, s24;
	[sflag:s29] =	ssyncadd.s32 $0xFFFFFC00  }
0x1f1: {  	s25 =	simm.s32 $0xD640;
	v11 =	vld [tilespmem:s5+$0x6400]  }
0x1f2: {  	v8 =	vld [tilespmem:s25+$0x0];
	_ =	sdelay $0x2  }
0x1f3: {  	v10 =	vld [tilespmem:s5+$0x6410]  }
0x1f4: {  	v12 =	vld [tilespmem:s25+$0xFFFFFFC0]  }
0x1f5: {  	v9 =	vld [tilespmem:s5+$0x6420];
	v13 =	vadd.f32 v8, v11  }
0x1f6: {  	s15 =	simm.s32 $0xD6C0;
	v8 =	vld [tilespmem:s5+$0x6430];
	s5 =	simm.s32 $0x11648  }
0x1f7: {  	[tilespmem:s5+$0x0] =	vst v13;
	v13 =	vld [tilespmem:s15+$0x0]  }
0x1f8: {  	v14 =	vld [tilespmem:s25+$0x10]  }
0x1f9: {  	v12 =	vadd.f32 v12, v11;
	_ =	sdelay $0x1  }
0x1fa: {  	[tilespmem:s5+$0xFFFFFFB8] =	vst v12;
	v12 =	vld [tilespmem:s15+$0xFFFFFFC0]  }
0x1fb: {  	v15 =	vld [tilespmem:s25+$0xFFFFFFD0];
	v13 =	vadd.f32 v13, v11  }
0x1fc: {  	s19 =	simm.s32 $0xD740;
	s6 =	simm.s32 $0x116D8;
	v14 =	vadd.f32 v14, v10  }
0x1fd: {  	[tilespmem:s6+$0x0] =	vst v13;
	v13 =	vld [tilespmem:s19+$0x0]  }
0x1fe: {  	[tilespmem:s5+$0x10] =	vst v14;
	v14 =	vld [tilespmem:s15+$0x10]  }
0x1ff: {  	v12 =	vadd.f32 v12, v11;
	v16 =	vld [tilespmem:s25+$0x20]  }
0x200: {  	v15 =	vadd.f32 v15, v10  }
0x201: {  	[tilespmem:s6+$0xFFFFFFB8] =	vst v12;
	v12 =	vld [tilespmem:s19+$0xFFFFFFC0]  }
0x202: {  	[tilespmem:s5+$0xFFFFFFC8] =	vst v15;
	v15 =	vld [tilespmem:s15+$0xFFFFFFD0];
	v13 =	vadd.f32 v13, v11  }
0x203: {  	s18 =	simm.s32 $0x11768;
	s20 =	simm.s32 $0xD7C0;
	v17 =	vld [tilespmem:s25+$0xFFFFFFE0];
	v14 =	vadd.f32 v14, v10  }
0x204: {  	[tilespmem:s18+$0x0] =	vst v13;
	v13 =	vadd.f32 v16, v9;
	v16 =	vld [tilespmem:s20+$0x0]  }
0x205: {  	[tilespmem:s6+$0x10] =	vst v14;
	v18 =	vld [tilespmem:s19+$0x10]  }
0x206: {  	v14 =	vadd.f32 v12, v11;
	[tilespmem:s5+$0x20] =	vst v13;
	v13 =	vld [tilespmem:s15+$0x20]  }
0x207: {  	v19 =	vadd.f32 v15, v10;
	v12 =	vld [tilespmem:s25+$0x30]  }
0x208: {  	v15 =	vld [tilespmem:s20+$0xFFFFFFC0];
	[tilespmem:s18+$0xFFFFFFB8] =	vst v14;
	v14 =	vadd.f32 v17, v9  }
0x209: {  	[tilespmem:s6+$0xFFFFFFC8] =	vst v19;
	v17 =	vadd.f32 v16, v11;
	v16 =	vld [tilespmem:s19+$0xFFFFFFD0]  }
0x20a: {  	s28 =	simm.s32 $0x13A00;
	s16 =	simm.s32 $0x117F8;
	[tilespmem:s5+$0xFFFFFFD8] =	vst v14;
	v14 =	vld [tilespmem:s15+$0xFFFFFFE0];
	v18 =	vadd.f32 v18, v10  }
0x20b: {  	s21 =	simm.s32 $0xD840;
	s24 =	simm.s32 $0x6;
	s23 =	simm.s32 $0x117F8;
	[tilespmem:s16+$0x0] =	vst v17;
	v17 =	vadd.f32 v13, v9;
	v13 =	vld [tilespmem:s25+$0xFFFFFFF0]  }
.LBB2_15:
0x20c: {  	v19 =	vld [tilespmem:s21+$0x0];
	[tilespmem:s18+$0x10] =	vst v18;
	v12 =	vadd.f32 v12, v8;
	s25 =	smov.u32 s15;
	s15 =	smov.u32 s19;
	s19 =	smov.u32 s20  }
0x20d: {  	s20 =	smov.u32 s21;
	s24 =	sadd.s32 $0x2, s24;
	v15 =	vadd.f32 v15, v11;
	v18 =	vld [tilespmem:s19+$0x10];
	[tilespmem:s6+$0x20] =	vst v17  }
0x20e: {  	p1 =	slt.u32 s24, $0x7E;
	v16 =	vadd.f32 v16, v10;
	v17 =	vld [tilespmem:s15+$0x20];
	[tilespmem:s5+$0x30] =	vst v12  }
.Ltmp7:
0x20f: {  	[tilespmem:s16+$0xFFFFFFB8] =	vst v15;
	v14 =	vadd.f32 v14, v9;
	v12 =	vld [tilespmem:s25+$0x30];
	(pc) =	sbr.rel @p1 .LBB2_15-.Ltmp7, $4  }
0x210: {  	v15 =	vld [tilespmem:s21+$0xFFFFFFC0];
	[tilespmem:s18+$0xFFFFFFC8] =	vst v16;
	v13 =	vadd.f32 v13, v8  }
0x211: {  	v19 =	vadd.f32 v19, v11;
	v16 =	vld [tilespmem:s19+$0xFFFFFFD0];
	[tilespmem:s6+$0xFFFFFFD8] =	vst v14  }
0x212: {  	s16 =	sadd.s32 $0x90, s16;
	v18 =	vadd.f32 v18, v10;
	v14 =	vld [tilespmem:s15+$0xFFFFFFE0];
	[tilespmem:s5+$0xFFFFFFE8] =	vst v13;
	s5 =	smov.u32 s6;
	s6 =	smov.u32 s18  }
0x213: {  	s21 =	sadd.s32 $0x80, s21;
	s18 =	smov.u32 s23;
	s23 =	smov.u32 s16;
	[tilespmem:s16+$0x0] =	vst v19;
	v17 =	vadd.f32 v17, v9;
	v13 =	vld [tilespmem:s25+$0xFFFFFFF0]  }
0x214: {  	_ = 	snop  }
0x215: {  	v11 =	vadd.f32 v15, v11;
	_ =	sdelay $0x1  }
0x216: {  	v15 =	vld [tilespmem:s20+$0x10];
	[tilespmem:s16+$0xFFFFFFB8] =	vst v11  }
0x217: {  	v11 =	vld [tilespmem:s20+$0xFFFFFFD0];
	_ =	sdelay $0x2  }
0x218: {  	v16 =	vadd.f32 v16, v10  }
0x219: {  	[tilespmem:s18+$0x10] =	vst v18;
	v15 =	vadd.f32 v15, v10  }
0x21a: {  	v18 =	vld [tilespmem:s19+$0x20];
	[tilespmem:s18+$0xFFFFFFC8] =	vst v16;
	v10 =	vadd.f32 v11, v10  }
0x21b: {  	[tilespmem:s23+$0x10] =	vst v15;
	v11 =	vld [tilespmem:s19+$0xFFFFFFE0]  }
0x21c: {  	v15 =	vld [tilespmem:s20+$0x20];
	[tilespmem:s23+$0xFFFFFFC8] =	vst v10  }
0x21d: {  	v10 =	vld [tilespmem:s20+$0xFFFFFFE0]  }
0x21e: {  	v14 =	vadd.f32 v14, v9  }
0x21f: {  	[tilespmem:s6+$0x20] =	vst v17;
	v16 =	vadd.f32 v18, v9  }
0x220: {  	v17 =	vld [tilespmem:s15+$0x30];
	[tilespmem:s6+$0xFFFFFFD8] =	vst v14;
	v11 =	vadd.f32 v11, v9  }
0x221: {  	v14 =	vld [tilespmem:s15+$0xFFFFFFF0];
	[tilespmem:s18+$0x20] =	vst v16;
	v15 =	vadd.f32 v15, v9  }
0x222: {  	v16 =	vld [tilespmem:s19+$0x30];
	[tilespmem:s18+$0xFFFFFFD8] =	vst v11;
	v9 =	vadd.f32 v10, v9  }
0x223: {  	[tilespmem:s23+$0x20] =	vst v15;
	v10 =	vadd.f32 v12, v8;
	v11 =	vld [tilespmem:s19+$0xFFFFFFF0]  }
0x224: {  	v12 =	vadd.f32 v13, v8;
	v13 =	vld [tilespmem:s20+$0x30];
	[tilespmem:s23+$0xFFFFFFD8] =	vst v9  }
0x225: {  	s16 =	simm.s32 $0x0;
	[tilespmem:s5+$0x30] =	vst v10;
	v9 =	vadd.f32 v17, v8;
	v10 =	vld [tilespmem:s20+$0xFFFFFFF0]  }
0x226: {  	v14 =	vadd.f32 v14, v8;
	[tilespmem:s5+$0xFFFFFFE8] =	vst v12;
	v12 =	vmov s16  }
0x227: {  	v12 =	vand.u32 $0x3E, v12;
	[tilespmem:s6+$0x30] =	vst v9;
	v9 =	vadd.f32 v16, v8  }
0x228: {  	[tilespmem:s6+$0xFFFFFFE8] =	vst v14;
	s19 =	simm.s32 $0x1;
	v14 =	vadd.s32 v0, v12;
	v11 =	vadd.f32 v11, v8  }
0x229: {  	[tilespmem:s18+$0x30] =	vst v9;
	v9 =	vadd.f32 v13, v8;
	v13 =	vmov s19  }
0x22a: {  	[tilespmem:s18+$0xFFFFFFE8] =	vst v11;
	v11 =	vand.u32 $0x3F, v13;
	v8 =	vadd.f32 v10, v8  }
0x22b: {  	[tilespmem:s23+$0x30] =	vst v9;
	v9 =	vadd.s32 v0, v11  }
0x22c: {  	[tilespmem:s23+$0xFFFFFFE8] =	vst v8  }
0x22d: {  	v10 =	vld.idx.msk [tilespmem:v14+s26+$0x0], $0xffff  }
0x22e: {  	v13 =	vadd.s32 v1, v12  }
0x22f: {  	s20 =	simm.s32 $0x2  }
0x230: {  	v8 =	vmov s20;
	v9 =	vld.idx.msk [tilespmem:v9+s26+$0x0], $0xffff  }
0x231: {  	s23 =	simm.s32 $0x13A40;
	v8 =	vand.u32 $0x3E, v8;
	v14 =	vadd.s32 v1, v11  }
0x232: {  	s21 =	simm.s32 $0x80;
	s24 =	simm.s32 $0x0;
	[tilespmem:s23+$0xFFFFFFC0] =	vst v10;
	v10 =	vadd.s32 v0, v8  }
0x233: {  	s5 =	sand.u32 $0x380, s21;
	s6 =	sand.u32 $0x1C00, s24;
	v13 =	vld.idx.msk [tilespmem:v13+s26+$0x0], $0xffff  }
0x234: {  	v15 =	vadd.s32 v2, v12;
	s5 =	sor.u32 s5, s6  }
0x235: {  	[tilespmem:s5+$0x13A00] =	vst v9  }
0x236: {  	s25 =	simm.s32 $0x3;
	v14 =	vld.idx.msk [tilespmem:v14+s26+$0x0], $0xffff  }
0x237: {  	v17 =	vadd.s32 v2, v11;
	v9 =	vmov s25;
	v16 =	vld.idx.msk [tilespmem:v10+s26+$0x0], $0xffff  }
0x238: {  	v9 =	vand.u32 $0x3F, v9;
	[tilespmem:s23+$0xFFFFFFD0] =	vst v13;
	v13 =	vadd.s32 v1, v8  }
0x239: {  	s15 =	simm.s32 $0x4;
	v18 =	vadd.s32 v0, v9;
	v15 =	vld.idx.msk [tilespmem:v15+s26+$0x0], $0xffff  }
0x23a: {  	v19 =	vadd.s32 v3, v12;
	s5 =	sadd.s32 $0x13A00, s5;
	v10 =	vmov s15  }
0x23b: {  	s19 =	simm.s32 $0x13B40;
	v10 =	vand.u32 $0x3E, v10;
	[tilespmem:s5+$0x10] =	vst v14  }
0x23c: {  	v14 =	vadd.s32 v0, v10;
	[tilespmem:s19+$0xFFFFFFC0] =	vst v16;
	v16 =	vld.idx.msk [tilespmem:v17+s26+$0x0], $0xffff  }
0x23d: {  	v17 =	vadd.s32 v3, v11;
	v13 =	vld.idx.msk [tilespmem:v13+s26+$0x0], $0xffff  }
0x23e: {  	v18 =	vld.idx.msk [tilespmem:v18+s26+$0x0], $0xffff;
	[tilespmem:s23+$0xFFFFFFE0] =	vst v15;
	v15 =	vadd.s32 v2, v8  }
0x23f: {  	v20 =	vadd.s32 v1, v9;
	v19 =	vld.idx.msk [tilespmem:v19+s26+$0x0], $0xffff  }
0x240: {  	s16 =	simm.s32 $0x180;
	v21 =	vadd.s32 v4, v12;
	s18 =	simm.s32 $0x100  }
0x241: {  	s6 =	sand.u32 $0x380, s16;
	s15 =	sand.u32 $0x1C00, s18;
	v14 =	vld.idx.msk [tilespmem:v14+s26+$0x0], $0xffff;
	[tilespmem:s5+$0x20] =	vst v16  }
0x242: {  	s15 =	sor.u32 s6, s15;
	[tilespmem:s19+$0xFFFFFFD0] =	vst v13;
	v13 =	vadd.s32 v1, v10;
	v16 =	vld.idx.msk [tilespmem:v17+s26+$0x0], $0xffff  }
0x243: {  	[tilespmem:s15+$0x13A00] =	vst v18;
	v15 =	vld.idx.msk [tilespmem:v15+s26+$0x0], $0xffff  }
0x244: {  	s20 =	simm.s32 $0x5;
	v17 =	vadd.s32 v4, v11;
	[tilespmem:s23+$0xFFFFFFF0] =	vst v19;
	v19 =	vld.idx.msk [tilespmem:v20+s26+$0x0], $0xffff  }
0x245: {  	s6 =	simm.s32 $0x13C40;
	v18 =	vadd.s32 v3, v8;
	v20 =	vld.idx.msk [tilespmem:v21+s26+$0x0], $0xffff;
	v21 =	vmov s20  }
0x246: {  	v22 =	vadd.s32 v2, v9;
	[tilespmem:s6+$0xFFFFFFC0] =	vst v14;
	v14 =	vand.u32 $0x3F, v21  }
0x247: {  	s21 =	simm.s32 $0x6;
	v24 =	vld.idx.msk [tilespmem:v13+s26+$0x0], $0xffff;
	v25 =	vadd.s32 v0, v14  }
0x248: {  	v23 =	vadd.s32 v5, v12;
	v21 =	vmov s21;
	[tilespmem:s5+$0x30] =	vst v16  }
0x249: {  	s15 =	sadd.s32 $0x13A00, s15;
	v13 =	vand.u32 $0x3E, v21;
	[tilespmem:s19+$0xFFFFFFE0] =	vst v15;
	v15 =	vld.idx.msk [tilespmem:v17+s26+$0x0], $0xffff  }
0x24a: {  	v16 =	vadd.s32 v0, v13;
	v17 =	vld.idx.msk [tilespmem:v18+s26+$0x0], $0xffff;
	[tilespmem:s15+$0x10] =	vst v19  }
0x24b: {  	v18 =	vadd.s32 v5, v11;
	[tilespmem:s23+$0x0] =	vst v20;
	v19 =	vld.idx.msk [tilespmem:v22+s26+$0x0], $0xffff  }
0x24c: {  	[tilespmem:s6+$0xFFFFFFD0] =	vst v24;
	v24 =	vld.idx.msk [tilespmem:v25+s26+$0x0], $0xffff;
	v25 =	vadd.s32 v4, v8  }
0x24d: {  	v21 =	vadd.s32 v2, v10;
	v22 =	vld.idx.msk [tilespmem:v23+s26+$0x0], $0xffff  }
0x24e: {  	v23 =	vadd.s32 v3, v9  }
0x24f: {  	v27 =	vadd.s32 v6, v12;
	v16 =	vld.idx.msk [tilespmem:v16+s26+$0x0], $0xffff;
	[tilespmem:s5+$0x40] =	vst v15  }
0x250: {  	v26 =	vadd.s32 v1, v14;
	[tilespmem:s19+$0xFFFFFFF0] =	vst v17;
	v20 =	vld.idx.msk [tilespmem:v18+s26+$0x0], $0xffff  }
0x251: {  	s24 =	simm.s32 $0x200;
	s20 =	simm.s32 $0x280;
	[tilespmem:s15+$0x20] =	vst v19;
	v17 =	vld.idx.msk [tilespmem:v25+s26+$0x0], $0xffff;
	v25 =	vadd.s32 v1, v13  }
0x252: {  	s16 =	sand.u32 $0x1C00, s24;
	s25 =	sand.u32 $0x380, s20;
	v21 =	vld.idx.msk [tilespmem:v21+s26+$0x0], $0xffff;
	[tilespmem:s23+$0x10] =	vst v22;
	v22 =	vadd.s32 v6, v11  }
0x253: {  	s16 =	sor.u32 s25, s16;
	v18 =	vadd.s32 v3, v10;
	v15 =	vld.idx.msk [tilespmem:v23+s26+$0x0], $0xffff  }
0x254: {  	s18 =	simm.s32 $0x13D40;
	v19 =	vadd.s32 v4, v9;
	[tilespmem:s16+$0x13A00] =	vst v24;
	v23 =	vld.idx.msk [tilespmem:v27+s26+$0x0], $0xffff  }
0x255: {  	s24 =	simm.s32 $0x8;
	s21 =	simm.s32 $0x7;
	v24 =	vld.idx.msk [tilespmem:v26+s26+$0x0], $0xffff;
	[tilespmem:s18+$0xFFFFFFC0] =	vst v16;
	v16 =	vadd.s32 v5, v8  }
.LBB2_17:
0x256: {  	p1 =	slt.u32 s24, $0x3E;
	v25 =	vld.idx.msk [tilespmem:v25+s26+$0x0], $0xffff;
	v26 =	vmov s21;
	v27 =	vadd.s32 v2, v14;
	[tilespmem:s5+$0x50] =	vst v20  }
0x257: {  	v20 =	vand.u32 $0x3F, v26;
	[tilespmem:s6+$0xFFFFFFE0] =	vst v21;
	v21 =	vadd.s32 v7, v12;
	v22 =	vld.idx.msk [tilespmem:v22+s26+$0x0], $0xffff;
	v12 =	vmovc v8;
	v8 =	vmov v10  }
0x258: {  	v26 =	vmov s24;
	v10 =	vmov v13;
	v28 =	vadd.s32 v0, v20;
	v18 =	vld.idx.msk [tilespmem:v18+s26+$0x0], $0xffff;
	[tilespmem:s15+$0x30] =	vst v15  }
0x259: {  	s21 =	sadd.s32 $0x13A00, s16;
	v13 =	vand.u32 $0x3E, v26;
	[tilespmem:s19+$0x0] =	vst v17;
	v15 =	vld.idx.msk [tilespmem:v19+s26+$0x0], $0xffff;
	v17 =	vadd.s32 v7, v11;
	v11 =	vmovc v9;
	v9 =	vmov v14  }
0x25a: {  	v19 =	vadd.s32 v0, v13;
	v14 =	vmov v20;
	[tilespmem:s21+$0x10] =	vst v24;
	v16 =	vld.idx.msk [tilespmem:v16+s26+$0x0], $0xffff  }
0x25b: {  	v20 =	vadd.s32 v5, v11;
	v24 =	vld.idx.msk [tilespmem:v27+s26+$0x0], $0xffff;
	[tilespmem:s23+$0x20] =	vst v23  }
0x25c: {  	v23 =	vadd.s32 v2, v10;
	[tilespmem:s18+$0xFFFFFFD0] =	vst v25;
	v26 =	vld.idx.msk [tilespmem:v21+s26+$0x0], $0xffff  }
0x25d: {  	v27 =	vld.idx.msk [tilespmem:v28+s26+$0x0], $0xffff;
	v28 =	vadd.s32 v3, v9;
	[tilespmem:s5+$0x60] =	vst v22  }
0x25e: {  	v29 =	vadd.s32 v4, v8;
	[tilespmem:s6+$0xFFFFFFF0] =	vst v18;
	v30 =	vld.idx.msk [tilespmem:v17+s26+$0x0], $0xffff  }
0x25f: {  	s20 =	sadd.s32 $0x100, s20;
	v31 =	vld.idx.msk [tilespmem:v19+s26+$0x0], $0xffff;
	v19 =	vadd.s32 v1, v14;
	[tilespmem:s15+$0x40] =	vst v15  }
0x260: {  	s16 =	sadd.s32 $0xFFFFFF80, s20;
	v32 =	vadd.s32 v6, v12;
	[tilespmem:s19+$0x10] =	vst v16;
	v20 =	vld.idx.msk [tilespmem:v20+s26+$0x0], $0xffff  }
.Ltmp8:
0x261: {  	s25 =	sand.u32 $0x380, s20;
	s16 =	sand.u32 $0x1C00, s16;
	v25 =	vadd.s32 v1, v13;
	v21 =	vld.idx.msk [tilespmem:v23+s26+$0x0], $0xffff;
	[tilespmem:s21+$0x20] =	vst v24;
	(pc) =	sbr.rel @p1 .LBB2_17-.Ltmp8, $4  }
0x262: {  	s16 =	sor.u32 s25, s16;
	v22 =	vadd.s32 v6, v11;
	v15 =	vld.idx.msk [tilespmem:v28+s26+$0x0], $0xffff;
	[tilespmem:s23+$0x30] =	vst v26;
	s23 =	smov.u32 s19;
	s19 =	smov.u32 s6  }
0x263: {  	v18 =	vadd.s32 v3, v10;
	s6 =	smov.u32 s18;
	[tilespmem:s16+$0x13A00] =	vst v27;
	v17 =	vld.idx.msk [tilespmem:v29+s26+$0x0], $0xffff  }
0x264: {  	s18 =	sadd.s32 $0x100, s18;
	v24 =	vld.idx.msk [tilespmem:v19+s26+$0x0], $0xffff;
	v19 =	vadd.s32 v4, v9;
	[tilespmem:s5+$0x70] =	vst v30;
	s5 =	smov.u32 s15;
	s15 =	smov.u32 s21  }
0x265: {  	v16 =	vadd.s32 v5, v8;
	s21 =	sadd.s32 $0x1, s24;
	s24 =	sadd.s32 $0x2, s24;
	[tilespmem:s18+$0xFFFFFFC0] =	vst v31;
	v23 =	vld.idx.msk [tilespmem:v32+s26+$0x0], $0xffff  }
0x266: {  	v26 =	vmov s21  }
0x267: {  	v26 =	vand.u32 $0x3F, v26  }
0x268: {  	v27 =	vadd.s32 v0, v26;
	_ =	sdelay $0x4  }
0x269: {  	v27 =	vld.idx.msk [tilespmem:v27+s26+$0x0], $0xffff  }
0x26a: {  	s20 =	sadd.s32 $0x100, s20;
	v28 =	vadd.s32 v1, v26  }
0x26b: {  	s25 =	sadd.s32 $0xFFFFFF80, s20  }
0x26c: {  	s20 =	sand.u32 $0x380, s20;
	s21 =	sand.u32 $0x1C00, s25  }
0x26d: {  	s20 =	sor.u32 s20, s21  }
0x26e: {  	v25 =	vld.idx.msk [tilespmem:v25+s26+$0x0], $0xffff;
	v29 =	vadd.s32 v2, v14;
	[tilespmem:s20+$0x13A00] =	vst v27  }
0x26f: {  	v54 =	vadd.s32 v2, v13;
	v28 =	vld.idx.msk [tilespmem:v28+s26+$0x0], $0xffff  }
0x270: {  	[tilespmem:s5+$0x50] =	vst v20;
	v20 =	vadd.s32 v2, v26  }
0x271: {  	[tilespmem:s6+$0xFFFFFFE0] =	vst v21;
	s24 =	sadd.s32 $0x13A00, s16  }
0x272: {  	[tilespmem:s24+$0x10] =	vst v24  }
0x273: {  	v55 =	vld.idx.msk [tilespmem:v29+s26+$0x0], $0xffff;
	[tilespmem:s18+$0xFFFFFFD0] =	vst v25;
	s20 =	sadd.s32 $0x13A00, s20  }
0x274: {  	v56 =	vadd.s32 v3, v14;
	v25 =	vld.idx.msk [tilespmem:v54+s26+$0x0], $0xffff;
	[tilespmem:s20+$0x10] =	vst v28  }
0x275: {  	[tilespmem:s15+$0x30] =	vst v15;
	v15 =	vadd.s32 v3, v13;
	v20 =	vld.idx.msk [tilespmem:v20+s26+$0x0], $0xffff  }
0x276: {  	v22 =	vld.idx.msk [tilespmem:v22+s26+$0x0], $0xffff;
	[tilespmem:s19+$0x0] =	vst v17;
	v17 =	vadd.s32 v3, v26  }
0x277: {  	v18 =	vld.idx.msk [tilespmem:v18+s26+$0x0], $0xffff;
	[tilespmem:s23+$0x20] =	vst v23  }
0x278: {  	v12 =	vadd.s32 v7, v12;
	v19 =	vld.idx.msk [tilespmem:v19+s26+$0x0], $0xffff;
	[tilespmem:s24+$0x20] =	vst v55  }
0x279: {  	v57 =	vadd.s32 v4, v10;
	v58 =	vld.idx.msk [tilespmem:v56+s26+$0x0], $0xffff;
	[tilespmem:s18+$0xFFFFFFE0] =	vst v25  }
0x27a: {  	v59 =	vadd.s32 v4, v14;
	v15 =	vld.idx.msk [tilespmem:v15+s26+$0x0], $0xffff;
	[tilespmem:s20+$0x20] =	vst v20  }
0x27b: {  	[tilespmem:s5+$0x60] =	vst v22;
	v20 =	vadd.s32 v4, v13;
	v17 =	vld.idx.msk [tilespmem:v17+s26+$0x0], $0xffff  }
0x27c: {  	v16 =	vld.idx.msk [tilespmem:v16+s26+$0x0], $0xffff;
	[tilespmem:s6+$0xFFFFFFF0] =	vst v18;
	v18 =	vadd.s32 v4, v26  }
0x27d: {  	v11 =	vadd.s32 v7, v11;
	v12 =	vld.idx.msk [tilespmem:v12+s26+$0x0], $0xffff;
	[tilespmem:s15+$0x40] =	vst v19  }
0x27e: {  	v19 =	vadd.s32 v5, v9;
	v21 =	vld.idx.msk [tilespmem:v57+s26+$0x0], $0xffff;
	[tilespmem:s24+$0x30] =	vst v58  }
0x27f: {  	v60 =	vadd.s32 v5, v10;
	v23 =	vld.idx.msk [tilespmem:v59+s26+$0x0], $0xffff;
	[tilespmem:s18+$0xFFFFFFF0] =	vst v15  }
0x280: {  	v15 =	vadd.s32 v5, v14;
	v20 =	vld.idx.msk [tilespmem:v20+s26+$0x0], $0xffff;
	[tilespmem:s20+$0x30] =	vst v17  }
0x281: {  	[tilespmem:s19+$0x10] =	vst v16;
	v16 =	vadd.s32 v5, v13;
	v17 =	vld.idx.msk [tilespmem:v18+s26+$0x0], $0xffff  }
0x282: {  	v11 =	vld.idx.msk [tilespmem:v11+s26+$0x0], $0xffff;
	[tilespmem:s23+$0x30] =	vst v12;
	v12 =	vadd.s32 v5, v26  }
0x283: {  	v19 =	vld.idx.msk [tilespmem:v19+s26+$0x0], $0xffff;
	[tilespmem:s6+$0x0] =	vst v21;
	v18 =	vadd.s32 v6, v8  }
0x284: {  	v61 =	vadd.s32 v6, v9;
	v22 =	vld.idx.msk [tilespmem:v60+s26+$0x0], $0xffff;
	[tilespmem:s24+$0x40] =	vst v23  }
0x285: {  	v62 =	vadd.s32 v6, v10;
	v15 =	vld.idx.msk [tilespmem:v15+s26+$0x0], $0xffff;
	[tilespmem:s18+$0x0] =	vst v20  }
0x286: {  	v20 =	vadd.s32 v6, v14;
	v16 =	vld.idx.msk [tilespmem:v16+s26+$0x0], $0xffff;
	[tilespmem:s20+$0x40] =	vst v17  }
0x287: {  	[tilespmem:s5+$0x70] =	vst v11;
	v11 =	vadd.s32 v6, v13;
	v12 =	vld.idx.msk [tilespmem:v12+s26+$0x0], $0xffff  }
0x288: {  	[tilespmem:s15+$0x50] =	vst v19;
	v17 =	vld.idx.msk [tilespmem:v18+s26+$0x0], $0xffff;
	v18 =	vadd.s32 v6, v26  }
0x289: {  	v19 =	vld.idx.msk [tilespmem:v61+s26+$0x0], $0xffff;
	[tilespmem:s6+$0x10] =	vst v22;
	v8 =	vadd.s32 v7, v8  }
0x28a: {  	v9 =	vadd.s32 v7, v9;
	v63 =	vld.idx.msk [tilespmem:v62+s26+$0x0], $0xffff;
	[tilespmem:s24+$0x50] =	vst v15  }
0x28b: {  	v10 =	vadd.s32 v7, v10;
	v15 =	vld.idx.msk [tilespmem:v20+s26+$0x0], $0xffff;
	[tilespmem:s18+$0x10] =	vst v16  }
0x28c: {  	v14 =	vadd.s32 v7, v14;
	v11 =	vld.idx.msk [tilespmem:v11+s26+$0x0], $0xffff;
	[tilespmem:s20+$0x50] =	vst v12  }
0x28d: {  	[tilespmem:s19+$0x20] =	vst v17;
	v12 =	vadd.s32 v7, v13;
	v13 =	vld.idx.msk [tilespmem:v18+s26+$0x0], $0xffff  }
0x28e: {  	[tilespmem:s15+$0x60] =	vst v19;
	v16 =	vadd.s32 v7, v26;
	v8 =	vld.idx.msk [tilespmem:v8+s26+$0x0], $0xffff  }
0x28f: {  	v9 =	vld.idx.msk [tilespmem:v9+s26+$0x0], $0xffff;
	[tilespmem:s6+$0x20] =	vst v63  }
0x290: {  	v10 =	vld.idx.msk [tilespmem:v10+s26+$0x0], $0xffff;
	[tilespmem:s24+$0x60] =	vst v15  }
0x291: {  	v14 =	vld.idx.msk [tilespmem:v14+s26+$0x0], $0xffff;
	[tilespmem:s18+$0x20] =	vst v11  }
0x292: {  	v11 =	vld.idx.msk [tilespmem:v12+s26+$0x0], $0xffff;
	[tilespmem:s20+$0x60] =	vst v13  }
0x293: {  	[tilespmem:s19+$0x30] =	vst v8;
	v8 =	vld.idx.msk [tilespmem:v16+s26+$0x0], $0xffff  }
0x294: {  	[tilespmem:s15+$0x70] =	vst v9  }
0x295: {  	s1 =	sshll.u32 s1, $0x12;
	[tilespmem:s6+$0x30] =	vst v10  }
0x296: {  	s1 =	sor.u32 s7, s1;
	[tilespmem:s24+$0x70] =	vst v14  }
0x297: {  	s1 =	sshrl.u32 s1, $0x3;
	[tilespmem:s18+$0x30] =	vst v11  }
0x298: {  	s18 =	sadd.s32 s2, s1;
	[tilespmem:s20+$0x70] =	vst v8  }
0x299: {  	[hbm4b:s18+s3] =	stream.linear.scatter [tilespmem:s28], [sflag:$0x5], $0x400, $0x38;
	[tilespmem:$0x17A00] =	vst v63  }
0x29a: {  	s19 =	sadd.s32 s1, s8;
	s20 =	simm.s32 $0x13E00  }
0x29b: {  	[hbm4b:s19+s3] =	stream.linear.scatter [tilespmem:s20], [sflag:$0x5], $0x400, $0x38;
	[tilespmem:$0x17A00] =	vst v63  }
0x29c: {  	s21 =	sadd.s32 s1, s9;
	s23 =	simm.s32 $0x14200  }
0x29d: {  	[hbm4b:s21+s3] =	stream.linear.scatter [tilespmem:s23], [sflag:$0x5], $0x400, $0x38;
	[tilespmem:$0x17A00] =	vst v63  }
0x29e: {  	s25 =	simm.s32 $0x14600;
	s24 =	sadd.s32 s1, s10  }
0x29f: {  	[hbm4b:s24+s3] =	stream.linear.scatter [tilespmem:s25], [sflag:$0x5], $0x400, $0x38;
	[tilespmem:$0x17A00] =	vst v63  }
0x2a0: {  	s16 =	simm.s32 $0x14A00;
	s15 =	sadd.s32 s1, s11  }
0x2a1: {  	[hbm4b:s15+s3] =	stream.linear.scatter [tilespmem:s16], [sflag:$0x5], $0x400, $0x38;
	[tilespmem:$0x17A00] =	vst v63  }
0x2a2: {  	s18 =	sadd.s32 s1, s12;
	s19 =	simm.s32 $0x14E00  }
0x2a3: {  	[hbm4b:s18+s3] =	stream.linear.scatter [tilespmem:s19], [sflag:$0x5], $0x400, $0x38;
	[tilespmem:$0x17A00] =	vst v63  }
0x2a4: {  	s20 =	sadd.s32 s1, s13;
	s21 =	simm.s32 $0x15200  }
0x2a5: {  	[hbm4b:s20+s3] =	stream.linear.scatter [tilespmem:s21], [sflag:$0x5], $0x400, $0x38;
	[tilespmem:$0x17A00] =	vst v63  }
0x2a6: {  	s1 =	sadd.s32 s1, s14;
	s23 =	simm.s32 $0x15600  }
0x2a7: {  	[hbm4b:s1+s3] =	stream.linear.scatter [tilespmem:s23], [sflag:$0x5], $0x400, $0x38;
	[tilespmem:$0x17A00] =	vst v63  }
0x2a8: {  	s5 =	simm.s32 @!p0 $0x80;
	s6 =	simm.s32 @!p0 $0xD600;
	s1 =	sadd.s32 @!p0 $0x300, s17  }
0x2a9: {  	[tilespmem:s6], [sflag:$0x3] =	stream.indirect.gather @!p0 [hbm4b:s4+s5], $0x40, s1, s5, $0xb8;
	[tilespmem:$0x17A00] =	vst v63  }
0x2aa: {  	_ =	swait.ge [sflag:s30], $0x2000  }
0x2ab: {  	[sflag:s30] =	ssyncset.done $0x0  }
0x2ac: {  	[sflag:s30] =	ssyncadd.s32 $0xFFFFE000  }
0x2ad: {  	_ =	swait.ge [sflag:s22], $0x400  }
0x2ae: {  	[sflag:s22] =	ssyncset.done $0x0  }
0x2af: {  	[sflag:s22] =	ssyncadd.s32 $0xFFFFFC00  }
0x2b0: {  	_ =	swait.ge [sflag:s22], $0x400  }
0x2b1: {  	[sflag:s22] =	ssyncset.done $0x0  }
0x2b2: {  	[sflag:s22] =	ssyncadd.s32 $0xFFFFFC00  }
0x2b3: {  	_ =	swait.ge [sflag:s22], $0x400  }
0x2b4: {  	[sflag:s22] =	ssyncset.done $0x0  }
0x2b5: {  	[sflag:s22] =	ssyncadd.s32 $0xFFFFFC00  }
0x2b6: {  	_ =	swait.ge [sflag:s22], $0x400  }
0x2b7: {  	[sflag:s22] =	ssyncset.done $0x0  }
0x2b8: {  	[sflag:s22] =	ssyncadd.s32 $0xFFFFFC00  }
0x2b9: {  	_ =	swait.ge [sflag:s22], $0x400  }
0x2ba: {  	[sflag:s22] =	ssyncset.done $0x0  }
0x2bb: {  	[sflag:s22] =	ssyncadd.s32 $0xFFFFFC00  }
0x2bc: {  	_ =	swait.ge [sflag:s22], $0x400  }
0x2bd: {  	[sflag:s22] =	ssyncset.done $0x0  }
0x2be: {  	[sflag:s22] =	ssyncadd.s32 $0xFFFFFC00  }
0x2bf: {  	_ =	swait.ge [sflag:s22], $0x400  }
0x2c0: {  	[sflag:s22] =	ssyncset.done $0x0  }
0x2c1: {  	[sflag:s22] =	ssyncadd.s32 $0xFFFFFC00  }
0x2c2: {  	_ =	swait.ge [sflag:s22], $0x400  }
0x2c3: {  	s24 =	sshll.u32 s0, $0x6;
	[sflag:s22] =	ssyncset.done $0x0  }
0x2c4: {  	s1 =	sand.u32 $0x3FFFFFC0, s24;
	[sflag:s22] =	ssyncadd.s32 $0xFFFFFC00  }
0x2c5: {  	s25 =	simm.s32 $0xF640;
	v11 =	vld [tilespmem:s1+$0x6400]  }
0x2c6: {  	v8 =	vld [tilespmem:s25+$0x0];
	_ =	sdelay $0x2  }
0x2c7: {  	v10 =	vld [tilespmem:s1+$0x6410]  }
0x2c8: {  	v12 =	vld [tilespmem:s25+$0xFFFFFFC0]  }
0x2c9: {  	v9 =	vld [tilespmem:s1+$0x6420];
	v13 =	vadd.f32 v8, v11  }
0x2ca: {  	s6 =	simm.s32 $0xF6C0;
	v8 =	vld [tilespmem:s1+$0x6430];
	s1 =	simm.s32 $0x11648  }
0x2cb: {  	[tilespmem:s1+$0x0] =	vst v13;
	v13 =	vld [tilespmem:s6+$0x0]  }
0x2cc: {  	v14 =	vld [tilespmem:s25+$0x10]  }
0x2cd: {  	v12 =	vadd.f32 v12, v11;
	_ =	sdelay $0x1  }
0x2ce: {  	[tilespmem:s1+$0xFFFFFFB8] =	vst v12;
	v12 =	vld [tilespmem:s6+$0xFFFFFFC0]  }
0x2cf: {  	v15 =	vld [tilespmem:s25+$0xFFFFFFD0];
	v13 =	vadd.f32 v13, v11  }
0x2d0: {  	s17 =	simm.s32 $0xF740;
	s5 =	simm.s32 $0x116D8;
	v14 =	vadd.f32 v14, v10  }
0x2d1: {  	[tilespmem:s5+$0x0] =	vst v13;
	v13 =	vld [tilespmem:s17+$0x0]  }
0x2d2: {  	[tilespmem:s1+$0x10] =	vst v14;
	v14 =	vld [tilespmem:s6+$0x10]  }
0x2d3: {  	v12 =	vadd.f32 v12, v11;
	v16 =	vld [tilespmem:s25+$0x20]  }
0x2d4: {  	v15 =	vadd.f32 v15, v10  }
0x2d5: {  	[tilespmem:s5+$0xFFFFFFB8] =	vst v12;
	v12 =	vld [tilespmem:s17+$0xFFFFFFC0]  }
0x2d6: {  	[tilespmem:s1+$0xFFFFFFC8] =	vst v15;
	v15 =	vld [tilespmem:s6+$0xFFFFFFD0];
	v13 =	vadd.f32 v13, v11  }
0x2d7: {  	s15 =	simm.s32 $0x11768;
	s18 =	simm.s32 $0xF7C0;
	v17 =	vld [tilespmem:s25+$0xFFFFFFE0];
	v14 =	vadd.f32 v14, v10  }
0x2d8: {  	[tilespmem:s15+$0x0] =	vst v13;
	v13 =	vadd.f32 v16, v9;
	v16 =	vld [tilespmem:s18+$0x0]  }
0x2d9: {  	[tilespmem:s5+$0x10] =	vst v14;
	v18 =	vld [tilespmem:s17+$0x10]  }
0x2da: {  	v14 =	vadd.f32 v12, v11;
	[tilespmem:s1+$0x20] =	vst v13;
	v13 =	vld [tilespmem:s6+$0x20]  }
0x2db: {  	v19 =	vadd.f32 v15, v10;
	v12 =	vld [tilespmem:s25+$0x30]  }
0x2dc: {  	v15 =	vld [tilespmem:s18+$0xFFFFFFC0];
	[tilespmem:s15+$0xFFFFFFB8] =	vst v14;
	v14 =	vadd.f32 v17, v9  }
0x2dd: {  	[tilespmem:s5+$0xFFFFFFC8] =	vst v19;
	v17 =	vadd.f32 v16, v11;
	v16 =	vld [tilespmem:s17+$0xFFFFFFD0]  }
0x2de: {  	s16 =	simm.s32 $0x117F8;
	[tilespmem:s1+$0xFFFFFFD8] =	vst v14;
	v14 =	vld [tilespmem:s6+$0xFFFFFFE0];
	v18 =	vadd.f32 v18, v10  }
0x2df: {  	s19 =	simm.s32 $0x117F8;
	s20 =	simm.s32 $0x6;
	s21 =	simm.s32 $0xF840;
	[tilespmem:s16+$0x0] =	vst v17;
	v17 =	vadd.f32 v13, v9;
	v13 =	vld [tilespmem:s25+$0xFFFFFFF0]  }
.LBB2_19:
0x2e0: {  	v19 =	vld [tilespmem:s21+$0x0];
	[tilespmem:s15+$0x10] =	vst v18;
	v12 =	vadd.f32 v12, v8;
	s23 =	smov.u32 s6;
	s6 =	smov.u32 s17;
	s17 =	smov.u32 s18  }
0x2e1: {  	s18 =	smov.u32 s21;
	s20 =	sadd.s32 $0x2, s20;
	v15 =	vadd.f32 v15, v11;
	v18 =	vld [tilespmem:s17+$0x10];
	[tilespmem:s5+$0x20] =	vst v17  }
0x2e2: {  	p0 =	slt.u32 s20, $0x7E;
	v16 =	vadd.f32 v16, v10;
	v17 =	vld [tilespmem:s6+$0x20];
	[tilespmem:s1+$0x30] =	vst v12  }
.Ltmp9:
0x2e3: {  	[tilespmem:s16+$0xFFFFFFB8] =	vst v15;
	v14 =	vadd.f32 v14, v9;
	v12 =	vld [tilespmem:s23+$0x30];
	(pc) =	sbr.rel @p0 .LBB2_19-.Ltmp9, $4  }
0x2e4: {  	v15 =	vld [tilespmem:s21+$0xFFFFFFC0];
	[tilespmem:s15+$0xFFFFFFC8] =	vst v16;
	v13 =	vadd.f32 v13, v8  }
0x2e5: {  	v19 =	vadd.f32 v19, v11;
	v16 =	vld [tilespmem:s17+$0xFFFFFFD0];
	[tilespmem:s5+$0xFFFFFFD8] =	vst v14  }
0x2e6: {  	s16 =	sadd.s32 $0x90, s16;
	v18 =	vadd.f32 v18, v10;
	v14 =	vld [tilespmem:s6+$0xFFFFFFE0];
	[tilespmem:s1+$0xFFFFFFE8] =	vst v13;
	s1 =	smov.u32 s5;
	s5 =	smov.u32 s15  }
0x2e7: {  	s21 =	sadd.s32 $0x80, s21;
	s15 =	smov.u32 s19;
	s19 =	smov.u32 s16;
	[tilespmem:s16+$0x0] =	vst v19;
	v17 =	vadd.f32 v17, v9;
	v13 =	vld [tilespmem:s23+$0xFFFFFFF0]  }
0x2e8: {  	_ = 	snop  }
0x2e9: {  	v11 =	vadd.f32 v15, v11;
	_ =	sdelay $0x1  }
0x2ea: {  	v15 =	vld [tilespmem:s18+$0x10];
	[tilespmem:s16+$0xFFFFFFB8] =	vst v11  }
0x2eb: {  	v11 =	vld [tilespmem:s18+$0xFFFFFFD0];
	_ =	sdelay $0x2  }
0x2ec: {  	v16 =	vadd.f32 v16, v10  }
0x2ed: {  	[tilespmem:s15+$0x10] =	vst v18;
	v15 =	vadd.f32 v15, v10  }
0x2ee: {  	v18 =	vld [tilespmem:s17+$0x20];
	[tilespmem:s15+$0xFFFFFFC8] =	vst v16;
	v10 =	vadd.f32 v11, v10  }
0x2ef: {  	[tilespmem:s19+$0x10] =	vst v15;
	v11 =	vld [tilespmem:s17+$0xFFFFFFE0]  }
0x2f0: {  	v15 =	vld [tilespmem:s18+$0x20];
	[tilespmem:s19+$0xFFFFFFC8] =	vst v10  }
0x2f1: {  	v10 =	vld [tilespmem:s18+$0xFFFFFFE0]  }
0x2f2: {  	v14 =	vadd.f32 v14, v9  }
0x2f3: {  	[tilespmem:s5+$0x20] =	vst v17;
	v16 =	vadd.f32 v18, v9  }
0x2f4: {  	v17 =	vld [tilespmem:s6+$0x30];
	[tilespmem:s5+$0xFFFFFFD8] =	vst v14;
	v11 =	vadd.f32 v11, v9  }
0x2f5: {  	v14 =	vld [tilespmem:s6+$0xFFFFFFF0];
	[tilespmem:s15+$0x20] =	vst v16;
	v15 =	vadd.f32 v15, v9  }
0x2f6: {  	v16 =	vld [tilespmem:s17+$0x30];
	[tilespmem:s15+$0xFFFFFFD8] =	vst v11;
	v9 =	vadd.f32 v10, v9  }
0x2f7: {  	[tilespmem:s19+$0x20] =	vst v15;
	v10 =	vadd.f32 v12, v8;
	v11 =	vld [tilespmem:s17+$0xFFFFFFF0]  }
0x2f8: {  	v12 =	vadd.f32 v13, v8;
	v13 =	vld [tilespmem:s18+$0x30];
	[tilespmem:s19+$0xFFFFFFD8] =	vst v9  }
0x2f9: {  	s24 =	simm.s32 $0x0;
	[tilespmem:s1+$0x30] =	vst v10;
	v9 =	vadd.f32 v17, v8;
	v10 =	vld [tilespmem:s18+$0xFFFFFFF0]  }
0x2fa: {  	[tilespmem:s1+$0xFFFFFFE8] =	vst v12;
	v12 =	vadd.f32 v14, v8;
	v14 =	vmov s24  }
0x2fb: {  	v14 =	vand.u32 $0x3E, v14;
	[tilespmem:s5+$0x30] =	vst v9;
	v9 =	vadd.f32 v16, v8  }
0x2fc: {  	s25 =	simm.s32 $0x1;
	[tilespmem:s5+$0xFFFFFFE8] =	vst v12;
	v12 =	vadd.s32 v0, v14;
	v11 =	vadd.f32 v11, v8  }
0x2fd: {  	[tilespmem:s15+$0x30] =	vst v9;
	v9 =	vadd.f32 v13, v8;
	v13 =	vmov s25  }
0x2fe: {  	[tilespmem:s15+$0xFFFFFFE8] =	vst v11;
	v11 =	vand.u32 $0x3F, v13;
	v8 =	vadd.f32 v10, v8  }
0x2ff: {  	[tilespmem:s19+$0x30] =	vst v9;
	v9 =	vadd.s32 v0, v11  }
0x300: {  	[tilespmem:s19+$0xFFFFFFE8] =	vst v8  }
0x301: {  	v10 =	vld.idx.msk [tilespmem:v12+s26+$0x0], $0xffff  }
0x302: {  	v12 =	vadd.s32 v1, v14  }
0x303: {  	s5 =	simm.s32 $0x2  }
0x304: {  	v8 =	vmov s5;
	v9 =	vld.idx.msk [tilespmem:v9+s26+$0x0], $0xffff  }
0x305: {  	s15 =	simm.s32 $0x15A40;
	v13 =	vadd.s32 v1, v11;
	v8 =	vand.u32 $0x3E, v8  }
0x306: {  	s16 =	simm.s32 $0x0;
	s6 =	simm.s32 $0x80;
	[tilespmem:s15+$0xFFFFFFC0] =	vst v10;
	v10 =	vadd.s32 v0, v8  }
0x307: {  	s1 =	sand.u32 $0x380, s6;
	s5 =	sand.u32 $0x1C00, s16;
	v12 =	vld.idx.msk [tilespmem:v12+s26+$0x0], $0xffff  }
0x308: {  	v15 =	vadd.s32 v2, v14;
	s1 =	sor.u32 s1, s5  }
0x309: {  	[tilespmem:s1+$0x15A00] =	vst v9  }
0x30a: {  	s17 =	simm.s32 $0x3;
	v13 =	vld.idx.msk [tilespmem:v13+s26+$0x0], $0xffff  }
0x30b: {  	v17 =	vadd.s32 v2, v11;
	v9 =	vmov s17;
	v16 =	vld.idx.msk [tilespmem:v10+s26+$0x0], $0xffff  }
0x30c: {  	v9 =	vand.u32 $0x3F, v9;
	[tilespmem:s15+$0xFFFFFFD0] =	vst v12;
	v12 =	vadd.s32 v1, v8  }
0x30d: {  	s18 =	simm.s32 $0x4;
	v18 =	vadd.s32 v0, v9;
	v15 =	vld.idx.msk [tilespmem:v15+s26+$0x0], $0xffff  }
0x30e: {  	v19 =	vadd.s32 v3, v14;
	s17 =	sadd.s32 $0x15A00, s1;
	v10 =	vmov s18  }
0x30f: {  	s1 =	simm.s32 $0x15B40;
	v10 =	vand.u32 $0x3E, v10;
	[tilespmem:s17+$0x10] =	vst v13  }
0x310: {  	v13 =	vadd.s32 v0, v10;
	[tilespmem:s1+$0xFFFFFFC0] =	vst v16;
	v16 =	vld.idx.msk [tilespmem:v17+s26+$0x0], $0xffff  }
0x311: {  	v17 =	vadd.s32 v3, v11;
	v12 =	vld.idx.msk [tilespmem:v12+s26+$0x0], $0xffff  }
0x312: {  	v18 =	vld.idx.msk [tilespmem:v18+s26+$0x0], $0xffff;
	[tilespmem:s15+$0xFFFFFFE0] =	vst v15;
	v15 =	vadd.s32 v2, v8  }
0x313: {  	v20 =	vadd.s32 v1, v9;
	v19 =	vld.idx.msk [tilespmem:v19+s26+$0x0], $0xffff  }
0x314: {  	s20 =	simm.s32 $0x100;
	v21 =	vadd.s32 v4, v14;
	s19 =	simm.s32 $0x180  }
0x315: {  	s6 =	sand.u32 $0x1C00, s20;
	s5 =	sand.u32 $0x380, s19;
	v13 =	vld.idx.msk [tilespmem:v13+s26+$0x0], $0xffff;
	[tilespmem:s17+$0x20] =	vst v16  }
0x316: {  	s6 =	sor.u32 s5, s6;
	[tilespmem:s1+$0xFFFFFFD0] =	vst v12;
	v12 =	vadd.s32 v1, v10;
	v16 =	vld.idx.msk [tilespmem:v17+s26+$0x0], $0xffff  }
0x317: {  	[tilespmem:s6+$0x15A00] =	vst v18;
	v15 =	vld.idx.msk [tilespmem:v15+s26+$0x0], $0xffff  }
0x318: {  	s21 =	simm.s32 $0x5;
	v17 =	vadd.s32 v4, v11;
	[tilespmem:s15+$0xFFFFFFF0] =	vst v19;
	v19 =	vld.idx.msk [tilespmem:v20+s26+$0x0], $0xffff  }
0x319: {  	s5 =	simm.s32 $0x15C40;
	v18 =	vadd.s32 v3, v8;
	v20 =	vld.idx.msk [tilespmem:v21+s26+$0x0], $0xffff;
	v21 =	vmov s21  }
0x31a: {  	s23 =	simm.s32 $0x6;
	v22 =	vadd.s32 v2, v9;
	[tilespmem:s5+$0xFFFFFFC0] =	vst v13;
	v13 =	vand.u32 $0x3F, v21  }
0x31b: {  	v21 =	vmov s23;
	v24 =	vld.idx.msk [tilespmem:v12+s26+$0x0], $0xffff;
	v25 =	vadd.s32 v0, v13  }
0x31c: {  	v23 =	vadd.s32 v5, v14;
	[tilespmem:s17+$0x30] =	vst v16;
	v12 =	vand.u32 $0x3E, v21  }
0x31d: {  	s6 =	sadd.s32 $0x15A00, s6;
	[tilespmem:s1+$0xFFFFFFE0] =	vst v15;
	v15 =	vld.idx.msk [tilespmem:v17+s26+$0x0], $0xffff;
	v16 =	vadd.s32 v0, v12  }
0x31e: {  	v17 =	vld.idx.msk [tilespmem:v18+s26+$0x0], $0xffff;
	[tilespmem:s6+$0x10] =	vst v19;
	v18 =	vadd.s32 v5, v11  }
0x31f: {  	[tilespmem:s15+$0x0] =	vst v20;
	v19 =	vld.idx.msk [tilespmem:v22+s26+$0x0], $0xffff;
	v20 =	vadd.s32 v2, v10  }
0x320: {  	[tilespmem:s5+$0xFFFFFFD0] =	vst v24;
	v24 =	vld.idx.msk [tilespmem:v25+s26+$0x0], $0xffff;
	v25 =	vadd.s32 v4, v8  }
0x321: {  	v22 =	vld.idx.msk [tilespmem:v23+s26+$0x0], $0xffff;
	v23 =	vadd.s32 v3, v9  }
0x322: {  	v26 =	vld.idx.msk [tilespmem:v16+s26+$0x0], $0xffff;
	[tilespmem:s17+$0x40] =	vst v15  }
0x323: {  	v28 =	vadd.s32 v6, v14;
	v21 =	vld.idx.msk [tilespmem:v18+s26+$0x0], $0xffff  }
0x324: {  	v27 =	vadd.s32 v1, v13;
	[tilespmem:s1+$0xFFFFFFF0] =	vst v17;
	v18 =	vld.idx.msk [tilespmem:v20+s26+$0x0], $0xffff  }
0x325: {  	s24 =	simm.s32 $0x200;
	s19 =	simm.s32 $0x280;
	[tilespmem:s6+$0x20] =	vst v19;
	v15 =	vld.idx.msk [tilespmem:v25+s26+$0x0], $0xffff;
	v25 =	vadd.s32 v1, v12  }
0x326: {  	s16 =	sand.u32 $0x1C00, s24;
	s25 =	sand.u32 $0x380, s19;
	v16 =	vld.idx.msk [tilespmem:v23+s26+$0x0], $0xffff;
	v23 =	vadd.s32 v6, v11  }
0x327: {  	s23 =	sor.u32 s25, s16;
	v20 =	vadd.s32 v3, v10;
	[tilespmem:s15+$0x10] =	vst v22  }
0x328: {  	s18 =	simm.s32 $0x15D40;
	v19 =	vadd.s32 v4, v9;
	[tilespmem:s23+$0x15A00] =	vst v24;
	v24 =	vld.idx.msk [tilespmem:v28+s26+$0x0], $0xffff  }
0x329: {  	s20 =	simm.s32 $0x8;
	s16 =	simm.s32 $0x7;
	v17 =	vadd.s32 v5, v8;
	v22 =	vld.idx.msk [tilespmem:v27+s26+$0x0], $0xffff;
	[tilespmem:s18+$0xFFFFFFC0] =	vst v26  }
.LBB2_21:
0x32a: {  	p0 =	slt.u32 s20, $0x3E;
	v25 =	vld.idx.msk [tilespmem:v25+s26+$0x0], $0xffff;
	v26 =	vmov s16;
	v27 =	vadd.s32 v2, v13;
	[tilespmem:s17+$0x50] =	vst v21  }
0x32b: {  	v21 =	vand.u32 $0x3F, v26;
	[tilespmem:s5+$0xFFFFFFE0] =	vst v18;
	v18 =	vadd.s32 v7, v14;
	v23 =	vld.idx.msk [tilespmem:v23+s26+$0x0], $0xffff;
	v14 =	vmovc v8;
	v8 =	vmov v10  }
0x32c: {  	v26 =	vmov s20;
	v10 =	vmov v12;
	v28 =	vadd.s32 v0, v21;
	v20 =	vld.idx.msk [tilespmem:v20+s26+$0x0], $0xffff;
	[tilespmem:s6+$0x30] =	vst v16  }
0x32d: {  	s16 =	sadd.s32 $0x15A00, s23;
	v12 =	vand.u32 $0x3E, v26;
	v16 =	vadd.s32 v7, v11;
	v11 =	vmovc v9;
	v9 =	vmov v13;
	[tilespmem:s1+$0x0] =	vst v15;
	v15 =	vld.idx.msk [tilespmem:v19+s26+$0x0], $0xffff  }
0x32e: {  	v13 =	vmov v21;
	v19 =	vadd.s32 v0, v12;
	[tilespmem:s16+$0x10] =	vst v22;
	v17 =	vld.idx.msk [tilespmem:v17+s26+$0x0], $0xffff  }
0x32f: {  	v21 =	vadd.s32 v5, v11;
	v22 =	vld.idx.msk [tilespmem:v27+s26+$0x0], $0xffff;
	[tilespmem:s15+$0x20] =	vst v24  }
0x330: {  	v24 =	vadd.s32 v2, v10;
	[tilespmem:s18+$0xFFFFFFD0] =	vst v25;
	v26 =	vld.idx.msk [tilespmem:v18+s26+$0x0], $0xffff  }
0x331: {  	v27 =	vld.idx.msk [tilespmem:v28+s26+$0x0], $0xffff;
	v28 =	vadd.s32 v3, v9;
	[tilespmem:s17+$0x60] =	vst v23  }
0x332: {  	v29 =	vadd.s32 v4, v8;
	[tilespmem:s5+$0xFFFFFFF0] =	vst v20;
	v30 =	vld.idx.msk [tilespmem:v16+s26+$0x0], $0xffff  }
0x333: {  	s19 =	sadd.s32 $0x100, s19;
	v31 =	vld.idx.msk [tilespmem:v19+s26+$0x0], $0xffff;
	v19 =	vadd.s32 v1, v13;
	[tilespmem:s6+$0x40] =	vst v15  }
0x334: {  	s21 =	sadd.s32 $0xFFFFFF80, s19;
	v32 =	vadd.s32 v6, v14;
	[tilespmem:s1+$0x10] =	vst v17;
	v21 =	vld.idx.msk [tilespmem:v21+s26+$0x0], $0xffff  }
.Ltmp10:
0x335: {  	s23 =	sand.u32 $0x380, s19;
	s21 =	sand.u32 $0x1C00, s21;
	v25 =	vadd.s32 v1, v12;
	v18 =	vld.idx.msk [tilespmem:v24+s26+$0x0], $0xffff;
	[tilespmem:s16+$0x20] =	vst v22;
	(pc) =	sbr.rel @p0 .LBB2_21-.Ltmp10, $4  }
0x336: {  	s23 =	sor.u32 s23, s21;
	v23 =	vadd.s32 v6, v11;
	v16 =	vld.idx.msk [tilespmem:v28+s26+$0x0], $0xffff;
	[tilespmem:s15+$0x30] =	vst v26;
	s15 =	smov.u32 s1;
	s1 =	smov.u32 s5  }
0x337: {  	v20 =	vadd.s32 v3, v10;
	s5 =	smov.u32 s18;
	[tilespmem:s23+$0x15A00] =	vst v27;
	v15 =	vld.idx.msk [tilespmem:v29+s26+$0x0], $0xffff  }
0x338: {  	s18 =	sadd.s32 $0x100, s18;
	v22 =	vld.idx.msk [tilespmem:v19+s26+$0x0], $0xffff;
	v19 =	vadd.s32 v4, v9;
	[tilespmem:s17+$0x70] =	vst v30;
	s17 =	smov.u32 s6;
	s6 =	smov.u32 s16  }
0x339: {  	v17 =	vadd.s32 v5, v8;
	s16 =	sadd.s32 $0x1, s20;
	s20 =	sadd.s32 $0x2, s20;
	[tilespmem:s18+$0xFFFFFFC0] =	vst v31;
	v24 =	vld.idx.msk [tilespmem:v32+s26+$0x0], $0xffff  }
0x33a: {  	v26 =	vmov s16  }
0x33b: {  	v26 =	vand.u32 $0x3F, v26  }
0x33c: {  	v27 =	vadd.s32 v0, v26;
	_ =	sdelay $0x4  }
0x33d: {  	v27 =	vld.idx.msk [tilespmem:v27+s26+$0x0], $0xffff  }
0x33e: {  	s24 =	sadd.s32 $0x100, s19;
	v28 =	vadd.s32 v1, v26  }
0x33f: {  	s19 =	sadd.s32 $0xFFFFFF80, s24  }
0x340: {  	s16 =	sand.u32 $0x380, s24;
	s19 =	sand.u32 $0x1C00, s19  }
0x341: {  	s16 =	sor.u32 s16, s19  }
0x342: {  	v25 =	vld.idx.msk [tilespmem:v25+s26+$0x0], $0xffff;
	v63 =	vadd.s32 v2, v13;
	[tilespmem:s16+$0x15A00] =	vst v27  }
0x343: {  	v32 =	vadd.s32 v2, v12;
	v28 =	vld.idx.msk [tilespmem:v28+s26+$0x0], $0xffff  }
0x344: {  	[tilespmem:s17+$0x50] =	vst v21;
	v33 =	vadd.s32 v2, v26  }
0x345: {  	v14 =	vadd.s32 v7, v14;
	s25 =	sadd.s32 $0x15A00, s23;
	[tilespmem:s5+$0xFFFFFFE0] =	vst v18  }
0x346: {  	v23 =	vld.idx.msk [tilespmem:v23+s26+$0x0], $0xffff;
	[tilespmem:s25+$0x10] =	vst v22  }
0x347: {  	v11 =	vadd.s32 v7, v11;
	s20 =	sadd.s32 $0x15A00, s16;
	v22 =	vld.idx.msk [tilespmem:v63+s26+$0x0], $0xffff;
	[tilespmem:s18+$0xFFFFFFD0] =	vst v25  }
0x348: {  	v34 =	vadd.s32 v3, v13;
	v21 =	vld.idx.msk [tilespmem:v32+s26+$0x0], $0xffff;
	[tilespmem:s20+$0x10] =	vst v28  }
0x349: {  	v35 =	vadd.s32 v3, v12;
	[tilespmem:s15+$0x20] =	vst v24;
	v24 =	vld.idx.msk [tilespmem:v33+s26+$0x0], $0xffff  }
0x34a: {  	[tilespmem:s6+$0x30] =	vst v16;
	v36 =	vadd.s32 v3, v26;
	v14 =	vld.idx.msk [tilespmem:v14+s26+$0x0], $0xffff  }
0x34b: {  	v18 =	vld.idx.msk [tilespmem:v20+s26+$0x0], $0xffff;
	[tilespmem:s17+$0x60] =	vst v23  }
0x34c: {  	v11 =	vld.idx.msk [tilespmem:v11+s26+$0x0], $0xffff;
	[tilespmem:s25+$0x20] =	vst v22  }
0x34d: {  	v37 =	vadd.s32 v4, v10;
	v22 =	vld.idx.msk [tilespmem:v34+s26+$0x0], $0xffff;
	[tilespmem:s18+$0xFFFFFFE0] =	vst v21  }
0x34e: {  	v38 =	vadd.s32 v4, v13;
	v23 =	vld.idx.msk [tilespmem:v35+s26+$0x0], $0xffff;
	[tilespmem:s20+$0x20] =	vst v24  }
0x34f: {  	v39 =	vadd.s32 v4, v12;
	[tilespmem:s15+$0x30] =	vst v14;
	v14 =	vld.idx.msk [tilespmem:v36+s26+$0x0], $0xffff  }
0x350: {  	v40 =	vadd.s32 v4, v26;
	[tilespmem:s5+$0xFFFFFFF0] =	vst v18  }
0x351: {  	v19 =	vld.idx.msk [tilespmem:v19+s26+$0x0], $0xffff;
	[tilespmem:s17+$0x70] =	vst v11  }
0x352: {  	v41 =	vadd.s32 v5, v9;
	v20 =	vld.idx.msk [tilespmem:v37+s26+$0x0], $0xffff;
	[tilespmem:s25+$0x30] =	vst v22  }
0x353: {  	v42 =	vadd.s32 v5, v10;
	v21 =	vld.idx.msk [tilespmem:v38+s26+$0x0], $0xffff;
	[tilespmem:s18+$0xFFFFFFF0] =	vst v23  }
0x354: {  	v43 =	vadd.s32 v5, v13;
	v11 =	vld.idx.msk [tilespmem:v39+s26+$0x0], $0xffff;
	[tilespmem:s20+$0x30] =	vst v14  }
0x355: {  	v44 =	vadd.s32 v5, v12;
	[tilespmem:s1+$0x0] =	vst v15;
	v45 =	vld.idx.msk [tilespmem:v40+s26+$0x0], $0xffff  }
0x356: {  	v47 =	vadd.s32 v5, v26;
	v46 =	vld.idx.msk [tilespmem:v17+s26+$0x0], $0xffff;
	[tilespmem:s6+$0x40] =	vst v19  }
0x357: {  	v48 =	vadd.s32 v6, v8;
	v18 =	vld.idx.msk [tilespmem:v41+s26+$0x0], $0xffff;
	[tilespmem:s5+$0x0] =	vst v20  }
0x358: {  	v49 =	vadd.s32 v6, v9;
	v22 =	vld.idx.msk [tilespmem:v42+s26+$0x0], $0xffff;
	[tilespmem:s25+$0x40] =	vst v21  }
0x359: {  	v50 =	vadd.s32 v6, v10;
	v23 =	vld.idx.msk [tilespmem:v43+s26+$0x0], $0xffff;
	[tilespmem:s18+$0x0] =	vst v11  }
0x35a: {  	v51 =	vadd.s32 v6, v13;
	v14 =	vld.idx.msk [tilespmem:v44+s26+$0x0], $0xffff;
	[tilespmem:s20+$0x40] =	vst v45  }
0x35b: {  	v52 =	vadd.s32 v6, v12;
	[tilespmem:s1+$0x10] =	vst v46;
	v53 =	vld.idx.msk [tilespmem:v47+s26+$0x0], $0xffff  }
0x35c: {  	v55 =	vadd.s32 v6, v26;
	v54 =	vld.idx.msk [tilespmem:v48+s26+$0x0], $0xffff;
	[tilespmem:s6+$0x50] =	vst v18  }
0x35d: {  	v8 =	vadd.s32 v7, v8;
	v56 =	vld.idx.msk [tilespmem:v49+s26+$0x0], $0xffff;
	[tilespmem:s5+$0x10] =	vst v22  }
0x35e: {  	v57 =	vadd.s32 v7, v9;
	v58 =	vld.idx.msk [tilespmem:v50+s26+$0x0], $0xffff;
	[tilespmem:s25+$0x50] =	vst v23  }
0x35f: {  	v59 =	vadd.s32 v7, v10;
	v11 =	vld.idx.msk [tilespmem:v51+s26+$0x0], $0xffff;
	[tilespmem:s18+$0x10] =	vst v14  }
0x360: {  	v60 =	vadd.s32 v7, v13;
	v14 =	vld.idx.msk [tilespmem:v52+s26+$0x0], $0xffff;
	[tilespmem:s20+$0x50] =	vst v53  }
0x361: {  	v61 =	vadd.s32 v7, v12;
	[tilespmem:s1+$0x20] =	vst v54;
	v62 =	vld.idx.msk [tilespmem:v55+s26+$0x0], $0xffff  }
0x362: {  	v63 =	vadd.s32 v7, v26;
	v8 =	vld.idx.msk [tilespmem:v8+s26+$0x0], $0xffff;
	[tilespmem:s6+$0x60] =	vst v56  }
0x363: {  	v9 =	vld.idx.msk [tilespmem:v57+s26+$0x0], $0xffff;
	[tilespmem:s5+$0x20] =	vst v58  }
0x364: {  	v10 =	vld.idx.msk [tilespmem:v59+s26+$0x0], $0xffff;
	[tilespmem:s25+$0x60] =	vst v11  }
0x365: {  	v11 =	vld.idx.msk [tilespmem:v60+s26+$0x0], $0xffff;
	[tilespmem:s18+$0x20] =	vst v14  }
0x366: {  	v12 =	vld.idx.msk [tilespmem:v61+s26+$0x0], $0xffff;
	[tilespmem:s20+$0x60] =	vst v62  }
0x367: {  	[tilespmem:s1+$0x30] =	vst v8;
	v8 =	vld.idx.msk [tilespmem:v63+s26+$0x0], $0xffff  }
0x368: {  	[tilespmem:s6+$0x70] =	vst v9  }
0x369: {  	s0 =	sshll.u32 s0, $0x12;
	[tilespmem:s5+$0x30] =	vst v10  }
0x36a: {  	s0 =	sor.u32 s7, s0;
	[tilespmem:s25+$0x70] =	vst v11  }
0x36b: {  	s0 =	sshrl.u32 s0, $0x3;
	[tilespmem:s18+$0x30] =	vst v12  }
0x36c: {  	s23 =	simm.s32 $0x15A00;
	s21 =	sadd.s32 s2, s0;
	[tilespmem:s20+$0x70] =	vst v8  }
0x36d: {  	[hbm4b:s21+s3] =	stream.linear.scatter [tilespmem:s23], [sflag:$0x6], $0x400, $0x38;
	[tilespmem:$0x17A00] =	vst v63  }
0x36e: {  	s24 =	sadd.s32 s0, s8;
	s25 =	simm.s32 $0x15E00  }
0x36f: {  	[hbm4b:s24+s3] =	stream.linear.scatter [tilespmem:s25], [sflag:$0x6], $0x400, $0x38;
	[tilespmem:$0x17A00] =	vst v63  }
0x370: {  	s15 =	simm.s32 $0x16200;
	s6 =	sadd.s32 s0, s9  }
0x371: {  	[hbm4b:s6+s3] =	stream.linear.scatter [tilespmem:s15], [sflag:$0x6], $0x400, $0x38;
	[tilespmem:$0x17A00] =	vst v63  }
0x372: {  	s16 =	sadd.s32 s0, s10;
	s17 =	simm.s32 $0x16600  }
0x373: {  	[hbm4b:s16+s3] =	stream.linear.scatter [tilespmem:s17], [sflag:$0x6], $0x400, $0x38;
	[tilespmem:$0x17A00] =	vst v63  }
0x374: {  	s31 =	sadd.s32 $0x1, s31;
	s19 =	simm.s32 $0x16A00;
	s18 =	sadd.s32 s0, s11  }
0x375: {  	[hbm4b:s18+s3] =	stream.linear.scatter [tilespmem:s19], [sflag:$0x6], $0x400, $0x38;
	[tilespmem:$0x17A00] =	vst v63  }
0x376: {  	p0 =	sne.s32 s31, $0x32;
	s20 =	sadd.s32 s0, s12;
	s21 =	simm.s32 $0x16E00  }
0x377: {  	[hbm4b:s20+s3] =	stream.linear.scatter [tilespmem:s21], [sflag:$0x6], $0x400, $0x38;
	[tilespmem:$0x17A00] =	vst v63  }
.Ltmp11:
0x378: {  	_ = 	snop;
	(pc) =	sbr.rel @p0 .LBB2_2-.Ltmp11, $4  }
0x379: {  	s23 =	sadd.s32 s0, s13;
	s24 =	simm.s32 $0x17200  }
0x37a: {  	[hbm4b:s23+s3] =	stream.linear.scatter [tilespmem:s24], [sflag:$0x6], $0x400, $0x38;
	[tilespmem:$0x17A00] =	vst v63  }
0x37b: {  	s0 =	sadd.s32 s0, s14;
	s25 =	simm.s32 $0x17600  }
0x37c: {  	[hbm4b:s0+s3] =	stream.linear.scatter [tilespmem:s25], [sflag:$0x6], $0x400, $0x38;
	[tilespmem:$0x17A00] =	vst v63  }
0x37d: {  	_ =	swait.ge [sflag:s29], $0x400  }
0x37e: {  	[sflag:s29] =	ssyncset.done $0x0  }
0x37f: {  	[sflag:s29] =	ssyncadd.s32 $0xFFFFFC00  }
0x380: {  	_ =	swait.ge [sflag:s29], $0x400  }
0x381: {  	[sflag:s29] =	ssyncset.done $0x0  }
0x382: {  	[sflag:s29] =	ssyncadd.s32 $0xFFFFFC00  }
0x383: {  	_ =	swait.ge [sflag:s29], $0x400  }
0x384: {  	[sflag:s29] =	ssyncset.done $0x0  }
0x385: {  	[sflag:s29] =	ssyncadd.s32 $0xFFFFFC00  }
0x386: {  	_ =	swait.ge [sflag:s29], $0x400  }
0x387: {  	[sflag:s29] =	ssyncset.done $0x0  }
0x388: {  	[sflag:s29] =	ssyncadd.s32 $0xFFFFFC00  }
0x389: {  	_ =	swait.ge [sflag:s29], $0x400  }
0x38a: {  	[sflag:s29] =	ssyncset.done $0x0  }
0x38b: {  	[sflag:s29] =	ssyncadd.s32 $0xFFFFFC00  }
0x38c: {  	_ =	swait.ge [sflag:s29], $0x400  }
0x38d: {  	[sflag:s29] =	ssyncset.done $0x0  }
0x38e: {  	[sflag:s29] =	ssyncadd.s32 $0xFFFFFC00  }
0x38f: {  	_ =	swait.ge [sflag:s29], $0x400  }
0x390: {  	[sflag:s29] =	ssyncset.done $0x0  }
0x391: {  	[sflag:s29] =	ssyncadd.s32 $0xFFFFFC00  }
0x392: {  	_ =	swait.ge [sflag:s29], $0x400  }
0x393: {  	[sflag:s29] =	ssyncset.done $0x0  }
0x394: {  	[sflag:s29] =	ssyncadd.s32 $0xFFFFFC00  }
0x395: {  	_ =	swait.ge [sflag:s22], $0x400  }
0x396: {  	[sflag:s22] =	ssyncset.done $0x0  }
0x397: {  	[sflag:s22] =	ssyncadd.s32 $0xFFFFFC00  }
0x398: {  	_ =	swait.ge [sflag:s22], $0x400  }
0x399: {  	[sflag:s22] =	ssyncset.done $0x0  }
0x39a: {  	[sflag:s22] =	ssyncadd.s32 $0xFFFFFC00  }
0x39b: {  	_ =	swait.ge [sflag:s22], $0x400  }
0x39c: {  	[sflag:s22] =	ssyncset.done $0x0  }
0x39d: {  	[sflag:s22] =	ssyncadd.s32 $0xFFFFFC00  }
0x39e: {  	_ =	swait.ge [sflag:s22], $0x400  }
0x39f: {  	[sflag:s22] =	ssyncset.done $0x0  }
0x3a0: {  	[sflag:s22] =	ssyncadd.s32 $0xFFFFFC00  }
0x3a1: {  	_ =	swait.ge [sflag:s22], $0x400  }
0x3a2: {  	[sflag:s22] =	ssyncset.done $0x0  }
0x3a3: {  	[sflag:s22] =	ssyncadd.s32 $0xFFFFFC00  }
0x3a4: {  	_ =	swait.ge [sflag:s22], $0x400  }
0x3a5: {  	[sflag:s22] =	ssyncset.done $0x0  }
0x3a6: {  	[sflag:s22] =	ssyncadd.s32 $0xFFFFFC00  }
0x3a7: {  	_ =	swait.ge [sflag:s22], $0x400  }
0x3a8: {  	[sflag:s22] =	ssyncset.done $0x0  }
0x3a9: {  	[sflag:s22] =	ssyncadd.s32 $0xFFFFFC00  }
0x3aa: {  	_ =	swait.ge [sflag:s22], $0x400  }
0x3ab: {  	s1 =	rddreg [dreg:$0x6]  }
0x3ac: {  	s0 =	rddreg [dreg:$0x5];
	s1 =	sadd.s32 $0x1, s1  }
0x3ad: {  	p0 =	sne.s32 s1, s0  }
.Ltmp12:
0x3ae: {  	_ = 	snop;
	(pc) =	sbr.rel @p0 .LBB2_1-.Ltmp12, $3  }
0x3af: {  	_ =	sdelay $0x1  }
0x3b0: {  	[sflag:s22] =	ssyncset.done $0x0  }
0x3b1: {  	[sflag:s22] =	ssyncadd.s32 $0xFFFFFC00  }
0x3b2: {  	_ =	sfence.sel $0x180000  }
0x3b3: {  	[bflag:$0x0] =	sbarrier.arrive $0xFFFF  }
0x3b4: {  	_ =	strace $0x90000047  }
0x3b5: {  	s0 =	stileid.u32;
	[bflag:$0x2] =	sbarrier.arrive $0xFFFF  }
0x3b6: {  	p0 =	sne.s32 s0, $0x0;
	s0 =	rddreg [dreg:$0x2]  }
0x3b7: {  	s0 =	sadd.s32 @!p0 $0x100000, s0  }
0x3b8: {  	[sflag:s0] =	ssyncadd.tile.s32 @!p0 $0x1;
	_ =	shalt  }
.Lfunc_end2:
_tile_overlayer_lowered:
.L_overlay_start_2:
0x3b9: {  	(tag) =	ssettag $0x2  }
0x3ba: {  	s0 =	rddreg [dreg:$0x0];
	s2 =	stileid.u32  }
0x3bb: {  	s1 =	rddreg [dreg:$0x1];
	p0 =	sne.s32 s2, $0x0  }
0x3bc: {  	s3 =	rddreg [dreg:$0x2];
	[bflag:$0x3] =	sbarrier.arrive $0xFFFF;
	s2 =	simm.s32 @!p0 $0x1C07  }
0x3bd: {  	[timem:s3], [sflag:s2] =	dma.local @!p0 [hbm:s0], s1  }
0x3be: {  	s0 =	simm.s32 @!p0 $0x7  }
0x3bf: {  	_ =	swait.ge @!p0 [sflag:s0], s1  }
0x3c0: {  	s1 =	ssub.s32 @!p0 $0x0, s1;
	[sflag:s0] =	ssyncset.done @!p0 $0x0  }
0x3c1: {  	[sflag:s0] =	ssyncadd.s32 @!p0 s1  }
0x3c2: {  	[bflag:$0x3] =	sbarrier.arrive $0xFFFF  }
0x3c3: {  	_ =	shalt  }

</sc_bundles>
